<compile_context>
chip_gen: v7x
topology: tpu7x:2x2x1
jax: 0.10.2.dev20260603
libtpu: 0.0.44.dev20260713+nightly
codegen_flags: <defaults>
</compile_context>

<pallas_src>
import functools

import jax
import jax.numpy as jnp
from jax import lax
from jax.experimental import pallas as pl
from jax.experimental.pallas import tpu as pltpu
from jax.experimental.pallas import tpu_sc as plsc

N_NODES = 10000
N_GRAPHS = 64
D = 128
DQ = 32

NC, NS = 2, 16
CHUNK = 128
N_CHUNKS = 160
NBUF = 4
E_PAD = NS * N_CHUNKS * CHUNK
N_PAD = 10240
ROWS_PER_TILE = N_PAD // NS
DST_PAD = N_NODES + 16

BLK = 2000



def _agg_body(table, srcs, dsts, zeros, out, idx_s, idx_d, rows, acc,
              s0, s1, s2, s3):
    gsems = (s0, s1, s2, s3)
    cid = lax.axis_index("c")
    sid = lax.axis_index("s")
    pltpu.sync_copy(srcs.at[sid], idx_s)
    pltpu.sync_copy(dsts.at[sid], idx_d)
    r0 = sid * ROWS_PER_TILE
    for q in range(2):
        pltpu.sync_copy(zeros.at[pl.ds(r0, ROWS_PER_TILE)],
                        acc.at[q, pl.ds(r0, ROWS_PER_TILE)])
    plsc.subcore_barrier()
    qs = [table.at[2 * cid], table.at[2 * cid + 1]]
    accq = [acc.at[0], acc.at[1]]
    for b in range(NBUF):
        for q in range(2):
            pltpu.async_copy(qs[q].at[idx_s.at[b]], rows.at[b, q], gsems[b])

    def group(g, carry):
        j0 = g * NBUF
        for b in range(NBUF):
            j = j0 + b
            for q in range(2):
                pltpu.make_async_copy(qs[q].at[idx_s.at[j]], rows.at[b, q],
                                      gsems[b]).wait()
            for q in range(2):
                pltpu.sync_copy(rows.at[b, q], accq[q].at[idx_d.at[j]],
                                add=True)
            nxt = j + NBUF

            @pl.when(nxt < N_CHUNKS)
            def _():
                for q in range(2):
                    pltpu.async_copy(qs[q].at[idx_s.at[nxt]], rows.at[b, q],
                                     gsems[b])
        return carry

    lax.fori_loop(0, N_CHUNKS // NBUF, group, 0)
    plsc.subcore_barrier()
    for q in range(2):
        pltpu.sync_copy(acc.at[q, pl.ds(r0, ROWS_PER_TILE)],
                        out.at[2 * cid + q, pl.ds(r0, ROWS_PER_TILE)])


@functools.cache
def _make_agg():
    return pl.kernel(
        _agg_body,
        out_type=jax.ShapeDtypeStruct((4, N_PAD, DQ), jnp.float32),
        mesh=plsc.VectorSubcoreMesh(core_axis_name="c", subcore_axis_name="s"),
        scratch_types=[
            pltpu.VMEM((N_CHUNKS, CHUNK), jnp.int32),
            pltpu.VMEM((N_CHUNKS, CHUNK), jnp.int32),
            pltpu.VMEM((NBUF, 2, CHUNK, DQ), jnp.float32),
            pltpu.VMEM_SHARED((2, N_PAD, DQ), jnp.float32),
            pltpu.SemaphoreType.DMA,
            pltpu.SemaphoreType.DMA,
            pltpu.SemaphoreType.DMA,
            pltpu.SemaphoreType.DMA,
        ],
        compiler_params=pltpu.CompilerParams(use_tc_tiling_on_sc=False),
    )


def _agg(table, srcs, dsts, zeros):
    return _make_agg()(table, srcs, dsts, zeros)



def _split_quarters(mm, o_ref):
    for q in range(4):
        o_ref[q, :, :] = mm[:, DQ * q:DQ * (q + 1)]


def _mm_ones_body(x_ref, w_ref, o_ref):
    xb = x_ref[...]
    x0 = xb[:, :1]
    sq = jnp.sum(xb * xb, axis=1, keepdims=True) - x0 * x0
    ynorm = jnp.clip(jnp.sqrt(jnp.clip(sq, 0.0, None)), 1e-15, None)
    theta = jnp.clip(x0, 1.0 + 1e-7, None)
    ar = jnp.log(theta + jnp.sqrt(jnp.clip(theta * theta - 1.0, 1e-15, None)))
    mm = jnp.dot(xb * (ar / ynorm), w_ref[...],
                 preferred_element_type=jnp.float32)
    col = lax.broadcasted_iota(jnp.int32, mm.shape, 1)
    _split_quarters(jnp.where(col == 0, 1.0, mm), o_ref)


def _mm_ones(xp, wt):
    return pl.pallas_call(
        _mm_ones_body,
        grid=(N_NODES // BLK,),
        in_specs=[pl.BlockSpec((BLK, D), lambda i: (i, 0)),
                  pl.BlockSpec((D, D), lambda i: (0, 0))],
        out_specs=pl.BlockSpec((4, BLK, DQ), lambda i: (0, i, 0)),
        out_shape=jax.ShapeDtypeStruct((4, N_NODES, DQ), jnp.float32),
    )(xp, wt)


def _z_from_sum(p_ref):
    s = jnp.concatenate([p_ref[0], p_ref[1], p_ref[2], p_ref[3]], axis=1)
    cnt = jnp.clip(s[:, :1], 1.0, None)
    return jax.nn.relu(s / cnt)


def _mid_body(p_ref, w_ref, o_ref):
    z = _z_from_sum(p_ref)
    mm = jnp.dot(z, w_ref[...], preferred_element_type=jnp.float32)
    col = lax.broadcasted_iota(jnp.int32, mm.shape, 1)
    _split_quarters(jnp.where(col == 0, 1.0, mm), o_ref)


def _mid(p, wt):
    return pl.pallas_call(
        _mid_body,
        grid=(N_NODES // BLK,),
        in_specs=[pl.BlockSpec((4, BLK, DQ), lambda i: (0, i, 0)),
                  pl.BlockSpec((D, D), lambda i: (0, 0))],
        out_specs=pl.BlockSpec((4, BLK, DQ), lambda i: (0, i, 0)),
        out_shape=jax.ShapeDtypeStruct((4, N_NODES, DQ), jnp.float32),
    )(p, wt)


def _head_body(p_ref, b_ref, w_ref, bias_ref, o_ref, accp, accc):
    i = pl.program_id(0)

    @pl.when(i == 0)
    def _():
        accp[...] = jnp.zeros_like(accp)
        accc[...] = jnp.zeros_like(accc)

    z = _z_from_sum(p_ref)
    b = b_ref[0, 0, :]
    onehot = (b[:, None] == lax.broadcasted_iota(jnp.int32, (BLK, N_GRAPHS), 1)
              ).astype(jnp.float32)
    accp[...] += lax.dot_general(onehot, z, (((0,), (0,)), ((), ())),
                                 preferred_element_type=jnp.float32)
    accc[...] += jnp.sum(onehot, axis=0)[:, None]

    @pl.when(i == pl.num_programs(0) - 1)
    def _():
        pooled = accp[...] / jnp.clip(accc[...], 1.0, None)
        o_ref[...] = (jnp.dot(pooled, w_ref[...],
                              preferred_element_type=jnp.float32)
                      + bias_ref[...])


def _head(p, batch3d, wt, bias):
    return pl.pallas_call(
        _head_body,
        grid=(N_NODES // BLK,),
        in_specs=[pl.BlockSpec((4, BLK, DQ), lambda i: (0, i, 0)),
                  pl.BlockSpec((1, 1, BLK), lambda i: (i, 0, 0)),
                  pl.BlockSpec((D, D), lambda i: (0, 0)),
                  pl.BlockSpec((1, D), lambda i: (0, 0))],
        out_specs=pl.BlockSpec((N_GRAPHS, D), lambda i: (0, 0)),
        out_shape=jax.ShapeDtypeStruct((N_GRAPHS, D), jnp.float32),
        scratch_shapes=[pltpu.VMEM((N_GRAPHS, D), jnp.float32),
                        pltpu.VMEM((N_GRAPHS, 1), jnp.float32)],
    )(p, batch3d, wt, bias)



def kernel(x, edge_index, batch, W1, W2, W4, b4):
    f32 = jnp.float32
    w1t = W1.at[:, 0].set(0.0).T
    w2t = W2.at[:, 0].set(0.0).T
    w4t = W4.at[:, 0].set(0.0).T
    bias = b4.reshape(1, D)

    n_e = edge_index.shape[1]
    pad = E_PAD - n_e
    srcs = jnp.concatenate(
        [edge_index[0], jnp.zeros((pad,), jnp.int32)]).reshape(
            NS, N_CHUNKS, CHUNK)
    dsts = jnp.concatenate(
        [edge_index[1], jnp.full((pad,), DST_PAD, jnp.int32)]).reshape(
            NS, N_CHUNKS, CHUNK)
    zeros = jnp.zeros((N_PAD, DQ), f32)
    batch3d = batch.reshape(N_NODES // BLK, 1, BLK)

    xt1 = _mm_ones(x, w1t)
    p1 = _agg(xt1, srcs, dsts, zeros)
    xt2 = _mid(p1, w2t)
    p2 = _agg(xt2, srcs, dsts, zeros)
    return _head(p2, batch3d, w4t, bias)

# --- scband reference (transcript-rebuilt; emitter-appended) ---
"""Pipeline reference for scband-hgcn-pyg-31353261261179 (READ-ONLY COPY).

The authoritative reference and input builder live on the scoring server;
editing this copy changes nothing except your own understanding.
"""

import jax, jax.numpy as jnp
import numpy as np

EPS = 1e-7
MIN_NORM = 1e-15
C = 1.0
N_NODES = 10000
N_EDGES = 320000
D_IN = 128
D_HID = 128
D_OUT = 128
N_GRAPHS = 64


def arcosh(x):
    return jnp.log(x + jnp.sqrt(jnp.clip(x * x - 1.0, 1e-15, None)))


def hyp_proj(x, c):
    K = 1.0 / c
    y = x[:, 1:]
    y_sqnorm = jnp.sum(y * y, axis=1, keepdims=True)
    t = jnp.sqrt(jnp.clip(K + y_sqnorm, EPS, None))
    return jnp.concatenate([t, y], axis=1)


def proj_tan0(u, c):
    return jnp.concatenate([jnp.zeros_like(u[:, :1]), u[:, 1:]], axis=1)


def expmap0(u, c):
    sqrtK = (1.0 / c) ** 0.5
    xs = u[:, 1:]
    x_norm = jnp.clip(jnp.linalg.norm(xs, axis=1, keepdims=True), MIN_NORM, None)
    theta = x_norm / sqrtK
    t = sqrtK * jnp.cosh(theta)
    s = sqrtK * jnp.sinh(theta) * xs / x_norm
    return hyp_proj(jnp.concatenate([t, s], axis=1), c)


def logmap0(x, c):
    sqrtK = (1.0 / c) ** 0.5
    y = x[:, 1:]
    y_norm = jnp.clip(jnp.linalg.norm(y, axis=1, keepdims=True), MIN_NORM, None)
    theta = jnp.clip(x[:, :1] / sqrtK, 1.0 + EPS, None)
    res = sqrtK * arcosh(theta) * y / y_norm
    return jnp.concatenate([jnp.zeros_like(x[:, :1]), res], axis=1)


def mobius_matvec(m, x, c):
    u = logmap0(x, c)
    mu = u @ m.T
    return expmap0(mu, c)


def hgcn_conv(x, edge_index, W, c):
    # HypLinear (no bias): mobius matvec + projection onto hyperboloid
    h = hyp_proj(mobius_matvec(W, x, c), c)
    # HypAgg: mean aggregation in the tangent space at the origin
    xt = logmap0(h, c)
    src = edge_index[0]
    dst = edge_index[1]
    msg = jnp.take(xt, src, axis=0)
    agg = jax.ops.segment_sum(msg, dst, num_segments=N_NODES)
    cnt = jax.ops.segment_sum(jnp.ones((msg.shape[0], 1), xt.dtype), dst, num_segments=N_NODES)
    agg = agg / jnp.clip(cnt, 1.0, None)
    return hyp_proj(expmap0(proj_tan0(agg, c), c), c)


def hyp_act(x, c):
    xt = jax.nn.relu(logmap0(x, c))
    xt = proj_tan0(xt, c)
    return hyp_proj(expmap0(xt, c), c)


def setup_inputs(seed: int = 0):
    key = jax.random.key(seed)
    k1, k2, k3, k4, k5, k6, k7 = jax.random.split(key, 7)
    x = jax.random.normal(k1, (N_NODES, D_IN), dtype=jnp.float32)
    edge_index = jax.random.randint(k2, (2, N_EDGES), 0, N_NODES, dtype=jnp.int32)
    batch = jnp.sort(jax.random.randint(k3, (N_NODES,), 0, N_GRAPHS, dtype=jnp.int32))
    W1 = jax.random.normal(k4, (D_HID, D_IN), dtype=jnp.float32) * 0.1
    W2 = jax.random.normal(k5, (D_HID, D_HID), dtype=jnp.float32) * 0.1
    W4 = jax.random.normal(k6, (D_OUT, D_HID), dtype=jnp.float32) * 0.1
    b4 = jax.random.normal(k7, (D_OUT,), dtype=jnp.float32) * 0.01
    return {"x": x, "edge_index": edge_index, "batch": batch, "W1": W1, "W2": W2, "W4": W4, "b4": b4}


def reference(x, edge_index, batch, W1, W2, W4, b4):
    c = C
    h = hgcn_conv(x, edge_index, W1, c)
    h = hyp_act(h, c)
    h = hgcn_conv(h, edge_index, W2, c)
    h = hyp_act(h, c)
    t = logmap0(h, c)
    t = proj_tan0(t, c)
    pooled = jax.ops.segment_sum(t, batch, num_segments=N_GRAPHS)
    cnt = jax.ops.segment_sum(jnp.ones((t.shape[0], 1), t.dtype), batch, num_segments=N_GRAPHS)
    pooled = pooled / jnp.clip(cnt, 1.0, None)
    # dropout is identity in eval mode
    return pooled @ W4.T + b4

if __name__ == "__main__":
    import jax
    _d = setup_inputs()
    print(jax.jit(kernel)(*tuple(_d.values())))

</pallas_src>

<mosaic_0001>
#map = affine_map<(d0, d1) -> (0, 0, 0)>
#map1 = affine_map<(d0, d1) -> (0, 0)>
module attributes {stable_mosaic.version = 14 : i64} {
  func.func @_agg_body(%arg0: i32, %arg1: i32, %arg2: memref<4x10000x32xf32, #tpu.memory_space<hbm>>, %arg3: memref<16x160x128xi32, #tpu.memory_space<hbm>>, %arg4: memref<16x160x128xi32, #tpu.memory_space<hbm>>, %arg5: memref<10240x32xf32, #tpu.memory_space<hbm>>, %arg6: memref<4x10240x32xf32, #tpu.memory_space<hbm>>, %arg7: memref<160x128xi32, #tpu.memory_space<vmem>>, %arg8: memref<160x128xi32, #tpu.memory_space<vmem>>, %arg9: memref<4x2x128x32xf32, #tpu.memory_space<vmem>>, %arg10: memref<2x10240x32xf32, #tpu.memory_space<vmem_shared>>, %arg11: memref<!tpu.dma_semaphore, #tpu.memory_space<semaphore_mem>>, %arg12: memref<!tpu.dma_semaphore, #tpu.memory_space<semaphore_mem>>, %arg13: memref<!tpu.dma_semaphore, #tpu.memory_space<semaphore_mem>>, %arg14: memref<!tpu.dma_semaphore, #tpu.memory_space<semaphore_mem>>) attributes {dimension_semantics = [#tpu.dimension_semantics<core_parallel>, #tpu.dimension_semantics<subcore_parallel>], iteration_bounds = array<i64: 2, 16>, scalar_prefetch = 0 : i64, scratch_operands = 8 : i64, tpu.core_type = #tpu.core_type<sc_vector_subcore>, window_params = [{transform_indices = #map}, {transform_indices = #map}, {transform_indices = #map}, {transform_indices = #map1}, {transform_indices = #map}]} {
    "tpu.region"() ({
      %run_scoped3A_160 = tpu.sem_alloc : memref<!tpu.dma_semaphore, #tpu.memory_space<semaphore_mem>>
      %dma_start3A_161 = arith.constant 0 : i32
      %dma_start3A_162 = arith.constant 0 : i32
      %dma_start3A_163 = tpu.memref_slice %arg3[%arg1, %dma_start3A_161, %dma_start3A_162] : memref<16x160x128xi32, #tpu.memory_space<hbm>> -> memref<1x160x128xi32, #tpu.memory_space<hbm>>
      %dma_start3A_164 = tpu.memref_squeeze %dma_start3A_163 : memref<1x160x128xi32, #tpu.memory_space<hbm>> -> memref<160x128xi32, #tpu.memory_space<hbm>>
      %dma_start3A_165 = arith.constant 0 : i32
      %dma_start3A_166 = arith.constant 0 : i32
      %dma_start3A_167 = tpu.memref_slice %arg3[%arg1, %dma_start3A_165, %dma_start3A_166] : memref<16x160x128xi32, #tpu.memory_space<hbm>> -> memref<1x160x128xi32, #tpu.memory_space<hbm>>
      %dma_start3A_168 = tpu.memref_squeeze %dma_start3A_167 : memref<1x160x128xi32, #tpu.memory_space<hbm>> -> memref<160x128xi32, #tpu.memory_space<hbm>>
      tpu.enqueue_dma source(%dma_start3A_168 : memref<160x128xi32, #tpu.memory_space<hbm>>) target(%arg7 : memref<160x128xi32, #tpu.memory_space<vmem>>) target_semaphore(%run_scoped3A_160 : memref<!tpu.dma_semaphore, #tpu.memory_space<semaphore_mem>>)
      %dma_wait3A = arith.constant 0 : i32
      %dma_wait3A_169 = arith.constant 0 : i32
      %dma_wait3A_170 = tpu.memref_slice %arg3[%arg1, %dma_wait3A, %dma_wait3A_169] : memref<16x160x128xi32, #tpu.memory_space<hbm>> -> memref<1x160x128xi32, #tpu.memory_space<hbm>>
      %dma_wait3A_171 = tpu.memref_squeeze %dma_wait3A_170 : memref<1x160x128xi32, #tpu.memory_space<hbm>> -> memref<160x128xi32, #tpu.memory_space<hbm>>
      %dma_wait3A_172 = arith.constant 0 : i32
      %dma_wait3A_173 = arith.constant 0 : i32
      %dma_wait3A_174 = tpu.memref_slice %arg3[%arg1, %dma_wait3A_172, %dma_wait3A_173] : memref<16x160x128xi32, #tpu.memory_space<hbm>> -> memref<1x160x128xi32, #tpu.memory_space<hbm>>
      %dma_wait3A_175 = tpu.memref_squeeze %dma_wait3A_174 : memref<1x160x128xi32, #tpu.memory_space<hbm>> -> memref<160x128xi32, #tpu.memory_space<hbm>>
      tpu.wait_dma2 semaphore(%run_scoped3A_160 : memref<!tpu.dma_semaphore, #tpu.memory_space<semaphore_mem>>) src(%dma_wait3A_175 : memref<160x128xi32, #tpu.memory_space<hbm>>) dst(%arg7 : memref<160x128xi32, #tpu.memory_space<vmem>>)
      tpu.yield
    }) : () -> ()
    "tpu.region"() ({
      %run_scoped3A_160 = tpu.sem_alloc : memref<!tpu.dma_semaphore, #tpu.memory_space<semaphore_mem>>
      %dma_start3A_161 = arith.constant 0 : i32
      %dma_start3A_162 = arith.constant 0 : i32
      %dma_start3A_163 = tpu.memref_slice %arg4[%arg1, %dma_start3A_161, %dma_start3A_162] : memref<16x160x128xi32, #tpu.memory_space<hbm>> -> memref<1x160x128xi32, #tpu.memory_space<hbm>>
      %dma_start3A_164 = tpu.memref_squeeze %dma_start3A_163 : memref<1x160x128xi32, #tpu.memory_space<hbm>> -> memref<160x128xi32, #tpu.memory_space<hbm>>
      %dma_start3A_165 = arith.constant 0 : i32
      %dma_start3A_166 = arith.constant 0 : i32
      %dma_start3A_167 = tpu.memref_slice %arg4[%arg1, %dma_start3A_165, %dma_start3A_166] : memref<16x160x128xi32, #tpu.memory_space<hbm>> -> memref<1x160x128xi32, #tpu.memory_space<hbm>>
      %dma_start3A_168 = tpu.memref_squeeze %dma_start3A_167 : memref<1x160x128xi32, #tpu.memory_space<hbm>> -> memref<160x128xi32, #tpu.memory_space<hbm>>
      tpu.enqueue_dma source(%dma_start3A_168 : memref<160x128xi32, #tpu.memory_space<hbm>>) target(%arg8 : memref<160x128xi32, #tpu.memory_space<vmem>>) target_semaphore(%run_scoped3A_160 : memref<!tpu.dma_semaphore, #tpu.memory_space<semaphore_mem>>)
      %dma_wait3A = arith.constant 0 : i32
      %dma_wait3A_169 = arith.constant 0 : i32
      %dma_wait3A_170 = tpu.memref_slice %arg4[%arg1, %dma_wait3A, %dma_wait3A_169] : memref<16x160x128xi32, #tpu.memory_space<hbm>> -> memref<1x160x128xi32, #tpu.memory_space<hbm>>
      %dma_wait3A_171 = tpu.memref_squeeze %dma_wait3A_170 : memref<1x160x128xi32, #tpu.memory_space<hbm>> -> memref<160x128xi32, #tpu.memory_space<hbm>>
      %dma_wait3A_172 = arith.constant 0 : i32
      %dma_wait3A_173 = arith.constant 0 : i32
      %dma_wait3A_174 = tpu.memref_slice %arg4[%arg1, %dma_wait3A_172, %dma_wait3A_173] : memref<16x160x128xi32, #tpu.memory_space<hbm>> -> memref<1x160x128xi32, #tpu.memory_space<hbm>>
      %dma_wait3A_175 = tpu.memref_squeeze %dma_wait3A_174 : memref<1x160x128xi32, #tpu.memory_space<hbm>> -> memref<160x128xi32, #tpu.memory_space<hbm>>
      tpu.wait_dma2 semaphore(%run_scoped3A_160 : memref<!tpu.dma_semaphore, #tpu.memory_space<semaphore_mem>>) src(%dma_wait3A_175 : memref<160x128xi32, #tpu.memory_space<hbm>>) dst(%arg8 : memref<160x128xi32, #tpu.memory_space<vmem>>)
      tpu.yield
    }) : () -> ()
    %mul3A = arith.constant 640 : i32
    %mul3A_0 = arith.muli %arg1, %mul3A : i32
    %run_scoped3A = arith.constant 0 : i32
    "tpu.region"() ({
      %run_scoped3A_160 = tpu.sem_alloc : memref<!tpu.dma_semaphore, #tpu.memory_space<semaphore_mem>>
      %dma_start3A_161 = arith.constant 0 : i32
      %dma_start3A_162 = tpu.memref_slice %arg10[%run_scoped3A, %mul3A_0, %dma_start3A_161] : memref<2x10240x32xf32, #tpu.memory_space<vmem_shared>> -> memref<1x640x32xf32, #tpu.memory_space<vmem_shared>>
      %dma_start3A_163 = tpu.memref_squeeze %dma_start3A_162 : memref<1x640x32xf32, #tpu.memory_space<vmem_shared>> -> memref<640x32xf32, #tpu.memory_space<vmem_shared>>
      %dma_start3A_164 = arith.constant 0 : i32
      %dma_start3A_165 = tpu.memref_slice %arg5[%mul3A_0, %dma_start3A_164] : memref<10240x32xf32, #tpu.memory_space<hbm>> -> memref<640x32xf32, #tpu.memory_space<hbm>>
      tpu.enqueue_dma source(%dma_start3A_165 : memref<640x32xf32, #tpu.memory_space<hbm>>) target(%dma_start3A_163 : memref<640x32xf32, #tpu.memory_space<vmem_shared>>) target_semaphore(%run_scoped3A_160 : memref<!tpu.dma_semaphore, #tpu.memory_space<semaphore_mem>>)
      %dma_wait3A = arith.constant 0 : i32
      %dma_wait3A_166 = tpu.memref_slice %arg10[%run_scoped3A, %mul3A_0, %dma_wait3A] : memref<2x10240x32xf32, #tpu.memory_space<vmem_shared>> -> memref<1x640x32xf32, #tpu.memory_space<vmem_shared>>
      %dma_wait3A_167 = tpu.memref_squeeze %dma_wait3A_166 : memref<1x640x32xf32, #tpu.memory_space<vmem_shared>> -> memref<640x32xf32, #tpu.memory_space<vmem_shared>>
      %dma_wait3A_168 = arith.constant 0 : i32
      %dma_wait3A_169 = tpu.memref_slice %arg5[%mul3A_0, %dma_wait3A_168] : memref<10240x32xf32, #tpu.memory_space<hbm>> -> memref<640x32xf32, #tpu.memory_space<hbm>>
      tpu.wait_dma2 semaphore(%run_scoped3A_160 : memref<!tpu.dma_semaphore, #tpu.memory_space<semaphore_mem>>) src(%dma_wait3A_169 : memref<640x32xf32, #tpu.memory_space<hbm>>) dst(%dma_wait3A_167 : memref<640x32xf32, #tpu.memory_space<vmem_shared>>)
      tpu.yield
    }) : () -> ()
    %run_scoped3A_1 = arith.constant 1 : i32
    "tpu.region"() ({
      %run_scoped3A_160 = tpu.sem_alloc : memref<!tpu.dma_semaphore, #tpu.memory_space<semaphore_mem>>
      %dma_start3A_161 = arith.constant 0 : i32
      %dma_start3A_162 = tpu.memref_slice %arg10[%run_scoped3A_1, %mul3A_0, %dma_start3A_161] : memref<2x10240x32xf32, #tpu.memory_space<vmem_shared>> -> memref<1x640x32xf32, #tpu.memory_space<vmem_shared>>
      %dma_start3A_163 = tpu.memref_squeeze %dma_start3A_162 : memref<1x640x32xf32, #tpu.memory_space<vmem_shared>> -> memref<640x32xf32, #tpu.memory_space<vmem_shared>>
      %dma_start3A_164 = arith.constant 0 : i32
      %dma_start3A_165 = tpu.memref_slice %arg5[%mul3A_0, %dma_start3A_164] : memref<10240x32xf32, #tpu.memory_space<hbm>> -> memref<640x32xf32, #tpu.memory_space<hbm>>
      tpu.enqueue_dma source(%dma_start3A_165 : memref<640x32xf32, #tpu.memory_space<hbm>>) target(%dma_start3A_163 : memref<640x32xf32, #tpu.memory_space<vmem_shared>>) target_semaphore(%run_scoped3A_160 : memref<!tpu.dma_semaphore, #tpu.memory_space<semaphore_mem>>)
      %dma_wait3A = arith.constant 0 : i32
      %dma_wait3A_166 = tpu.memref_slice %arg10[%run_scoped3A_1, %mul3A_0, %dma_wait3A] : memref<2x10240x32xf32, #tpu.memory_space<vmem_shared>> -> memref<1x640x32xf32, #tpu.memory_space<vmem_shared>>
      %dma_wait3A_167 = tpu.memref_squeeze %dma_wait3A_166 : memref<1x640x32xf32, #tpu.memory_space<vmem_shared>> -> memref<640x32xf32, #tpu.memory_space<vmem_shared>>
      %dma_wait3A_168 = arith.constant 0 : i32
      %dma_wait3A_169 = tpu.memref_slice %arg5[%mul3A_0, %dma_wait3A_168] : memref<10240x32xf32, #tpu.memory_space<hbm>> -> memref<640x32xf32, #tpu.memory_space<hbm>>
      tpu.wait_dma2 semaphore(%run_scoped3A_160 : memref<!tpu.dma_semaphore, #tpu.memory_space<semaphore_mem>>) src(%dma_wait3A_169 : memref<640x32xf32, #tpu.memory_space<hbm>>) dst(%dma_wait3A_167 : memref<640x32xf32, #tpu.memory_space<vmem_shared>>)
      tpu.yield
    }) : () -> ()
    %barrier3A = arith.constant 0 : index
    tpu.barrier barrier_id(%barrier3A)
    %mul3A_2 = arith.constant 2 : i32
    %mul3A_3 = arith.muli %mul3A_2, %arg0 : i32
    %mul3A_4 = arith.constant 2 : i32
    %mul3A_5 = arith.muli %mul3A_4, %arg0 : i32
    %add3A = arith.constant 1 : i32
    %add3A_6 = arith.addi %mul3A_5, %add3A : i32
    %dma_start3A = arith.constant 0 : i32
    %dma_start3A_7 = arith.constant 0 : i32
    %dma_start3A_8 = arith.constant 0 : i32
    %dma_start3A_9 = arith.constant 0 : i32
    %dma_start3A_10 = arith.constant 0 : i32
    %dma_start3A_11 = tpu.memref_slice %arg9[%dma_start3A_7, %dma_start3A_8, %dma_start3A_9, %dma_start3A_10] : memref<4x2x128x32xf32, #tpu.memory_space<vmem>> -> memref<1x1x128x32xf32, #tpu.memory_space<vmem>>
    %dma_start3A_12 = tpu.memref_squeeze %dma_start3A_11 : memref<1x1x128x32xf32, #tpu.memory_space<vmem>> -> memref<128x32xf32, #tpu.memory_space<vmem>>
    %dma_start3A_13 = arith.constant 0 : i32
    %dma_start3A_14 = tpu.memref_slice %arg7[%dma_start3A, %dma_start3A_13] : memref<160x128xi32, #tpu.memory_space<vmem>> -> memref<1x128xi32, #tpu.memory_space<vmem>>
    %dma_start3A_15 = tpu.memref_squeeze %dma_start3A_14 : memref<1x128xi32, #tpu.memory_space<vmem>> -> memref<128xi32, #tpu.memory_space<vmem>>
    %dma_start3A_16 = arith.constant 0 : i32
    %dma_start3A_17 = arith.constant 0 : i32
    %dma_start3A_18 = tpu.memref_slice %arg2[%mul3A_3, %dma_start3A_16, %dma_start3A_17] : memref<4x10000x32xf32, #tpu.memory_space<hbm>> -> memref<1x10000x32xf32, #tpu.memory_space<hbm>>
    %dma_start3A_19 = tpu.memref_squeeze %dma_start3A_18 : memref<1x10000x32xf32, #tpu.memory_space<hbm>> -> memref<10000x32xf32, #tpu.memory_space<hbm>>
    %dma_start3A_20 = arith.constant 0 : i32
    %dma_start3A_21 = arith.constant 0 : i32
    %dma_start3A_22 = tpu.memref_slice %dma_start3A_19[%dma_start3A_20, %dma_start3A_21] : memref<10000x32xf32, #tpu.memory_space<hbm>> -> memref<10000x32xf32, #tpu.memory_space<hbm>>
    tpu.enqueue_indirect_dma source(%dma_start3A_22 : memref<10000x32xf32, #tpu.memory_space<hbm>>) target(%dma_start3A_12 : memref<128x32xf32, #tpu.memory_space<vmem>>) offsets(%dma_start3A_15 : memref<128xi32, #tpu.memory_space<vmem>>) semaphore(%arg11 : memref<!tpu.dma_semaphore, #tpu.memory_space<semaphore_mem>>)
    %dma_start3A_23 = arith.constant 0 : i32
    %dma_start3A_24 = arith.constant 0 : i32
    %dma_start3A_25 = arith.constant 1 : i32
    %dma_start3A_26 = arith.constant 0 : i32
    %dma_start3A_27 = arith.constant 0 : i32
    %dma_start3A_28 = tpu.memref_slice %arg9[%dma_start3A_24, %dma_start3A_25, %dma_start3A_26, %dma_start3A_27] : memref<4x2x128x32xf32, #tpu.memory_space<vmem>> -> memref<1x1x128x32xf32, #tpu.memory_space<vmem>>
    %dma_start3A_29 = tpu.memref_squeeze %dma_start3A_28 : memref<1x1x128x32xf32, #tpu.memory_space<vmem>> -> memref<128x32xf32, #tpu.memory_space<vmem>>
    %dma_start3A_30 = arith.constant 0 : i32
    %dma_start3A_31 = tpu.memref_slice %arg7[%dma_start3A_23, %dma_start3A_30] : memref<160x128xi32, #tpu.memory_space<vmem>> -> memref<1x128xi32, #tpu.memory_space<vmem>>
    %dma_start3A_32 = tpu.memref_squeeze %dma_start3A_31 : memref<1x128xi32, #tpu.memory_space<vmem>> -> memref<128xi32, #tpu.memory_space<vmem>>
    %dma_start3A_33 = arith.constant 0 : i32
    %dma_start3A_34 = arith.constant 0 : i32
    %dma_start3A_35 = tpu.memref_slice %arg2[%add3A_6, %dma_start3A_33, %dma_start3A_34] : memref<4x10000x32xf32, #tpu.memory_space<hbm>> -> memref<1x10000x32xf32, #tpu.memory_space<hbm>>
    %dma_start3A_36 = tpu.memref_squeeze %dma_start3A_35 : memref<1x10000x32xf32, #tpu.memory_space<hbm>> -> memref<10000x32xf32, #tpu.memory_space<hbm>>
    %dma_start3A_37 = arith.constant 0 : i32
    %dma_start3A_38 = arith.constant 0 : i32
    %dma_start3A_39 = tpu.memref_slice %dma_start3A_36[%dma_start3A_37, %dma_start3A_38] : memref<10000x32xf32, #tpu.memory_space<hbm>> -> memref<10000x32xf32, #tpu.memory_space<hbm>>
    tpu.enqueue_indirect_dma source(%dma_start3A_39 : memref<10000x32xf32, #tpu.memory_space<hbm>>) target(%dma_start3A_29 : memref<128x32xf32, #tpu.memory_space<vmem>>) offsets(%dma_start3A_32 : memref<128xi32, #tpu.memory_space<vmem>>) semaphore(%arg11 : memref<!tpu.dma_semaphore, #tpu.memory_space<semaphore_mem>>)
    %dma_start3A_40 = arith.constant 1 : i32
    %dma_start3A_41 = arith.constant 1 : i32
    %dma_start3A_42 = arith.constant 0 : i32
    %dma_start3A_43 = arith.constant 0 : i32
    %dma_start3A_44 = arith.constant 0 : i32
    %dma_start3A_45 = tpu.memref_slice %arg9[%dma_start3A_41, %dma_start3A_42, %dma_start3A_43, %dma_start3A_44] : memref<4x2x128x32xf32, #tpu.memory_space<vmem>> -> memref<1x1x128x32xf32, #tpu.memory_space<vmem>>
    %dma_start3A_46 = tpu.memref_squeeze %dma_start3A_45 : memref<1x1x128x32xf32, #tpu.memory_space<vmem>> -> memref<128x32xf32, #tpu.memory_space<vmem>>
    %dma_start3A_47 = arith.constant 0 : i32
    %dma_start3A_48 = tpu.memref_slice %arg7[%dma_start3A_40, %dma_start3A_47] : memref<160x128xi32, #tpu.memory_space<vmem>> -> memref<1x128xi32, #tpu.memory_space<vmem>>
    %dma_start3A_49 = tpu.memref_squeeze %dma_start3A_48 : memref<1x128xi32, #tpu.memory_space<vmem>> -> memref<128xi32, #tpu.memory_space<vmem>>
    %dma_start3A_50 = arith.constant 0 : i32
    %dma_start3A_51 = arith.constant 0 : i32
    %dma_start3A_52 = tpu.memref_slice %arg2[%mul3A_3, %dma_start3A_50, %dma_start3A_51] : memref<4x10000x32xf32, #tpu.memory_space<hbm>> -> memref<1x10000x32xf32, #tpu.memory_space<hbm>>
    %dma_start3A_53 = tpu.memref_squeeze %dma_start3A_52 : memref<1x10000x32xf32, #tpu.memory_space<hbm>> -> memref<10000x32xf32, #tpu.memory_space<hbm>>
    %dma_start3A_54 = arith.constant 0 : i32
    %dma_start3A_55 = arith.constant 0 : i32
    %dma_start3A_56 = tpu.memref_slice %dma_start3A_53[%dma_start3A_54, %dma_start3A_55] : memref<10000x32xf32, #tpu.memory_space<hbm>> -> memref<10000x32xf32, #tpu.memory_space<hbm>>
    tpu.enqueue_indirect_dma source(%dma_start3A_56 : memref<10000x32xf32, #tpu.memory_space<hbm>>) target(%dma_start3A_46 : memref<128x32xf32, #tpu.memory_space<vmem>>) offsets(%dma_start3A_49 : memref<128xi32, #tpu.memory_space<vmem>>) semaphore(%arg12 : memref<!tpu.dma_semaphore, #tpu.memory_space<semaphore_mem>>)
    %dma_start3A_57 = arith.constant 1 : i32
    %dma_start3A_58 = arith.constant 1 : i32
    %dma_start3A_59 = arith.constant 1 : i32
    %dma_start3A_60 = arith.constant 0 : i32
    %dma_start3A_61 = arith.constant 0 : i32
    %dma_start3A_62 = tpu.memref_slice %arg9[%dma_start3A_58, %dma_start3A_59, %dma_start3A_60, %dma_start3A_61] : memref<4x2x128x32xf32, #tpu.memory_space<vmem>> -> memref<1x1x128x32xf32, #tpu.memory_space<vmem>>
    %dma_start3A_63 = tpu.memref_squeeze %dma_start3A_62 : memref<1x1x128x32xf32, #tpu.memory_space<vmem>> -> memref<128x32xf32, #tpu.memory_space<vmem>>
    %dma_start3A_64 = arith.constant 0 : i32
    %dma_start3A_65 = tpu.memref_slice %arg7[%dma_start3A_57, %dma_start3A_64] : memref<160x128xi32, #tpu.memory_space<vmem>> -> memref<1x128xi32, #tpu.memory_space<vmem>>
    %dma_start3A_66 = tpu.memref_squeeze %dma_start3A_65 : memref<1x128xi32, #tpu.memory_space<vmem>> -> memref<128xi32, #tpu.memory_space<vmem>>
    %dma_start3A_67 = arith.constant 0 : i32
    %dma_start3A_68 = arith.constant 0 : i32
    %dma_start3A_69 = tpu.memref_slice %arg2[%add3A_6, %dma_start3A_67, %dma_start3A_68] : memref<4x10000x32xf32, #tpu.memory_space<hbm>> -> memref<1x10000x32xf32, #tpu.memory_space<hbm>>
    %dma_start3A_70 = tpu.memref_squeeze %dma_start3A_69 : memref<1x10000x32xf32, #tpu.memory_space<hbm>> -> memref<10000x32xf32, #tpu.memory_space<hbm>>
    %dma_start3A_71 = arith.constant 0 : i32
    %dma_start3A_72 = arith.constant 0 : i32
    %dma_start3A_73 = tpu.memref_slice %dma_start3A_70[%dma_start3A_71, %dma_start3A_72] : memref<10000x32xf32, #tpu.memory_space<hbm>> -> memref<10000x32xf32, #tpu.memory_space<hbm>>
    tpu.enqueue_indirect_dma source(%dma_start3A_73 : memref<10000x32xf32, #tpu.memory_space<hbm>>) target(%dma_start3A_63 : memref<128x32xf32, #tpu.memory_space<vmem>>) offsets(%dma_start3A_66 : memref<128xi32, #tpu.memory_space<vmem>>) semaphore(%arg12 : memref<!tpu.dma_semaphore, #tpu.memory_space<semaphore_mem>>)
    %dma_start3A_74 = arith.constant 2 : i32
    %dma_start3A_75 = arith.constant 2 : i32
    %dma_start3A_76 = arith.constant 0 : i32
    %dma_start3A_77 = arith.constant 0 : i32
    %dma_start3A_78 = arith.constant 0 : i32
    %dma_start3A_79 = tpu.memref_slice %arg9[%dma_start3A_75, %dma_start3A_76, %dma_start3A_77, %dma_start3A_78] : memref<4x2x128x32xf32, #tpu.memory_space<vmem>> -> memref<1x1x128x32xf32, #tpu.memory_space<vmem>>
    %dma_start3A_80 = tpu.memref_squeeze %dma_start3A_79 : memref<1x1x128x32xf32, #tpu.memory_space<vmem>> -> memref<128x32xf32, #tpu.memory_space<vmem>>
    %dma_start3A_81 = arith.constant 0 : i32
    %dma_start3A_82 = tpu.memref_slice %arg7[%dma_start3A_74, %dma_start3A_81] : memref<160x128xi32, #tpu.memory_space<vmem>> -> memref<1x128xi32, #tpu.memory_space<vmem>>
    %dma_start3A_83 = tpu.memref_squeeze %dma_start3A_82 : memref<1x128xi32, #tpu.memory_space<vmem>> -> memref<128xi32, #tpu.memory_space<vmem>>
    %dma_start3A_84 = arith.constant 0 : i32
    %dma_start3A_85 = arith.constant 0 : i32
    %dma_start3A_86 = tpu.memref_slice %arg2[%mul3A_3, %dma_start3A_84, %dma_start3A_85] : memref<4x10000x32xf32, #tpu.memory_space<hbm>> -> memref<1x10000x32xf32, #tpu.memory_space<hbm>>
    %dma_start3A_87 = tpu.memref_squeeze %dma_start3A_86 : memref<1x10000x32xf32, #tpu.memory_space<hbm>> -> memref<10000x32xf32, #tpu.memory_space<hbm>>
    %dma_start3A_88 = arith.constant 0 : i32
    %dma_start3A_89 = arith.constant 0 : i32
    %dma_start3A_90 = tpu.memref_slice %dma_start3A_87[%dma_start3A_88, %dma_start3A_89] : memref<10000x32xf32, #tpu.memory_space<hbm>> -> memref<10000x32xf32, #tpu.memory_space<hbm>>
    tpu.enqueue_indirect_dma source(%dma_start3A_90 : memref<10000x32xf32, #tpu.memory_space<hbm>>) target(%dma_start3A_80 : memref<128x32xf32, #tpu.memory_space<vmem>>) offsets(%dma_start3A_83 : memref<128xi32, #tpu.memory_space<vmem>>) semaphore(%arg13 : memref<!tpu.dma_semaphore, #tpu.memory_space<semaphore_mem>>)
    %dma_start3A_91 = arith.constant 2 : i32
    %dma_start3A_92 = arith.constant 2 : i32
    %dma_start3A_93 = arith.constant 1 : i32
    %dma_start3A_94 = arith.constant 0 : i32
    %dma_start3A_95 = arith.constant 0 : i32
    %dma_start3A_96 = tpu.memref_slice %arg9[%dma_start3A_92, %dma_start3A_93, %dma_start3A_94, %dma_start3A_95] : memref<4x2x128x32xf32, #tpu.memory_space<vmem>> -> memref<1x1x128x32xf32, #tpu.memory_space<vmem>>
    %dma_start3A_97 = tpu.memref_squeeze %dma_start3A_96 : memref<1x1x128x32xf32, #tpu.memory_space<vmem>> -> memref<128x32xf32, #tpu.memory_space<vmem>>
    %dma_start3A_98 = arith.constant 0 : i32
    %dma_start3A_99 = tpu.memref_slice %arg7[%dma_start3A_91, %dma_start3A_98] : memref<160x128xi32, #tpu.memory_space<vmem>> -> memref<1x128xi32, #tpu.memory_space<vmem>>
    %dma_start3A_100 = tpu.memref_squeeze %dma_start3A_99 : memref<1x128xi32, #tpu.memory_space<vmem>> -> memref<128xi32, #tpu.memory_space<vmem>>
    %dma_start3A_101 = arith.constant 0 : i32
    %dma_start3A_102 = arith.constant 0 : i32
    %dma_start3A_103 = tpu.memref_slice %arg2[%add3A_6, %dma_start3A_101, %dma_start3A_102] : memref<4x10000x32xf32, #tpu.memory_space<hbm>> -> memref<1x10000x32xf32, #tpu.memory_space<hbm>>
    %dma_start3A_104 = tpu.memref_squeeze %dma_start3A_103 : memref<1x10000x32xf32, #tpu.memory_space<hbm>> -> memref<10000x32xf32, #tpu.memory_space<hbm>>
    %dma_start3A_105 = arith.constant 0 : i32
    %dma_start3A_106 = arith.constant 0 : i32
    %dma_start3A_107 = tpu.memref_slice %dma_start3A_104[%dma_start3A_105, %dma_start3A_106] : memref<10000x32xf32, #tpu.memory_space<hbm>> -> memref<10000x32xf32, #tpu.memory_space<hbm>>
    tpu.enqueue_indirect_dma source(%dma_start3A_107 : memref<10000x32xf32, #tpu.memory_space<hbm>>) target(%dma_start3A_97 : memref<128x32xf32, #tpu.memory_space<vmem>>) offsets(%dma_start3A_100 : memref<128xi32, #tpu.memory_space<vmem>>) semaphore(%arg13 : memref<!tpu.dma_semaphore, #tpu.memory_space<semaphore_mem>>)
    %dma_start3A_108 = arith.constant 3 : i32
    %dma_start3A_109 = arith.constant 3 : i32
    %dma_start3A_110 = arith.constant 0 : i32
    %dma_start3A_111 = arith.constant 0 : i32
    %dma_start3A_112 = arith.constant 0 : i32
    %dma_start3A_113 = tpu.memref_slice %arg9[%dma_start3A_109, %dma_start3A_110, %dma_start3A_111, %dma_start3A_112] : memref<4x2x128x32xf32, #tpu.memory_space<vmem>> -> memref<1x1x128x32xf32, #tpu.memory_space<vmem>>
    %dma_start3A_114 = tpu.memref_squeeze %dma_start3A_113 : memref<1x1x128x32xf32, #tpu.memory_space<vmem>> -> memref<128x32xf32, #tpu.memory_space<vmem>>
    %dma_start3A_115 = arith.constant 0 : i32
    %dma_start3A_116 = tpu.memref_slice %arg7[%dma_start3A_108, %dma_start3A_115] : memref<160x128xi32, #tpu.memory_space<vmem>> -> memref<1x128xi32, #tpu.memory_space<vmem>>
    %dma_start3A_117 = tpu.memref_squeeze %dma_start3A_116 : memref<1x128xi32, #tpu.memory_space<vmem>> -> memref<128xi32, #tpu.memory_space<vmem>>
    %dma_start3A_118 = arith.constant 0 : i32
    %dma_start3A_119 = arith.constant 0 : i32
    %dma_start3A_120 = tpu.memref_slice %arg2[%mul3A_3, %dma_start3A_118, %dma_start3A_119] : memref<4x10000x32xf32, #tpu.memory_space<hbm>> -> memref<1x10000x32xf32, #tpu.memory_space<hbm>>
    %dma_start3A_121 = tpu.memref_squeeze %dma_start3A_120 : memref<1x10000x32xf32, #tpu.memory_space<hbm>> -> memref<10000x32xf32, #tpu.memory_space<hbm>>
    %dma_start3A_122 = arith.constant 0 : i32
    %dma_start3A_123 = arith.constant 0 : i32
    %dma_start3A_124 = tpu.memref_slice %dma_start3A_121[%dma_start3A_122, %dma_start3A_123] : memref<10000x32xf32, #tpu.memory_space<hbm>> -> memref<10000x32xf32, #tpu.memory_space<hbm>>
    tpu.enqueue_indirect_dma source(%dma_start3A_124 : memref<10000x32xf32, #tpu.memory_space<hbm>>) target(%dma_start3A_114 : memref<128x32xf32, #tpu.memory_space<vmem>>) offsets(%dma_start3A_117 : memref<128xi32, #tpu.memory_space<vmem>>) semaphore(%arg14 : memref<!tpu.dma_semaphore, #tpu.memory_space<semaphore_mem>>)
    %dma_start3A_125 = arith.constant 3 : i32
    %dma_start3A_126 = arith.constant 3 : i32
    %dma_start3A_127 = arith.constant 1 : i32
    %dma_start3A_128 = arith.constant 0 : i32
    %dma_start3A_129 = arith.constant 0 : i32
    %dma_start3A_130 = tpu.memref_slice %arg9[%dma_start3A_126, %dma_start3A_127, %dma_start3A_128, %dma_start3A_129] : memref<4x2x128x32xf32, #tpu.memory_space<vmem>> -> memref<1x1x128x32xf32, #tpu.memory_space<vmem>>
    %dma_start3A_131 = tpu.memref_squeeze %dma_start3A_130 : memref<1x1x128x32xf32, #tpu.memory_space<vmem>> -> memref<128x32xf32, #tpu.memory_space<vmem>>
    %dma_start3A_132 = arith.constant 0 : i32
    %dma_start3A_133 = tpu.memref_slice %arg7[%dma_start3A_125, %dma_start3A_132] : memref<160x128xi32, #tpu.memory_space<vmem>> -> memref<1x128xi32, #tpu.memory_space<vmem>>
    %dma_start3A_134 = tpu.memref_squeeze %dma_start3A_133 : memref<1x128xi32, #tpu.memory_space<vmem>> -> memref<128xi32, #tpu.memory_space<vmem>>
    %dma_start3A_135 = arith.constant 0 : i32
    %dma_start3A_136 = arith.constant 0 : i32
    %dma_start3A_137 = tpu.memref_slice %arg2[%add3A_6, %dma_start3A_135, %dma_start3A_136] : memref<4x10000x32xf32, #tpu.memory_space<hbm>> -> memref<1x10000x32xf32, #tpu.memory_space<hbm>>
    %dma_start3A_138 = tpu.memref_squeeze %dma_start3A_137 : memref<1x10000x32xf32, #tpu.memory_space<hbm>> -> memref<10000x32xf32, #tpu.memory_space<hbm>>
    %dma_start3A_139 = arith.constant 0 : i32
    %dma_start3A_140 = arith.constant 0 : i32
    %dma_start3A_141 = tpu.memref_slice %dma_start3A_138[%dma_start3A_139, %dma_start3A_140] : memref<10000x32xf32, #tpu.memory_space<hbm>> -> memref<10000x32xf32, #tpu.memory_space<hbm>>
    tpu.enqueue_indirect_dma source(%dma_start3A_141 : memref<10000x32xf32, #tpu.memory_space<hbm>>) target(%dma_start3A_131 : memref<128x32xf32, #tpu.memory_space<vmem>>) offsets(%dma_start3A_134 : memref<128xi32, #tpu.memory_space<vmem>>) semaphore(%arg14 : memref<!tpu.dma_semaphore, #tpu.memory_space<semaphore_mem>>)
    %scan3A = arith.constant 0 : i32
    %scan3A_142 = arith.constant 0 : i32
    %scan3A_143 = arith.constant 1 : i32
    %scan3A_144 = arith.constant 0 : i32
    %scan3A_145 = arith.constant 40 : i32
    %scan3A_146 = arith.addi %scan3A_144, %scan3A_145 : i32
    %scan3A_147 = arith.constant 1 : i32
    scf.for %scan3A_160 = %scan3A_144 to %scan3A_146 step %scan3A_147  : i32 {
      %mul3A_161 = arith.constant 4 : i32
      %mul3A_162 = arith.muli %scan3A_160, %mul3A_161 : i32
      %add3A_163 = arith.constant 0 : i32
      %add3A_164 = arith.addi %mul3A_162, %add3A_163 : i32
      %dma_wait3A = arith.constant 0 : i32
      %dma_wait3A_165 = arith.constant 0 : i32
      %dma_wait3A_166 = arith.constant 0 : i32
      %dma_wait3A_167 = arith.constant 0 : i32
      %dma_wait3A_168 = tpu.memref_slice %arg9[%dma_wait3A, %dma_wait3A_165, %dma_wait3A_166, %dma_wait3A_167] : memref<4x2x128x32xf32, #tpu.memory_space<vmem>> -> memref<1x1x128x32xf32, #tpu.memory_space<vmem>>
      %dma_wait3A_169 = tpu.memref_squeeze %dma_wait3A_168 : memref<1x1x128x32xf32, #tpu.memory_space<vmem>> -> memref<128x32xf32, #tpu.memory_space<vmem>>
      %dma_wait3A_170 = arith.constant 0 : i32
      %dma_wait3A_171 = tpu.memref_slice %arg7[%add3A_164, %dma_wait3A_170] : memref<160x128xi32, #tpu.memory_space<vmem>> -> memref<1x128xi32, #tpu.memory_space<vmem>>
      %dma_wait3A_172 = tpu.memref_squeeze %dma_wait3A_171 : memref<1x128xi32, #tpu.memory_space<vmem>> -> memref<128xi32, #tpu.memory_space<vmem>>
      %dma_wait3A_173 = arith.constant 0 : i32
      %dma_wait3A_174 = arith.constant 0 : i32
      %dma_wait3A_175 = tpu.memref_slice %arg2[%mul3A_3, %dma_wait3A_173, %dma_wait3A_174] : memref<4x10000x32xf32, #tpu.memory_space<hbm>> -> memref<1x10000x32xf32, #tpu.memory_space<hbm>>
      %dma_wait3A_176 = tpu.memref_squeeze %dma_wait3A_175 : memref<1x10000x32xf32, #tpu.memory_space<hbm>> -> memref<10000x32xf32, #tpu.memory_space<hbm>>
      %dma_wait3A_177 = arith.constant 0 : i32
      %dma_wait3A_178 = arith.constant 0 : i32
      %dma_wait3A_179 = tpu.memref_slice %dma_wait3A_176[%dma_wait3A_177, %dma_wait3A_178] : memref<10000x32xf32, #tpu.memory_space<hbm>> -> memref<10000x32xf32, #tpu.memory_space<hbm>>
      tpu.wait_indirect_dma semaphore(%arg11 : memref<!tpu.dma_semaphore, #tpu.memory_space<semaphore_mem>>) src(%dma_wait3A_179 : memref<10000x32xf32, #tpu.memory_space<hbm>>) dst(%dma_wait3A_169 : memref<128x32xf32, #tpu.memory_space<vmem>>)
      %dma_wait3A_180 = arith.constant 0 : i32
      %dma_wait3A_181 = arith.constant 1 : i32
      %dma_wait3A_182 = arith.constant 0 : i32
      %dma_wait3A_183 = arith.constant 0 : i32
      %dma_wait3A_184 = tpu.memref_slice %arg9[%dma_wait3A_180, %dma_wait3A_181, %dma_wait3A_182, %dma_wait3A_183] : memref<4x2x128x32xf32, #tpu.memory_space<vmem>> -> memref<1x1x128x32xf32, #tpu.memory_space<vmem>>
      %dma_wait3A_185 = tpu.memref_squeeze %dma_wait3A_184 : memref<1x1x128x32xf32, #tpu.memory_space<vmem>> -> memref<128x32xf32, #tpu.memory_space<vmem>>
      %dma_wait3A_186 = arith.constant 0 : i32
      %dma_wait3A_187 = tpu.memref_slice %arg7[%add3A_164, %dma_wait3A_186] : memref<160x128xi32, #tpu.memory_space<vmem>> -> memref<1x128xi32, #tpu.memory_space<vmem>>
      %dma_wait3A_188 = tpu.memref_squeeze %dma_wait3A_187 : memref<1x128xi32, #tpu.memory_space<vmem>> -> memref<128xi32, #tpu.memory_space<vmem>>
      %dma_wait3A_189 = arith.constant 0 : i32
      %dma_wait3A_190 = arith.constant 0 : i32
      %dma_wait3A_191 = tpu.memref_slice %arg2[%add3A_6, %dma_wait3A_189, %dma_wait3A_190] : memref<4x10000x32xf32, #tpu.memory_space<hbm>> -> memref<1x10000x32xf32, #tpu.memory_space<hbm>>
      %dma_wait3A_192 = tpu.memref_squeeze %dma_wait3A_191 : memref<1x10000x32xf32, #tpu.memory_space<hbm>> -> memref<10000x32xf32, #tpu.memory_space<hbm>>
      %dma_wait3A_193 = arith.constant 0 : i32
      %dma_wait3A_194 = arith.constant 0 : i32
      %dma_wait3A_195 = tpu.memref_slice %dma_wait3A_192[%dma_wait3A_193, %dma_wait3A_194] : memref<10000x32xf32, #tpu.memory_space<hbm>> -> memref<10000x32xf32, #tpu.memory_space<hbm>>
      tpu.wait_indirect_dma semaphore(%arg11 : memref<!tpu.dma_semaphore, #tpu.memory_space<semaphore_mem>>) src(%dma_wait3A_195 : memref<10000x32xf32, #tpu.memory_space<hbm>>) dst(%dma_wait3A_185 : memref<128x32xf32, #tpu.memory_space<vmem>>)
      %run_scoped3A_196 = arith.constant 0 : i32
      %run_scoped3A_197 = arith.constant 0 : i32
      "tpu.region"() ({
        %run_scoped3A_339 = tpu.sem_alloc : memref<!tpu.dma_semaphore, #tpu.memory_space<semaphore_mem>>
        %dma_start3A_340 = arith.constant 0 : i32
        %dma_start3A_341 = arith.constant 0 : i32
        %dma_start3A_342 = tpu.memref_slice %arg9[%run_scoped3A_196, %run_scoped3A_197, %dma_start3A_340, %dma_start3A_341] : memref<4x2x128x32xf32, #tpu.memory_space<vmem>> -> memref<1x1x128x32xf32, #tpu.memory_space<vmem>>
        %dma_start3A_343 = tpu.memref_squeeze %dma_start3A_342 : memref<1x1x128x32xf32, #tpu.memory_space<vmem>> -> memref<128x32xf32, #tpu.memory_space<vmem>>
        %dma_start3A_344 = arith.constant 0 : i32
        %dma_start3A_345 = tpu.memref_slice %arg8[%add3A_164, %dma_start3A_344] : memref<160x128xi32, #tpu.memory_space<vmem>> -> memref<1x128xi32, #tpu.memory_space<vmem>>
        %dma_start3A_346 = tpu.memref_squeeze %dma_start3A_345 : memref<1x128xi32, #tpu.memory_space<vmem>> -> memref<128xi32, #tpu.memory_space<vmem>>
        %dma_start3A_347 = arith.constant 0 : i32
        %dma_start3A_348 = arith.constant 0 : i32
        %dma_start3A_349 = tpu.memref_slice %arg10[%scan3A_142, %dma_start3A_347, %dma_start3A_348] : memref<2x10240x32xf32, #tpu.memory_space<vmem_shared>> -> memref<1x10240x32xf32, #tpu.memory_space<vmem_shared>>
        %dma_start3A_350 = tpu.memref_squeeze %dma_start3A_349 : memref<1x10240x32xf32, #tpu.memory_space<vmem_shared>> -> memref<10240x32xf32, #tpu.memory_space<vmem_shared>>
        %dma_start3A_351 = arith.constant 0 : i32
        %dma_start3A_352 = arith.constant 0 : i32
        %dma_start3A_353 = tpu.memref_slice %dma_start3A_350[%dma_start3A_351, %dma_start3A_352] : memref<10240x32xf32, #tpu.memory_space<vmem_shared>> -> memref<10240x32xf32, #tpu.memory_space<vmem_shared>>
        tpu.enqueue_indirect_dma source(%dma_start3A_343 : memref<128x32xf32, #tpu.memory_space<vmem>>) target(%dma_start3A_353 : memref<10240x32xf32, #tpu.memory_space<vmem_shared>>) offsets(%dma_start3A_346 : memref<128xi32, #tpu.memory_space<vmem>>) semaphore(%run_scoped3A_339 : memref<!tpu.dma_semaphore, #tpu.memory_space<semaphore_mem>>) {add = true}
        %dma_wait3A_354 = arith.constant 0 : i32
        %dma_wait3A_355 = arith.constant 0 : i32
        %dma_wait3A_356 = tpu.memref_slice %arg9[%run_scoped3A_196, %run_scoped3A_197, %dma_wait3A_354, %dma_wait3A_355] : memref<4x2x128x32xf32, #tpu.memory_space<vmem>> -> memref<1x1x128x32xf32, #tpu.memory_space<vmem>>
        %dma_wait3A_357 = tpu.memref_squeeze %dma_wait3A_356 : memref<1x1x128x32xf32, #tpu.memory_space<vmem>> -> memref<128x32xf32, #tpu.memory_space<vmem>>
        %dma_wait3A_358 = arith.constant 0 : i32
        %dma_wait3A_359 = tpu.memref_slice %arg8[%add3A_164, %dma_wait3A_358] : memref<160x128xi32, #tpu.memory_space<vmem>> -> memref<1x128xi32, #tpu.memory_space<vmem>>
        %dma_wait3A_360 = tpu.memref_squeeze %dma_wait3A_359 : memref<1x128xi32, #tpu.memory_space<vmem>> -> memref<128xi32, #tpu.memory_space<vmem>>
        %dma_wait3A_361 = arith.constant 0 : i32
        %dma_wait3A_362 = arith.constant 0 : i32
        %dma_wait3A_363 = tpu.memref_slice %arg10[%scan3A_142, %dma_wait3A_361, %dma_wait3A_362] : memref<2x10240x32xf32, #tpu.memory_space<vmem_shared>> -> memref<1x10240x32xf32, #tpu.memory_space<vmem_shared>>
        %dma_wait3A_364 = tpu.memref_squeeze %dma_wait3A_363 : memref<1x10240x32xf32, #tpu.memory_space<vmem_shared>> -> memref<10240x32xf32, #tpu.memory_space<vmem_shared>>
        %dma_wait3A_365 = arith.constant 0 : i32
        %dma_wait3A_366 = arith.constant 0 : i32
        %dma_wait3A_367 = tpu.memref_slice %dma_wait3A_364[%dma_wait3A_365, %dma_wait3A_366] : memref<10240x32xf32, #tpu.memory_space<vmem_shared>> -> memref<10240x32xf32, #tpu.memory_space<vmem_shared>>
        tpu.wait_indirect_dma semaphore(%run_scoped3A_339 : memref<!tpu.dma_semaphore, #tpu.memory_space<semaphore_mem>>) src(%dma_wait3A_357 : memref<128x32xf32, #tpu.memory_space<vmem>>) dst(%dma_wait3A_367 : memref<10240x32xf32, #tpu.memory_space<vmem_shared>>)
        tpu.yield
      }) : () -> ()
      %run_scoped3A_198 = arith.constant 0 : i32
      %run_scoped3A_199 = arith.constant 1 : i32
      "tpu.region"() ({
        %run_scoped3A_339 = tpu.sem_alloc : memref<!tpu.dma_semaphore, #tpu.memory_space<semaphore_mem>>
        %dma_start3A_340 = arith.constant 0 : i32
        %dma_start3A_341 = arith.constant 0 : i32
        %dma_start3A_342 = tpu.memref_slice %arg9[%run_scoped3A_198, %run_scoped3A_199, %dma_start3A_340, %dma_start3A_341] : memref<4x2x128x32xf32, #tpu.memory_space<vmem>> -> memref<1x1x128x32xf32, #tpu.memory_space<vmem>>
        %dma_start3A_343 = tpu.memref_squeeze %dma_start3A_342 : memref<1x1x128x32xf32, #tpu.memory_space<vmem>> -> memref<128x32xf32, #tpu.memory_space<vmem>>
        %dma_start3A_344 = arith.constant 0 : i32
        %dma_start3A_345 = tpu.memref_slice %arg8[%add3A_164, %dma_start3A_344] : memref<160x128xi32, #tpu.memory_space<vmem>> -> memref<1x128xi32, #tpu.memory_space<vmem>>
        %dma_start3A_346 = tpu.memref_squeeze %dma_start3A_345 : memref<1x128xi32, #tpu.memory_space<vmem>> -> memref<128xi32, #tpu.memory_space<vmem>>
        %dma_start3A_347 = arith.constant 0 : i32
        %dma_start3A_348 = arith.constant 0 : i32
        %dma_start3A_349 = tpu.memref_slice %arg10[%scan3A_143, %dma_start3A_347, %dma_start3A_348] : memref<2x10240x32xf32, #tpu.memory_space<vmem_shared>> -> memref<1x10240x32xf32, #tpu.memory_space<vmem_shared>>
        %dma_start3A_350 = tpu.memref_squeeze %dma_start3A_349 : memref<1x10240x32xf32, #tpu.memory_space<vmem_shared>> -> memref<10240x32xf32, #tpu.memory_space<vmem_shared>>
        %dma_start3A_351 = arith.constant 0 : i32
        %dma_start3A_352 = arith.constant 0 : i32
        %dma_start3A_353 = tpu.memref_slice %dma_start3A_350[%dma_start3A_351, %dma_start3A_352] : memref<10240x32xf32, #tpu.memory_space<vmem_shared>> -> memref<10240x32xf32, #tpu.memory_space<vmem_shared>>
        tpu.enqueue_indirect_dma source(%dma_start3A_343 : memref<128x32xf32, #tpu.memory_space<vmem>>) target(%dma_start3A_353 : memref<10240x32xf32, #tpu.memory_space<vmem_shared>>) offsets(%dma_start3A_346 : memref<128xi32, #tpu.memory_space<vmem>>) semaphore(%run_scoped3A_339 : memref<!tpu.dma_semaphore, #tpu.memory_space<semaphore_mem>>) {add = true}
        %dma_wait3A_354 = arith.constant 0 : i32
        %dma_wait3A_355 = arith.constant 0 : i32
        %dma_wait3A_356 = tpu.memref_slice %arg9[%run_scoped3A_198, %run_scoped3A_199, %dma_wait3A_354, %dma_wait3A_355] : memref<4x2x128x32xf32, #tpu.memory_space<vmem>> -> memref<1x1x128x32xf32, #tpu.memory_space<vmem>>
        %dma_wait3A_357 = tpu.memref_squeeze %dma_wait3A_356 : memref<1x1x128x32xf32, #tpu.memory_space<vmem>> -> memref<128x32xf32, #tpu.memory_space<vmem>>
        %dma_wait3A_358 = arith.constant 0 : i32
        %dma_wait3A_359 = tpu.memref_slice %arg8[%add3A_164, %dma_wait3A_358] : memref<160x128xi32, #tpu.memory_space<vmem>> -> memref<1x128xi32, #tpu.memory_space<vmem>>
        %dma_wait3A_360 = tpu.memref_squeeze %dma_wait3A_359 : memref<1x128xi32, #tpu.memory_space<vmem>> -> memref<128xi32, #tpu.memory_space<vmem>>
        %dma_wait3A_361 = arith.constant 0 : i32
        %dma_wait3A_362 = arith.constant 0 : i32
        %dma_wait3A_363 = tpu.memref_slice %arg10[%scan3A_143, %dma_wait3A_361, %dma_wait3A_362] : memref<2x10240x32xf32, #tpu.memory_space<vmem_shared>> -> memref<1x10240x32xf32, #tpu.memory_space<vmem_shared>>
        %dma_wait3A_364 = tpu.memref_squeeze %dma_wait3A_363 : memref<1x10240x32xf32, #tpu.memory_space<vmem_shared>> -> memref<10240x32xf32, #tpu.memory_space<vmem_shared>>
        %dma_wait3A_365 = arith.constant 0 : i32
        %dma_wait3A_366 = arith.constant 0 : i32
        %dma_wait3A_367 = tpu.memref_slice %dma_wait3A_364[%dma_wait3A_365, %dma_wait3A_366] : memref<10240x32xf32, #tpu.memory_space<vmem_shared>> -> memref<10240x32xf32, #tpu.memory_space<vmem_shared>>
        tpu.wait_indirect_dma semaphore(%run_scoped3A_339 : memref<!tpu.dma_semaphore, #tpu.memory_space<semaphore_mem>>) src(%dma_wait3A_357 : memref<128x32xf32, #tpu.memory_space<vmem>>) dst(%dma_wait3A_367 : memref<10240x32xf32, #tpu.memory_space<vmem_shared>>)
        tpu.yield
      }) : () -> ()
      %add3A_200 = arith.constant 4 : i32
      %add3A_201 = arith.addi %add3A_164, %add3A_200 : i32
      %lt3A = arith.constant 160 : i32
      %lt3A_202 = arith.cmpi slt, %add3A_201, %lt3A : i32
      %convert_element_type3A = arith.extui %lt3A_202 : i1 to i32
      %cond3A = arith.constant 0 : i32
      %cond3A_203 = arith.cmpi ne, %convert_element_type3A, %cond3A : i32
      scf.if %cond3A_203 {
        %dma_start3A_339 = arith.constant 0 : i32
        %dma_start3A_340 = arith.constant 0 : i32
        %dma_start3A_341 = arith.constant 0 : i32
        %dma_start3A_342 = arith.constant 0 : i32
        %dma_start3A_343 = tpu.memref_slice %arg9[%dma_start3A_339, %dma_start3A_340, %dma_start3A_341, %dma_start3A_342] : memref<4x2x128x32xf32, #tpu.memory_space<vmem>> -> memref<1x1x128x32xf32, #tpu.memory_space<vmem>>
        %dma_start3A_344 = tpu.memref_squeeze %dma_start3A_343 : memref<1x1x128x32xf32, #tpu.memory_space<vmem>> -> memref<128x32xf32, #tpu.memory_space<vmem>>
        %dma_start3A_345 = arith.constant 0 : i32
        %dma_start3A_346 = tpu.memref_slice %arg7[%add3A_201, %dma_start3A_345] : memref<160x128xi32, #tpu.memory_space<vmem>> -> memref<1x128xi32, #tpu.memory_space<vmem>>
        %dma_start3A_347 = tpu.memref_squeeze %dma_start3A_346 : memref<1x128xi32, #tpu.memory_space<vmem>> -> memref<128xi32, #tpu.memory_space<vmem>>
        %dma_start3A_348 = arith.constant 0 : i32
        %dma_start3A_349 = arith.constant 0 : i32
        %dma_start3A_350 = tpu.memref_slice %arg2[%mul3A_3, %dma_start3A_348, %dma_start3A_349] : memref<4x10000x32xf32, #tpu.memory_space<hbm>> -> memref<1x10000x32xf32, #tpu.memory_space<hbm>>
        %dma_start3A_351 = tpu.memref_squeeze %dma_start3A_350 : memref<1x10000x32xf32, #tpu.memory_space<hbm>> -> memref<10000x32xf32, #tpu.memory_space<hbm>>
        %dma_start3A_352 = arith.constant 0 : i32
        %dma_start3A_353 = arith.constant 0 : i32
        %dma_start3A_354 = tpu.memref_slice %dma_start3A_351[%dma_start3A_352, %dma_start3A_353] : memref<10000x32xf32, #tpu.memory_space<hbm>> -> memref<10000x32xf32, #tpu.memory_space<hbm>>
        tpu.enqueue_indirect_dma source(%dma_start3A_354 : memref<10000x32xf32, #tpu.memory_space<hbm>>) target(%dma_start3A_344 : memref<128x32xf32, #tpu.memory_space<vmem>>) offsets(%dma_start3A_347 : memref<128xi32, #tpu.memory_space<vmem>>) semaphore(%arg11 : memref<!tpu.dma_semaphore, #tpu.memory_space<semaphore_mem>>)
        %dma_start3A_355 = arith.constant 0 : i32
        %dma_start3A_356 = arith.constant 1 : i32
        %dma_start3A_357 = arith.constant 0 : i32
        %dma_start3A_358 = arith.constant 0 : i32
        %dma_start3A_359 = tpu.memref_slice %arg9[%dma_start3A_355, %dma_start3A_356, %dma_start3A_357, %dma_start3A_358] : memref<4x2x128x32xf32, #tpu.memory_space<vmem>> -> memref<1x1x128x32xf32, #tpu.memory_space<vmem>>
        %dma_start3A_360 = tpu.memref_squeeze %dma_start3A_359 : memref<1x1x128x32xf32, #tpu.memory_space<vmem>> -> memref<128x32xf32, #tpu.memory_space<vmem>>
        %dma_start3A_361 = arith.constant 0 : i32
        %dma_start3A_362 = tpu.memref_slice %arg7[%add3A_201, %dma_start3A_361] : memref<160x128xi32, #tpu.memory_space<vmem>> -> memref<1x128xi32, #tpu.memory_space<vmem>>
        %dma_start3A_363 = tpu.memref_squeeze %dma_start3A_362 : memref<1x128xi32, #tpu.memory_space<vmem>> -> memref<128xi32, #tpu.memory_space<vmem>>
        %dma_start3A_364 = arith.constant 0 : i32
        %dma_start3A_365 = arith.constant 0 : i32
        %dma_start3A_366 = tpu.memref_slice %arg2[%add3A_6, %dma_start3A_364, %dma_start3A_365] : memref<4x10000x32xf32, #tpu.memory_space<hbm>> -> memref<1x10000x32xf32, #tpu.memory_space<hbm>>
        %dma_start3A_367 = tpu.memref_squeeze %dma_start3A_366 : memref<1x10000x32xf32, #tpu.memory_space<hbm>> -> memref<10000x32xf32, #tpu.memory_space<hbm>>
        %dma_start3A_368 = arith.constant 0 : i32
        %dma_start3A_369 = arith.constant 0 : i32
        %dma_start3A_370 = tpu.memref_slice %dma_start3A_367[%dma_start3A_368, %dma_start3A_369] : memref<10000x32xf32, #tpu.memory_space<hbm>> -> memref<10000x32xf32, #tpu.memory_space<hbm>>
        tpu.enqueue_indirect_dma source(%dma_start3A_370 : memref<10000x32xf32, #tpu.memory_space<hbm>>) target(%dma_start3A_360 : memref<128x32xf32, #tpu.memory_space<vmem>>) offsets(%dma_start3A_363 : memref<128xi32, #tpu.memory_space<vmem>>) semaphore(%arg11 : memref<!tpu.dma_semaphore, #tpu.memory_space<semaphore_mem>>)
      } else {
      }
      %add3A_204 = arith.constant 1 : i32
      %add3A_205 = arith.addi %mul3A_162, %add3A_204 : i32
      %dma_wait3A_206 = arith.constant 1 : i32
      %dma_wait3A_207 = arith.constant 0 : i32
      %dma_wait3A_208 = arith.constant 0 : i32
      %dma_wait3A_209 = arith.constant 0 : i32
      %dma_wait3A_210 = tpu.memref_slice %arg9[%dma_wait3A_206, %dma_wait3A_207, %dma_wait3A_208, %dma_wait3A_209] : memref<4x2x128x32xf32, #tpu.memory_space<vmem>> -> memref<1x1x128x32xf32, #tpu.memory_space<vmem>>
      %dma_wait3A_211 = tpu.memref_squeeze %dma_wait3A_210 : memref<1x1x128x32xf32, #tpu.memory_space<vmem>> -> memref<128x32xf32, #tpu.memory_space<vmem>>
      %dma_wait3A_212 = arith.constant 0 : i32
      %dma_wait3A_213 = tpu.memref_slice %arg7[%add3A_205, %dma_wait3A_212] : memref<160x128xi32, #tpu.memory_space<vmem>> -> memref<1x128xi32, #tpu.memory_space<vmem>>
      %dma_wait3A_214 = tpu.memref_squeeze %dma_wait3A_213 : memref<1x128xi32, #tpu.memory_space<vmem>> -> memref<128xi32, #tpu.memory_space<vmem>>
      %dma_wait3A_215 = arith.constant 0 : i32
      %dma_wait3A_216 = arith.constant 0 : i32
      %dma_wait3A_217 = tpu.memref_slice %arg2[%mul3A_3, %dma_wait3A_215, %dma_wait3A_216] : memref<4x10000x32xf32, #tpu.memory_space<hbm>> -> memref<1x10000x32xf32, #tpu.memory_space<hbm>>
      %dma_wait3A_218 = tpu.memref_squeeze %dma_wait3A_217 : memref<1x10000x32xf32, #tpu.memory_space<hbm>> -> memref<10000x32xf32, #tpu.memory_space<hbm>>
      %dma_wait3A_219 = arith.constant 0 : i32
      %dma_wait3A_220 = arith.constant 0 : i32
      %dma_wait3A_221 = tpu.memref_slice %dma_wait3A_218[%dma_wait3A_219, %dma_wait3A_220] : memref<10000x32xf32, #tpu.memory_space<hbm>> -> memref<10000x32xf32, #tpu.memory_space<hbm>>
      tpu.wait_indirect_dma semaphore(%arg12 : memref<!tpu.dma_semaphore, #tpu.memory_space<semaphore_mem>>) src(%dma_wait3A_221 : memref<10000x32xf32, #tpu.memory_space<hbm>>) dst(%dma_wait3A_211 : memref<128x32xf32, #tpu.memory_space<vmem>>)
      %dma_wait3A_222 = arith.constant 1 : i32
      %dma_wait3A_223 = arith.constant 1 : i32
      %dma_wait3A_224 = arith.constant 0 : i32
      %dma_wait3A_225 = arith.constant 0 : i32
      %dma_wait3A_226 = tpu.memref_slice %arg9[%dma_wait3A_222, %dma_wait3A_223, %dma_wait3A_224, %dma_wait3A_225] : memref<4x2x128x32xf32, #tpu.memory_space<vmem>> -> memref<1x1x128x32xf32, #tpu.memory_space<vmem>>
      %dma_wait3A_227 = tpu.memref_squeeze %dma_wait3A_226 : memref<1x1x128x32xf32, #tpu.memory_space<vmem>> -> memref<128x32xf32, #tpu.memory_space<vmem>>
      %dma_wait3A_228 = arith.constant 0 : i32
      %dma_wait3A_229 = tpu.memref_slice %arg7[%add3A_205, %dma_wait3A_228] : memref<160x128xi32, #tpu.memory_space<vmem>> -> memref<1x128xi32, #tpu.memory_space<vmem>>
      %dma_wait3A_230 = tpu.memref_squeeze %dma_wait3A_229 : memref<1x128xi32, #tpu.memory_space<vmem>> -> memref<128xi32, #tpu.memory_space<vmem>>
      %dma_wait3A_231 = arith.constant 0 : i32
      %dma_wait3A_232 = arith.constant 0 : i32
      %dma_wait3A_233 = tpu.memref_slice %arg2[%add3A_6, %dma_wait3A_231, %dma_wait3A_232] : memref<4x10000x32xf32, #tpu.memory_space<hbm>> -> memref<1x10000x32xf32, #tpu.memory_space<hbm>>
      %dma_wait3A_234 = tpu.memref_squeeze %dma_wait3A_233 : memref<1x10000x32xf32, #tpu.memory_space<hbm>> -> memref<10000x32xf32, #tpu.memory_space<hbm>>
      %dma_wait3A_235 = arith.constant 0 : i32
      %dma_wait3A_236 = arith.constant 0 : i32
      %dma_wait3A_237 = tpu.memref_slice %dma_wait3A_234[%dma_wait3A_235, %dma_wait3A_236] : memref<10000x32xf32, #tpu.memory_space<hbm>> -> memref<10000x32xf32, #tpu.memory_space<hbm>>
      tpu.wait_indirect_dma semaphore(%arg12 : memref<!tpu.dma_semaphore, #tpu.memory_space<semaphore_mem>>) src(%dma_wait3A_237 : memref<10000x32xf32, #tpu.memory_space<hbm>>) dst(%dma_wait3A_227 : memref<128x32xf32, #tpu.memory_space<vmem>>)
      %run_scoped3A_238 = arith.constant 1 : i32
      %run_scoped3A_239 = arith.constant 0 : i32
      "tpu.region"() ({
        %run_scoped3A_339 = tpu.sem_alloc : memref<!tpu.dma_semaphore, #tpu.memory_space<semaphore_mem>>
        %dma_start3A_340 = arith.constant 0 : i32
        %dma_start3A_341 = arith.constant 0 : i32
        %dma_start3A_342 = tpu.memref_slice %arg9[%run_scoped3A_238, %run_scoped3A_239, %dma_start3A_340, %dma_start3A_341] : memref<4x2x128x32xf32, #tpu.memory_space<vmem>> -> memref<1x1x128x32xf32, #tpu.memory_space<vmem>>
        %dma_start3A_343 = tpu.memref_squeeze %dma_start3A_342 : memref<1x1x128x32xf32, #tpu.memory_space<vmem>> -> memref<128x32xf32, #tpu.memory_space<vmem>>
        %dma_start3A_344 = arith.constant 0 : i32
        %dma_start3A_345 = tpu.memref_slice %arg8[%add3A_205, %dma_start3A_344] : memref<160x128xi32, #tpu.memory_space<vmem>> -> memref<1x128xi32, #tpu.memory_space<vmem>>
        %dma_start3A_346 = tpu.memref_squeeze %dma_start3A_345 : memref<1x128xi32, #tpu.memory_space<vmem>> -> memref<128xi32, #tpu.memory_space<vmem>>
        %dma_start3A_347 = arith.constant 0 : i32
        %dma_start3A_348 = arith.constant 0 : i32
        %dma_start3A_349 = tpu.memref_slice %arg10[%scan3A_142, %dma_start3A_347, %dma_start3A_348] : memref<2x10240x32xf32, #tpu.memory_space<vmem_shared>> -> memref<1x10240x32xf32, #tpu.memory_space<vmem_shared>>
        %dma_start3A_350 = tpu.memref_squeeze %dma_start3A_349 : memref<1x10240x32xf32, #tpu.memory_space<vmem_shared>> -> memref<10240x32xf32, #tpu.memory_space<vmem_shared>>
        %dma_start3A_351 = arith.constant 0 : i32
        %dma_start3A_352 = arith.constant 0 : i32
        %dma_start3A_353 = tpu.memref_slice %dma_start3A_350[%dma_start3A_351, %dma_start3A_352] : memref<10240x32xf32, #tpu.memory_space<vmem_shared>> -> memref<10240x32xf32, #tpu.memory_space<vmem_shared>>
        tpu.enqueue_indirect_dma source(%dma_start3A_343 : memref<128x32xf32, #tpu.memory_space<vmem>>) target(%dma_start3A_353 : memref<10240x32xf32, #tpu.memory_space<vmem_shared>>) offsets(%dma_start3A_346 : memref<128xi32, #tpu.memory_space<vmem>>) semaphore(%run_scoped3A_339 : memref<!tpu.dma_semaphore, #tpu.memory_space<semaphore_mem>>) {add = true}
        %dma_wait3A_354 = arith.constant 0 : i32
        %dma_wait3A_355 = arith.constant 0 : i32
        %dma_wait3A_356 = tpu.memref_slice %arg9[%run_scoped3A_238, %run_scoped3A_239, %dma_wait3A_354, %dma_wait3A_355] : memref<4x2x128x32xf32, #tpu.memory_space<vmem>> -> memref<1x1x128x32xf32, #tpu.memory_space<vmem>>
        %dma_wait3A_357 = tpu.memref_squeeze %dma_wait3A_356 : memref<1x1x128x32xf32, #tpu.memory_space<vmem>> -> memref<128x32xf32, #tpu.memory_space<vmem>>
        %dma_wait3A_358 = arith.constant 0 : i32
        %dma_wait3A_359 = tpu.memref_slice %arg8[%add3A_205, %dma_wait3A_358] : memref<160x128xi32, #tpu.memory_space<vmem>> -> memref<1x128xi32, #tpu.memory_space<vmem>>
        %dma_wait3A_360 = tpu.memref_squeeze %dma_wait3A_359 : memref<1x128xi32, #tpu.memory_space<vmem>> -> memref<128xi32, #tpu.memory_space<vmem>>
        %dma_wait3A_361 = arith.constant 0 : i32
        %dma_wait3A_362 = arith.constant 0 : i32
        %dma_wait3A_363 = tpu.memref_slice %arg10[%scan3A_142, %dma_wait3A_361, %dma_wait3A_362] : memref<2x10240x32xf32, #tpu.memory_space<vmem_shared>> -> memref<1x10240x32xf32, #tpu.memory_space<vmem_shared>>
        %dma_wait3A_364 = tpu.memref_squeeze %dma_wait3A_363 : memref<1x10240x32xf32, #tpu.memory_space<vmem_shared>> -> memref<10240x32xf32, #tpu.memory_space<vmem_shared>>
        %dma_wait3A_365 = arith.constant 0 : i32
        %dma_wait3A_366 = arith.constant 0 : i32
        %dma_wait3A_367 = tpu.memref_slice %dma_wait3A_364[%dma_wait3A_365, %dma_wait3A_366] : memref<10240x32xf32, #tpu.memory_space<vmem_shared>> -> memref<10240x32xf32, #tpu.memory_space<vmem_shared>>
        tpu.wait_indirect_dma semaphore(%run_scoped3A_339 : memref<!tpu.dma_semaphore, #tpu.memory_space<semaphore_mem>>) src(%dma_wait3A_357 : memref<128x32xf32, #tpu.memory_space<vmem>>) dst(%dma_wait3A_367 : memref<10240x32xf32, #tpu.memory_space<vmem_shared>>)
        tpu.yield
      }) : () -> ()
      %run_scoped3A_240 = arith.constant 1 : i32
      %run_scoped3A_241 = arith.constant 1 : i32
      "tpu.region"() ({
        %run_scoped3A_339 = tpu.sem_alloc : memref<!tpu.dma_semaphore, #tpu.memory_space<semaphore_mem>>
        %dma_start3A_340 = arith.constant 0 : i32
        %dma_start3A_341 = arith.constant 0 : i32
        %dma_start3A_342 = tpu.memref_slice %arg9[%run_scoped3A_240, %run_scoped3A_241, %dma_start3A_340, %dma_start3A_341] : memref<4x2x128x32xf32, #tpu.memory_space<vmem>> -> memref<1x1x128x32xf32, #tpu.memory_space<vmem>>
        %dma_start3A_343 = tpu.memref_squeeze %dma_start3A_342 : memref<1x1x128x32xf32, #tpu.memory_space<vmem>> -> memref<128x32xf32, #tpu.memory_space<vmem>>
        %dma_start3A_344 = arith.constant 0 : i32
        %dma_start3A_345 = tpu.memref_slice %arg8[%add3A_205, %dma_start3A_344] : memref<160x128xi32, #tpu.memory_space<vmem>> -> memref<1x128xi32, #tpu.memory_space<vmem>>
        %dma_start3A_346 = tpu.memref_squeeze %dma_start3A_345 : memref<1x128xi32, #tpu.memory_space<vmem>> -> memref<128xi32, #tpu.memory_space<vmem>>
        %dma_start3A_347 = arith.constant 0 : i32
        %dma_start3A_348 = arith.constant 0 : i32
        %dma_start3A_349 = tpu.memref_slice %arg10[%scan3A_143, %dma_start3A_347, %dma_start3A_348] : memref<2x10240x32xf32, #tpu.memory_space<vmem_shared>> -> memref<1x10240x32xf32, #tpu.memory_space<vmem_shared>>
        %dma_start3A_350 = tpu.memref_squeeze %dma_start3A_349 : memref<1x10240x32xf32, #tpu.memory_space<vmem_shared>> -> memref<10240x32xf32, #tpu.memory_space<vmem_shared>>
        %dma_start3A_351 = arith.constant 0 : i32
        %dma_start3A_352 = arith.constant 0 : i32
        %dma_start3A_353 = tpu.memref_slice %dma_start3A_350[%dma_start3A_351, %dma_start3A_352] : memref<10240x32xf32, #tpu.memory_space<vmem_shared>> -> memref<10240x32xf32, #tpu.memory_space<vmem_shared>>
        tpu.enqueue_indirect_dma source(%dma_start3A_343 : memref<128x32xf32, #tpu.memory_space<vmem>>) target(%dma_start3A_353 : memref<10240x32xf32, #tpu.memory_space<vmem_shared>>) offsets(%dma_start3A_346 : memref<128xi32, #tpu.memory_space<vmem>>) semaphore(%run_scoped3A_339 : memref<!tpu.dma_semaphore, #tpu.memory_space<semaphore_mem>>) {add = true}
        %dma_wait3A_354 = arith.constant 0 : i32
        %dma_wait3A_355 = arith.constant 0 : i32
        %dma_wait3A_356 = tpu.memref_slice %arg9[%run_scoped3A_240, %run_scoped3A_241, %dma_wait3A_354, %dma_wait3A_355] : memref<4x2x128x32xf32, #tpu.memory_space<vmem>> -> memref<1x1x128x32xf32, #tpu.memory_space<vmem>>
        %dma_wait3A_357 = tpu.memref_squeeze %dma_wait3A_356 : memref<1x1x128x32xf32, #tpu.memory_space<vmem>> -> memref<128x32xf32, #tpu.memory_space<vmem>>
        %dma_wait3A_358 = arith.constant 0 : i32
        %dma_wait3A_359 = tpu.memref_slice %arg8[%add3A_205, %dma_wait3A_358] : memref<160x128xi32, #tpu.memory_space<vmem>> -> memref<1x128xi32, #tpu.memory_space<vmem>>
        %dma_wait3A_360 = tpu.memref_squeeze %dma_wait3A_359 : memref<1x128xi32, #tpu.memory_space<vmem>> -> memref<128xi32, #tpu.memory_space<vmem>>
        %dma_wait3A_361 = arith.constant 0 : i32
        %dma_wait3A_362 = arith.constant 0 : i32
        %dma_wait3A_363 = tpu.memref_slice %arg10[%scan3A_143, %dma_wait3A_361, %dma_wait3A_362] : memref<2x10240x32xf32, #tpu.memory_space<vmem_shared>> -> memref<1x10240x32xf32, #tpu.memory_space<vmem_shared>>
        %dma_wait3A_364 = tpu.memref_squeeze %dma_wait3A_363 : memref<1x10240x32xf32, #tpu.memory_space<vmem_shared>> -> memref<10240x32xf32, #tpu.memory_space<vmem_shared>>
        %dma_wait3A_365 = arith.constant 0 : i32
        %dma_wait3A_366 = arith.constant 0 : i32
        %dma_wait3A_367 = tpu.memref_slice %dma_wait3A_364[%dma_wait3A_365, %dma_wait3A_366] : memref<10240x32xf32, #tpu.memory_space<vmem_shared>> -> memref<10240x32xf32, #tpu.memory_space<vmem_shared>>
        tpu.wait_indirect_dma semaphore(%run_scoped3A_339 : memref<!tpu.dma_semaphore, #tpu.memory_space<semaphore_mem>>) src(%dma_wait3A_357 : memref<128x32xf32, #tpu.memory_space<vmem>>) dst(%dma_wait3A_367 : memref<10240x32xf32, #tpu.memory_space<vmem_shared>>)
        tpu.yield
      }) : () -> ()
      %add3A_242 = arith.constant 4 : i32
      %add3A_243 = arith.addi %add3A_205, %add3A_242 : i32
      %lt3A_244 = arith.constant 160 : i32
      %lt3A_245 = arith.cmpi slt, %add3A_243, %lt3A_244 : i32
      %convert_element_type3A_246 = arith.extui %lt3A_245 : i1 to i32
      %cond3A_247 = arith.constant 0 : i32
      %cond3A_248 = arith.cmpi ne, %convert_element_type3A_246, %cond3A_247 : i32
      scf.if %cond3A_248 {
        %dma_start3A_339 = arith.constant 1 : i32
        %dma_start3A_340 = arith.constant 0 : i32
        %dma_start3A_341 = arith.constant 0 : i32
        %dma_start3A_342 = arith.constant 0 : i32
        %dma_start3A_343 = tpu.memref_slice %arg9[%dma_start3A_339, %dma_start3A_340, %dma_start3A_341, %dma_start3A_342] : memref<4x2x128x32xf32, #tpu.memory_space<vmem>> -> memref<1x1x128x32xf32, #tpu.memory_space<vmem>>
        %dma_start3A_344 = tpu.memref_squeeze %dma_start3A_343 : memref<1x1x128x32xf32, #tpu.memory_space<vmem>> -> memref<128x32xf32, #tpu.memory_space<vmem>>
        %dma_start3A_345 = arith.constant 0 : i32
        %dma_start3A_346 = tpu.memref_slice %arg7[%add3A_243, %dma_start3A_345] : memref<160x128xi32, #tpu.memory_space<vmem>> -> memref<1x128xi32, #tpu.memory_space<vmem>>
        %dma_start3A_347 = tpu.memref_squeeze %dma_start3A_346 : memref<1x128xi32, #tpu.memory_space<vmem>> -> memref<128xi32, #tpu.memory_space<vmem>>
        %dma_start3A_348 = arith.constant 0 : i32
        %dma_start3A_349 = arith.constant 0 : i32
        %dma_start3A_350 = tpu.memref_slice %arg2[%mul3A_3, %dma_start3A_348, %dma_start3A_349] : memref<4x10000x32xf32, #tpu.memory_space<hbm>> -> memref<1x10000x32xf32, #tpu.memory_space<hbm>>
        %dma_start3A_351 = tpu.memref_squeeze %dma_start3A_350 : memref<1x10000x32xf32, #tpu.memory_space<hbm>> -> memref<10000x32xf32, #tpu.memory_space<hbm>>
        %dma_start3A_352 = arith.constant 0 : i32
        %dma_start3A_353 = arith.constant 0 : i32
        %dma_start3A_354 = tpu.memref_slice %dma_start3A_351[%dma_start3A_352, %dma_start3A_353] : memref<10000x32xf32, #tpu.memory_space<hbm>> -> memref<10000x32xf32, #tpu.memory_space<hbm>>
        tpu.enqueue_indirect_dma source(%dma_start3A_354 : memref<10000x32xf32, #tpu.memory_space<hbm>>) target(%dma_start3A_344 : memref<128x32xf32, #tpu.memory_space<vmem>>) offsets(%dma_start3A_347 : memref<128xi32, #tpu.memory_space<vmem>>) semaphore(%arg12 : memref<!tpu.dma_semaphore, #tpu.memory_space<semaphore_mem>>)
        %dma_start3A_355 = arith.constant 1 : i32
        %dma_start3A_356 = arith.constant 1 : i32
        %dma_start3A_357 = arith.constant 0 : i32
        %dma_start3A_358 = arith.constant 0 : i32
        %dma_start3A_359 = tpu.memref_slice %arg9[%dma_start3A_355, %dma_start3A_356, %dma_start3A_357, %dma_start3A_358] : memref<4x2x128x32xf32, #tpu.memory_space<vmem>> -> memref<1x1x128x32xf32, #tpu.memory_space<vmem>>
        %dma_start3A_360 = tpu.memref_squeeze %dma_start3A_359 : memref<1x1x128x32xf32, #tpu.memory_space<vmem>> -> memref<128x32xf32, #tpu.memory_space<vmem>>
        %dma_start3A_361 = arith.constant 0 : i32
        %dma_start3A_362 = tpu.memref_slice %arg7[%add3A_243, %dma_start3A_361] : memref<160x128xi32, #tpu.memory_space<vmem>> -> memref<1x128xi32, #tpu.memory_space<vmem>>
        %dma_start3A_363 = tpu.memref_squeeze %dma_start3A_362 : memref<1x128xi32, #tpu.memory_space<vmem>> -> memref<128xi32, #tpu.memory_space<vmem>>
        %dma_start3A_364 = arith.constant 0 : i32
        %dma_start3A_365 = arith.constant 0 : i32
        %dma_start3A_366 = tpu.memref_slice %arg2[%add3A_6, %dma_start3A_364, %dma_start3A_365] : memref<4x10000x32xf32, #tpu.memory_space<hbm>> -> memref<1x10000x32xf32, #tpu.memory_space<hbm>>
        %dma_start3A_367 = tpu.memref_squeeze %dma_start3A_366 : memref<1x10000x32xf32, #tpu.memory_space<hbm>> -> memref<10000x32xf32, #tpu.memory_space<hbm>>
        %dma_start3A_368 = arith.constant 0 : i32
        %dma_start3A_369 = arith.constant 0 : i32
        %dma_start3A_370 = tpu.memref_slice %dma_start3A_367[%dma_start3A_368, %dma_start3A_369] : memref<10000x32xf32, #tpu.memory_space<hbm>> -> memref<10000x32xf32, #tpu.memory_space<hbm>>
        tpu.enqueue_indirect_dma source(%dma_start3A_370 : memref<10000x32xf32, #tpu.memory_space<hbm>>) target(%dma_start3A_360 : memref<128x32xf32, #tpu.memory_space<vmem>>) offsets(%dma_start3A_363 : memref<128xi32, #tpu.memory_space<vmem>>) semaphore(%arg12 : memref<!tpu.dma_semaphore, #tpu.memory_space<semaphore_mem>>)
      } else {
      }
      %add3A_249 = arith.constant 2 : i32
      %add3A_250 = arith.addi %mul3A_162, %add3A_249 : i32
      %dma_wait3A_251 = arith.constant 2 : i32
      %dma_wait3A_252 = arith.constant 0 : i32
      %dma_wait3A_253 = arith.constant 0 : i32
      %dma_wait3A_254 = arith.constant 0 : i32
      %dma_wait3A_255 = tpu.memref_slice %arg9[%dma_wait3A_251, %dma_wait3A_252, %dma_wait3A_253, %dma_wait3A_254] : memref<4x2x128x32xf32, #tpu.memory_space<vmem>> -> memref<1x1x128x32xf32, #tpu.memory_space<vmem>>
      %dma_wait3A_256 = tpu.memref_squeeze %dma_wait3A_255 : memref<1x1x128x32xf32, #tpu.memory_space<vmem>> -> memref<128x32xf32, #tpu.memory_space<vmem>>
      %dma_wait3A_257 = arith.constant 0 : i32
      %dma_wait3A_258 = tpu.memref_slice %arg7[%add3A_250, %dma_wait3A_257] : memref<160x128xi32, #tpu.memory_space<vmem>> -> memref<1x128xi32, #tpu.memory_space<vmem>>
      %dma_wait3A_259 = tpu.memref_squeeze %dma_wait3A_258 : memref<1x128xi32, #tpu.memory_space<vmem>> -> memref<128xi32, #tpu.memory_space<vmem>>
      %dma_wait3A_260 = arith.constant 0 : i32
      %dma_wait3A_261 = arith.constant 0 : i32
      %dma_wait3A_262 = tpu.memref_slice %arg2[%mul3A_3, %dma_wait3A_260, %dma_wait3A_261] : memref<4x10000x32xf32, #tpu.memory_space<hbm>> -> memref<1x10000x32xf32, #tpu.memory_space<hbm>>
      %dma_wait3A_263 = tpu.memref_squeeze %dma_wait3A_262 : memref<1x10000x32xf32, #tpu.memory_space<hbm>> -> memref<10000x32xf32, #tpu.memory_space<hbm>>
      %dma_wait3A_264 = arith.constant 0 : i32
      %dma_wait3A_265 = arith.constant 0 : i32
      %dma_wait3A_266 = tpu.memref_slice %dma_wait3A_263[%dma_wait3A_264, %dma_wait3A_265] : memref<10000x32xf32, #tpu.memory_space<hbm>> -> memref<10000x32xf32, #tpu.memory_space<hbm>>
      tpu.wait_indirect_dma semaphore(%arg13 : memref<!tpu.dma_semaphore, #tpu.memory_space<semaphore_mem>>) src(%dma_wait3A_266 : memref<10000x32xf32, #tpu.memory_space<hbm>>) dst(%dma_wait3A_256 : memref<128x32xf32, #tpu.memory_space<vmem>>)
      %dma_wait3A_267 = arith.constant 2 : i32
      %dma_wait3A_268 = arith.constant 1 : i32
      %dma_wait3A_269 = arith.constant 0 : i32
      %dma_wait3A_270 = arith.constant 0 : i32
      %dma_wait3A_271 = tpu.memref_slice %arg9[%dma_wait3A_267, %dma_wait3A_268, %dma_wait3A_269, %dma_wait3A_270] : memref<4x2x128x32xf32, #tpu.memory_space<vmem>> -> memref<1x1x128x32xf32, #tpu.memory_space<vmem>>
      %dma_wait3A_272 = tpu.memref_squeeze %dma_wait3A_271 : memref<1x1x128x32xf32, #tpu.memory_space<vmem>> -> memref<128x32xf32, #tpu.memory_space<vmem>>
      %dma_wait3A_273 = arith.constant 0 : i32
      %dma_wait3A_274 = tpu.memref_slice %arg7[%add3A_250, %dma_wait3A_273] : memref<160x128xi32, #tpu.memory_space<vmem>> -> memref<1x128xi32, #tpu.memory_space<vmem>>
      %dma_wait3A_275 = tpu.memref_squeeze %dma_wait3A_274 : memref<1x128xi32, #tpu.memory_space<vmem>> -> memref<128xi32, #tpu.memory_space<vmem>>
      %dma_wait3A_276 = arith.constant 0 : i32
      %dma_wait3A_277 = arith.constant 0 : i32
      %dma_wait3A_278 = tpu.memref_slice %arg2[%add3A_6, %dma_wait3A_276, %dma_wait3A_277] : memref<4x10000x32xf32, #tpu.memory_space<hbm>> -> memref<1x10000x32xf32, #tpu.memory_space<hbm>>
      %dma_wait3A_279 = tpu.memref_squeeze %dma_wait3A_278 : memref<1x10000x32xf32, #tpu.memory_space<hbm>> -> memref<10000x32xf32, #tpu.memory_space<hbm>>
      %dma_wait3A_280 = arith.constant 0 : i32
      %dma_wait3A_281 = arith.constant 0 : i32
      %dma_wait3A_282 = tpu.memref_slice %dma_wait3A_279[%dma_wait3A_280, %dma_wait3A_281] : memref<10000x32xf32, #tpu.memory_space<hbm>> -> memref<10000x32xf32, #tpu.memory_space<hbm>>
      tpu.wait_indirect_dma semaphore(%arg13 : memref<!tpu.dma_semaphore, #tpu.memory_space<semaphore_mem>>) src(%dma_wait3A_282 : memref<10000x32xf32, #tpu.memory_space<hbm>>) dst(%dma_wait3A_272 : memref<128x32xf32, #tpu.memory_space<vmem>>)
      %run_scoped3A_283 = arith.constant 2 : i32
      %run_scoped3A_284 = arith.constant 0 : i32
      "tpu.region"() ({
        %run_scoped3A_339 = tpu.sem_alloc : memref<!tpu.dma_semaphore, #tpu.memory_space<semaphore_mem>>
        %dma_start3A_340 = arith.constant 0 : i32
        %dma_start3A_341 = arith.constant 0 : i32
        %dma_start3A_342 = tpu.memref_slice %arg9[%run_scoped3A_283, %run_scoped3A_284, %dma_start3A_340, %dma_start3A_341] : memref<4x2x128x32xf32, #tpu.memory_space<vmem>> -> memref<1x1x128x32xf32, #tpu.memory_space<vmem>>
        %dma_start3A_343 = tpu.memref_squeeze %dma_start3A_342 : memref<1x1x128x32xf32, #tpu.memory_space<vmem>> -> memref<128x32xf32, #tpu.memory_space<vmem>>
        %dma_start3A_344 = arith.constant 0 : i32
        %dma_start3A_345 = tpu.memref_slice %arg8[%add3A_250, %dma_start3A_344] : memref<160x128xi32, #tpu.memory_space<vmem>> -> memref<1x128xi32, #tpu.memory_space<vmem>>
        %dma_start3A_346 = tpu.memref_squeeze %dma_start3A_345 : memref<1x128xi32, #tpu.memory_space<vmem>> -> memref<128xi32, #tpu.memory_space<vmem>>
        %dma_start3A_347 = arith.constant 0 : i32
        %dma_start3A_348 = arith.constant 0 : i32
        %dma_start3A_349 = tpu.memref_slice %arg10[%scan3A_142, %dma_start3A_347, %dma_start3A_348] : memref<2x10240x32xf32, #tpu.memory_space<vmem_shared>> -> memref<1x10240x32xf32, #tpu.memory_space<vmem_shared>>
        %dma_start3A_350 = tpu.memref_squeeze %dma_start3A_349 : memref<1x10240x32xf32, #tpu.memory_space<vmem_shared>> -> memref<10240x32xf32, #tpu.memory_space<vmem_shared>>
        %dma_start3A_351 = arith.constant 0 : i32
        %dma_start3A_352 = arith.constant 0 : i32
        %dma_start3A_353 = tpu.memref_slice %dma_start3A_350[%dma_start3A_351, %dma_start3A_352] : memref<10240x32xf32, #tpu.memory_space<vmem_shared>> -> memref<10240x32xf32, #tpu.memory_space<vmem_shared>>
        tpu.enqueue_indirect_dma source(%dma_start3A_343 : memref<128x32xf32, #tpu.memory_space<vmem>>) target(%dma_start3A_353 : memref<10240x32xf32, #tpu.memory_space<vmem_shared>>) offsets(%dma_start3A_346 : memref<128xi32, #tpu.memory_space<vmem>>) semaphore(%run_scoped3A_339 : memref<!tpu.dma_semaphore, #tpu.memory_space<semaphore_mem>>) {add = true}
        %dma_wait3A_354 = arith.constant 0 : i32
        %dma_wait3A_355 = arith.constant 0 : i32
        %dma_wait3A_356 = tpu.memref_slice %arg9[%run_scoped3A_283, %run_scoped3A_284, %dma_wait3A_354, %dma_wait3A_355] : memref<4x2x128x32xf32, #tpu.memory_space<vmem>> -> memref<1x1x128x32xf32, #tpu.memory_space<vmem>>
        %dma_wait3A_357 = tpu.memref_squeeze %dma_wait3A_356 : memref<1x1x128x32xf32, #tpu.memory_space<vmem>> -> memref<128x32xf32, #tpu.memory_space<vmem>>
        %dma_wait3A_358 = arith.constant 0 : i32
        %dma_wait3A_359 = tpu.memref_slice %arg8[%add3A_250, %dma_wait3A_358] : memref<160x128xi32, #tpu.memory_space<vmem>> -> memref<1x128xi32, #tpu.memory_space<vmem>>
        %dma_wait3A_360 = tpu.memref_squeeze %dma_wait3A_359 : memref<1x128xi32, #tpu.memory_space<vmem>> -> memref<128xi32, #tpu.memory_space<vmem>>
        %dma_wait3A_361 = arith.constant 0 : i32
        %dma_wait3A_362 = arith.constant 0 : i32
        %dma_wait3A_363 = tpu.memref_slice %arg10[%scan3A_142, %dma_wait3A_361, %dma_wait3A_362] : memref<2x10240x32xf32, #tpu.memory_space<vmem_shared>> -> memref<1x10240x32xf32, #tpu.memory_space<vmem_shared>>
        %dma_wait3A_364 = tpu.memref_squeeze %dma_wait3A_363 : memref<1x10240x32xf32, #tpu.memory_space<vmem_shared>> -> memref<10240x32xf32, #tpu.memory_space<vmem_shared>>
        %dma_wait3A_365 = arith.constant 0 : i32
        %dma_wait3A_366 = arith.constant 0 : i32
        %dma_wait3A_367 = tpu.memref_slice %dma_wait3A_364[%dma_wait3A_365, %dma_wait3A_366] : memref<10240x32xf32, #tpu.memory_space<vmem_shared>> -> memref<10240x32xf32, #tpu.memory_space<vmem_shared>>
        tpu.wait_indirect_dma semaphore(%run_scoped3A_339 : memref<!tpu.dma_semaphore, #tpu.memory_space<semaphore_mem>>) src(%dma_wait3A_357 : memref<128x32xf32, #tpu.memory_space<vmem>>) dst(%dma_wait3A_367 : memref<10240x32xf32, #tpu.memory_space<vmem_shared>>)
        tpu.yield
      }) : () -> ()
      %run_scoped3A_285 = arith.constant 2 : i32
      %run_scoped3A_286 = arith.constant 1 : i32
      "tpu.region"() ({
        %run_scoped3A_339 = tpu.sem_alloc : memref<!tpu.dma_semaphore, #tpu.memory_space<semaphore_mem>>
        %dma_start3A_340 = arith.constant 0 : i32
        %dma_start3A_341 = arith.constant 0 : i32
        %dma_start3A_342 = tpu.memref_slice %arg9[%run_scoped3A_285, %run_scoped3A_286, %dma_start3A_340, %dma_start3A_341] : memref<4x2x128x32xf32, #tpu.memory_space<vmem>> -> memref<1x1x128x32xf32, #tpu.memory_space<vmem>>
        %dma_start3A_343 = tpu.memref_squeeze %dma_start3A_342 : memref<1x1x128x32xf32, #tpu.memory_space<vmem>> -> memref<128x32xf32, #tpu.memory_space<vmem>>
        %dma_start3A_344 = arith.constant 0 : i32
        %dma_start3A_345 = tpu.memref_slice %arg8[%add3A_250, %dma_start3A_344] : memref<160x128xi32, #tpu.memory_space<vmem>> -> memref<1x128xi32, #tpu.memory_space<vmem>>
        %dma_start3A_346 = tpu.memref_squeeze %dma_start3A_345 : memref<1x128xi32, #tpu.memory_space<vmem>> -> memref<128xi32, #tpu.memory_space<vmem>>
        %dma_start3A_347 = arith.constant 0 : i32
        %dma_start3A_348 = arith.constant 0 : i32
        %dma_start3A_349 = tpu.memref_slice %arg10[%scan3A_143, %dma_start3A_347, %dma_start3A_348] : memref<2x10240x32xf32, #tpu.memory_space<vmem_shared>> -> memref<1x10240x32xf32, #tpu.memory_space<vmem_shared>>
        %dma_start3A_350 = tpu.memref_squeeze %dma_start3A_349 : memref<1x10240x32xf32, #tpu.memory_space<vmem_shared>> -> memref<10240x32xf32, #tpu.memory_space<vmem_shared>>
        %dma_start3A_351 = arith.constant 0 : i32
        %dma_start3A_352 = arith.constant 0 : i32
        %dma_start3A_353 = tpu.memref_slice %dma_start3A_350[%dma_start3A_351, %dma_start3A_352] : memref<10240x32xf32, #tpu.memory_space<vmem_shared>> -> memref<10240x32xf32, #tpu.memory_space<vmem_shared>>
        tpu.enqueue_indirect_dma source(%dma_start3A_343 : memref<128x32xf32, #tpu.memory_space<vmem>>) target(%dma_start3A_353 : memref<10240x32xf32, #tpu.memory_space<vmem_shared>>) offsets(%dma_start3A_346 : memref<128xi32, #tpu.memory_space<vmem>>) semaphore(%run_scoped3A_339 : memref<!tpu.dma_semaphore, #tpu.memory_space<semaphore_mem>>) {add = true}
        %dma_wait3A_354 = arith.constant 0 : i32
        %dma_wait3A_355 = arith.constant 0 : i32
        %dma_wait3A_356 = tpu.memref_slice %arg9[%run_scoped3A_285, %run_scoped3A_286, %dma_wait3A_354, %dma_wait3A_355] : memref<4x2x128x32xf32, #tpu.memory_space<vmem>> -> memref<1x1x128x32xf32, #tpu.memory_space<vmem>>
        %dma_wait3A_357 = tpu.memref_squeeze %dma_wait3A_356 : memref<1x1x128x32xf32, #tpu.memory_space<vmem>> -> memref<128x32xf32, #tpu.memory_space<vmem>>
        %dma_wait3A_358 = arith.constant 0 : i32
        %dma_wait3A_359 = tpu.memref_slice %arg8[%add3A_250, %dma_wait3A_358] : memref<160x128xi32, #tpu.memory_space<vmem>> -> memref<1x128xi32, #tpu.memory_space<vmem>>
        %dma_wait3A_360 = tpu.memref_squeeze %dma_wait3A_359 : memref<1x128xi32, #tpu.memory_space<vmem>> -> memref<128xi32, #tpu.memory_space<vmem>>
        %dma_wait3A_361 = arith.constant 0 : i32
        %dma_wait3A_362 = arith.constant 0 : i32
        %dma_wait3A_363 = tpu.memref_slice %arg10[%scan3A_143, %dma_wait3A_361, %dma_wait3A_362] : memref<2x10240x32xf32, #tpu.memory_space<vmem_shared>> -> memref<1x10240x32xf32, #tpu.memory_space<vmem_shared>>
        %dma_wait3A_364 = tpu.memref_squeeze %dma_wait3A_363 : memref<1x10240x32xf32, #tpu.memory_space<vmem_shared>> -> memref<10240x32xf32, #tpu.memory_space<vmem_shared>>
        %dma_wait3A_365 = arith.constant 0 : i32
        %dma_wait3A_366 = arith.constant 0 : i32
        %dma_wait3A_367 = tpu.memref_slice %dma_wait3A_364[%dma_wait3A_365, %dma_wait3A_366] : memref<10240x32xf32, #tpu.memory_space<vmem_shared>> -> memref<10240x32xf32, #tpu.memory_space<vmem_shared>>
        tpu.wait_indirect_dma semaphore(%run_scoped3A_339 : memref<!tpu.dma_semaphore, #tpu.memory_space<semaphore_mem>>) src(%dma_wait3A_357 : memref<128x32xf32, #tpu.memory_space<vmem>>) dst(%dma_wait3A_367 : memref<10240x32xf32, #tpu.memory_space<vmem_shared>>)
        tpu.yield
      }) : () -> ()
      %add3A_287 = arith.constant 4 : i32
      %add3A_288 = arith.addi %add3A_250, %add3A_287 : i32
      %lt3A_289 = arith.constant 160 : i32
      %lt3A_290 = arith.cmpi slt, %add3A_288, %lt3A_289 : i32
      %convert_element_type3A_291 = arith.extui %lt3A_290 : i1 to i32
      %cond3A_292 = arith.constant 0 : i32
      %cond3A_293 = arith.cmpi ne, %convert_element_type3A_291, %cond3A_292 : i32
      scf.if %cond3A_293 {
        %dma_start3A_339 = arith.constant 2 : i32
        %dma_start3A_340 = arith.constant 0 : i32
        %dma_start3A_341 = arith.constant 0 : i32
        %dma_start3A_342 = arith.constant 0 : i32
        %dma_start3A_343 = tpu.memref_slice %arg9[%dma_start3A_339, %dma_start3A_340, %dma_start3A_341, %dma_start3A_342] : memref<4x2x128x32xf32, #tpu.memory_space<vmem>> -> memref<1x1x128x32xf32, #tpu.memory_space<vmem>>
        %dma_start3A_344 = tpu.memref_squeeze %dma_start3A_343 : memref<1x1x128x32xf32, #tpu.memory_space<vmem>> -> memref<128x32xf32, #tpu.memory_space<vmem>>
        %dma_start3A_345 = arith.constant 0 : i32
        %dma_start3A_346 = tpu.memref_slice %arg7[%add3A_288, %dma_start3A_345] : memref<160x128xi32, #tpu.memory_space<vmem>> -> memref<1x128xi32, #tpu.memory_space<vmem>>
        %dma_start3A_347 = tpu.memref_squeeze %dma_start3A_346 : memref<1x128xi32, #tpu.memory_space<vmem>> -> memref<128xi32, #tpu.memory_space<vmem>>
        %dma_start3A_348 = arith.constant 0 : i32
        %dma_start3A_349 = arith.constant 0 : i32
        %dma_start3A_350 = tpu.memref_slice %arg2[%mul3A_3, %dma_start3A_348, %dma_start3A_349] : memref<4x10000x32xf32, #tpu.memory_space<hbm>> -> memref<1x10000x32xf32, #tpu.memory_space<hbm>>
        %dma_start3A_351 = tpu.memref_squeeze %dma_start3A_350 : memref<1x10000x32xf32, #tpu.memory_space<hbm>> -> memref<10000x32xf32, #tpu.memory_space<hbm>>
        %dma_start3A_352 = arith.constant 0 : i32
        %dma_start3A_353 = arith.constant 0 : i32
        %dma_start3A_354 = tpu.memref_slice %dma_start3A_351[%dma_start3A_352, %dma_start3A_353] : memref<10000x32xf32, #tpu.memory_space<hbm>> -> memref<10000x32xf32, #tpu.memory_space<hbm>>
        tpu.enqueue_indirect_dma source(%dma_start3A_354 : memref<10000x32xf32, #tpu.memory_space<hbm>>) target(%dma_start3A_344 : memref<128x32xf32, #tpu.memory_space<vmem>>) offsets(%dma_start3A_347 : memref<128xi32, #tpu.memory_space<vmem>>) semaphore(%arg13 : memref<!tpu.dma_semaphore, #tpu.memory_space<semaphore_mem>>)
        %dma_start3A_355 = arith.constant 2 : i32
        %dma_start3A_356 = arith.constant 1 : i32
        %dma_start3A_357 = arith.constant 0 : i32
        %dma_start3A_358 = arith.constant 0 : i32
        %dma_start3A_359 = tpu.memref_slice %arg9[%dma_start3A_355, %dma_start3A_356, %dma_start3A_357, %dma_start3A_358] : memref<4x2x128x32xf32, #tpu.memory_space<vmem>> -> memref<1x1x128x32xf32, #tpu.memory_space<vmem>>
        %dma_start3A_360 = tpu.memref_squeeze %dma_start3A_359 : memref<1x1x128x32xf32, #tpu.memory_space<vmem>> -> memref<128x32xf32, #tpu.memory_space<vmem>>
        %dma_start3A_361 = arith.constant 0 : i32
        %dma_start3A_362 = tpu.memref_slice %arg7[%add3A_288, %dma_start3A_361] : memref<160x128xi32, #tpu.memory_space<vmem>> -> memref<1x128xi32, #tpu.memory_space<vmem>>
        %dma_start3A_363 = tpu.memref_squeeze %dma_start3A_362 : memref<1x128xi32, #tpu.memory_space<vmem>> -> memref<128xi32, #tpu.memory_space<vmem>>
        %dma_start3A_364 = arith.constant 0 : i32
        %dma_start3A_365 = arith.constant 0 : i32
        %dma_start3A_366 = tpu.memref_slice %arg2[%add3A_6, %dma_start3A_364, %dma_start3A_365] : memref<4x10000x32xf32, #tpu.memory_space<hbm>> -> memref<1x10000x32xf32, #tpu.memory_space<hbm>>
        %dma_start3A_367 = tpu.memref_squeeze %dma_start3A_366 : memref<1x10000x32xf32, #tpu.memory_space<hbm>> -> memref<10000x32xf32, #tpu.memory_space<hbm>>
        %dma_start3A_368 = arith.constant 0 : i32
        %dma_start3A_369 = arith.constant 0 : i32
        %dma_start3A_370 = tpu.memref_slice %dma_start3A_367[%dma_start3A_368, %dma_start3A_369] : memref<10000x32xf32, #tpu.memory_space<hbm>> -> memref<10000x32xf32, #tpu.memory_space<hbm>>
        tpu.enqueue_indirect_dma source(%dma_start3A_370 : memref<10000x32xf32, #tpu.memory_space<hbm>>) target(%dma_start3A_360 : memref<128x32xf32, #tpu.memory_space<vmem>>) offsets(%dma_start3A_363 : memref<128xi32, #tpu.memory_space<vmem>>) semaphore(%arg13 : memref<!tpu.dma_semaphore, #tpu.memory_space<semaphore_mem>>)
      } else {
      }
      %add3A_294 = arith.constant 3 : i32
      %add3A_295 = arith.addi %mul3A_162, %add3A_294 : i32
      %dma_wait3A_296 = arith.constant 3 : i32
      %dma_wait3A_297 = arith.constant 0 : i32
      %dma_wait3A_298 = arith.constant 0 : i32
      %dma_wait3A_299 = arith.constant 0 : i32
      %dma_wait3A_300 = tpu.memref_slice %arg9[%dma_wait3A_296, %dma_wait3A_297, %dma_wait3A_298, %dma_wait3A_299] : memref<4x2x128x32xf32, #tpu.memory_space<vmem>> -> memref<1x1x128x32xf32, #tpu.memory_space<vmem>>
      %dma_wait3A_301 = tpu.memref_squeeze %dma_wait3A_300 : memref<1x1x128x32xf32, #tpu.memory_space<vmem>> -> memref<128x32xf32, #tpu.memory_space<vmem>>
      %dma_wait3A_302 = arith.constant 0 : i32
      %dma_wait3A_303 = tpu.memref_slice %arg7[%add3A_295, %dma_wait3A_302] : memref<160x128xi32, #tpu.memory_space<vmem>> -> memref<1x128xi32, #tpu.memory_space<vmem>>
      %dma_wait3A_304 = tpu.memref_squeeze %dma_wait3A_303 : memref<1x128xi32, #tpu.memory_space<vmem>> -> memref<128xi32, #tpu.memory_space<vmem>>
      %dma_wait3A_305 = arith.constant 0 : i32
      %dma_wait3A_306 = arith.constant 0 : i32
      %dma_wait3A_307 = tpu.memref_slice %arg2[%mul3A_3, %dma_wait3A_305, %dma_wait3A_306] : memref<4x10000x32xf32, #tpu.memory_space<hbm>> -> memref<1x10000x32xf32, #tpu.memory_space<hbm>>
      %dma_wait3A_308 = tpu.memref_squeeze %dma_wait3A_307 : memref<1x10000x32xf32, #tpu.memory_space<hbm>> -> memref<10000x32xf32, #tpu.memory_space<hbm>>
      %dma_wait3A_309 = arith.constant 0 : i32
      %dma_wait3A_310 = arith.constant 0 : i32
      %dma_wait3A_311 = tpu.memref_slice %dma_wait3A_308[%dma_wait3A_309, %dma_wait3A_310] : memref<10000x32xf32, #tpu.memory_space<hbm>> -> memref<10000x32xf32, #tpu.memory_space<hbm>>
      tpu.wait_indirect_dma semaphore(%arg14 : memref<!tpu.dma_semaphore, #tpu.memory_space<semaphore_mem>>) src(%dma_wait3A_311 : memref<10000x32xf32, #tpu.memory_space<hbm>>) dst(%dma_wait3A_301 : memref<128x32xf32, #tpu.memory_space<vmem>>)
      %dma_wait3A_312 = arith.constant 3 : i32
      %dma_wait3A_313 = arith.constant 1 : i32
      %dma_wait3A_314 = arith.constant 0 : i32
      %dma_wait3A_315 = arith.constant 0 : i32
      %dma_wait3A_316 = tpu.memref_slice %arg9[%dma_wait3A_312, %dma_wait3A_313, %dma_wait3A_314, %dma_wait3A_315] : memref<4x2x128x32xf32, #tpu.memory_space<vmem>> -> memref<1x1x128x32xf32, #tpu.memory_space<vmem>>
      %dma_wait3A_317 = tpu.memref_squeeze %dma_wait3A_316 : memref<1x1x128x32xf32, #tpu.memory_space<vmem>> -> memref<128x32xf32, #tpu.memory_space<vmem>>
      %dma_wait3A_318 = arith.constant 0 : i32
      %dma_wait3A_319 = tpu.memref_slice %arg7[%add3A_295, %dma_wait3A_318] : memref<160x128xi32, #tpu.memory_space<vmem>> -> memref<1x128xi32, #tpu.memory_space<vmem>>
      %dma_wait3A_320 = tpu.memref_squeeze %dma_wait3A_319 : memref<1x128xi32, #tpu.memory_space<vmem>> -> memref<128xi32, #tpu.memory_space<vmem>>
      %dma_wait3A_321 = arith.constant 0 : i32
      %dma_wait3A_322 = arith.constant 0 : i32
      %dma_wait3A_323 = tpu.memref_slice %arg2[%add3A_6, %dma_wait3A_321, %dma_wait3A_322] : memref<4x10000x32xf32, #tpu.memory_space<hbm>> -> memref<1x10000x32xf32, #tpu.memory_space<hbm>>
      %dma_wait3A_324 = tpu.memref_squeeze %dma_wait3A_323 : memref<1x10000x32xf32, #tpu.memory_space<hbm>> -> memref<10000x32xf32, #tpu.memory_space<hbm>>
      %dma_wait3A_325 = arith.constant 0 : i32
      %dma_wait3A_326 = arith.constant 0 : i32
      %dma_wait3A_327 = tpu.memref_slice %dma_wait3A_324[%dma_wait3A_325, %dma_wait3A_326] : memref<10000x32xf32, #tpu.memory_space<hbm>> -> memref<10000x32xf32, #tpu.memory_space<hbm>>
      tpu.wait_indirect_dma semaphore(%arg14 : memref<!tpu.dma_semaphore, #tpu.memory_space<semaphore_mem>>) src(%dma_wait3A_327 : memref<10000x32xf32, #tpu.memory_space<hbm>>) dst(%dma_wait3A_317 : memref<128x32xf32, #tpu.memory_space<vmem>>)
      %run_scoped3A_328 = arith.constant 3 : i32
      %run_scoped3A_329 = arith.constant 0 : i32
      "tpu.region"() ({
        %run_scoped3A_339 = tpu.sem_alloc : memref<!tpu.dma_semaphore, #tpu.memory_space<semaphore_mem>>
        %dma_start3A_340 = arith.constant 0 : i32
        %dma_start3A_341 = arith.constant 0 : i32
        %dma_start3A_342 = tpu.memref_slice %arg9[%run_scoped3A_328, %run_scoped3A_329, %dma_start3A_340, %dma_start3A_341] : memref<4x2x128x32xf32, #tpu.memory_space<vmem>> -> memref<1x1x128x32xf32, #tpu.memory_space<vmem>>
        %dma_start3A_343 = tpu.memref_squeeze %dma_start3A_342 : memref<1x1x128x32xf32, #tpu.memory_space<vmem>> -> memref<128x32xf32, #tpu.memory_space<vmem>>
        %dma_start3A_344 = arith.constant 0 : i32
        %dma_start3A_345 = tpu.memref_slice %arg8[%add3A_295, %dma_start3A_344] : memref<160x128xi32, #tpu.memory_space<vmem>> -> memref<1x128xi32, #tpu.memory_space<vmem>>
        %dma_start3A_346 = tpu.memref_squeeze %dma_start3A_345 : memref<1x128xi32, #tpu.memory_space<vmem>> -> memref<128xi32, #tpu.memory_space<vmem>>
        %dma_start3A_347 = arith.constant 0 : i32
        %dma_start3A_348 = arith.constant 0 : i32
        %dma_start3A_349 = tpu.memref_slice %arg10[%scan3A_142, %dma_start3A_347, %dma_start3A_348] : memref<2x10240x32xf32, #tpu.memory_space<vmem_shared>> -> memref<1x10240x32xf32, #tpu.memory_space<vmem_shared>>
        %dma_start3A_350 = tpu.memref_squeeze %dma_start3A_349 : memref<1x10240x32xf32, #tpu.memory_space<vmem_shared>> -> memref<10240x32xf32, #tpu.memory_space<vmem_shared>>
        %dma_start3A_351 = arith.constant 0 : i32
        %dma_start3A_352 = arith.constant 0 : i32
        %dma_start3A_353 = tpu.memref_slice %dma_start3A_350[%dma_start3A_351, %dma_start3A_352] : memref<10240x32xf32, #tpu.memory_space<vmem_shared>> -> memref<10240x32xf32, #tpu.memory_space<vmem_shared>>
        tpu.enqueue_indirect_dma source(%dma_start3A_343 : memref<128x32xf32, #tpu.memory_space<vmem>>) target(%dma_start3A_353 : memref<10240x32xf32, #tpu.memory_space<vmem_shared>>) offsets(%dma_start3A_346 : memref<128xi32, #tpu.memory_space<vmem>>) semaphore(%run_scoped3A_339 : memref<!tpu.dma_semaphore, #tpu.memory_space<semaphore_mem>>) {add = true}
        %dma_wait3A_354 = arith.constant 0 : i32
        %dma_wait3A_355 = arith.constant 0 : i32
        %dma_wait3A_356 = tpu.memref_slice %arg9[%run_scoped3A_328, %run_scoped3A_329, %dma_wait3A_354, %dma_wait3A_355] : memref<4x2x128x32xf32, #tpu.memory_space<vmem>> -> memref<1x1x128x32xf32, #tpu.memory_space<vmem>>
        %dma_wait3A_357 = tpu.memref_squeeze %dma_wait3A_356 : memref<1x1x128x32xf32, #tpu.memory_space<vmem>> -> memref<128x32xf32, #tpu.memory_space<vmem>>
        %dma_wait3A_358 = arith.constant 0 : i32
        %dma_wait3A_359 = tpu.memref_slice %arg8[%add3A_295, %dma_wait3A_358] : memref<160x128xi32, #tpu.memory_space<vmem>> -> memref<1x128xi32, #tpu.memory_space<vmem>>
        %dma_wait3A_360 = tpu.memref_squeeze %dma_wait3A_359 : memref<1x128xi32, #tpu.memory_space<vmem>> -> memref<128xi32, #tpu.memory_space<vmem>>
        %dma_wait3A_361 = arith.constant 0 : i32
        %dma_wait3A_362 = arith.constant 0 : i32
        %dma_wait3A_363 = tpu.memref_slice %arg10[%scan3A_142, %dma_wait3A_361, %dma_wait3A_362] : memref<2x10240x32xf32, #tpu.memory_space<vmem_shared>> -> memref<1x10240x32xf32, #tpu.memory_space<vmem_shared>>
        %dma_wait3A_364 = tpu.memref_squeeze %dma_wait3A_363 : memref<1x10240x32xf32, #tpu.memory_space<vmem_shared>> -> memref<10240x32xf32, #tpu.memory_space<vmem_shared>>
        %dma_wait3A_365 = arith.constant 0 : i32
        %dma_wait3A_366 = arith.constant 0 : i32
        %dma_wait3A_367 = tpu.memref_slice %dma_wait3A_364[%dma_wait3A_365, %dma_wait3A_366] : memref<10240x32xf32, #tpu.memory_space<vmem_shared>> -> memref<10240x32xf32, #tpu.memory_space<vmem_shared>>
        tpu.wait_indirect_dma semaphore(%run_scoped3A_339 : memref<!tpu.dma_semaphore, #tpu.memory_space<semaphore_mem>>) src(%dma_wait3A_357 : memref<128x32xf32, #tpu.memory_space<vmem>>) dst(%dma_wait3A_367 : memref<10240x32xf32, #tpu.memory_space<vmem_shared>>)
        tpu.yield
      }) : () -> ()
      %run_scoped3A_330 = arith.constant 3 : i32
      %run_scoped3A_331 = arith.constant 1 : i32
      "tpu.region"() ({
        %run_scoped3A_339 = tpu.sem_alloc : memref<!tpu.dma_semaphore, #tpu.memory_space<semaphore_mem>>
        %dma_start3A_340 = arith.constant 0 : i32
        %dma_start3A_341 = arith.constant 0 : i32
        %dma_start3A_342 = tpu.memref_slice %arg9[%run_scoped3A_330, %run_scoped3A_331, %dma_start3A_340, %dma_start3A_341] : memref<4x2x128x32xf32, #tpu.memory_space<vmem>> -> memref<1x1x128x32xf32, #tpu.memory_space<vmem>>
        %dma_start3A_343 = tpu.memref_squeeze %dma_start3A_342 : memref<1x1x128x32xf32, #tpu.memory_space<vmem>> -> memref<128x32xf32, #tpu.memory_space<vmem>>
        %dma_start3A_344 = arith.constant 0 : i32
        %dma_start3A_345 = tpu.memref_slice %arg8[%add3A_295, %dma_start3A_344] : memref<160x128xi32, #tpu.memory_space<vmem>> -> memref<1x128xi32, #tpu.memory_space<vmem>>
        %dma_start3A_346 = tpu.memref_squeeze %dma_start3A_345 : memref<1x128xi32, #tpu.memory_space<vmem>> -> memref<128xi32, #tpu.memory_space<vmem>>
        %dma_start3A_347 = arith.constant 0 : i32
        %dma_start3A_348 = arith.constant 0 : i32
        %dma_start3A_349 = tpu.memref_slice %arg10[%scan3A_143, %dma_start3A_347, %dma_start3A_348] : memref<2x10240x32xf32, #tpu.memory_space<vmem_shared>> -> memref<1x10240x32xf32, #tpu.memory_space<vmem_shared>>
        %dma_start3A_350 = tpu.memref_squeeze %dma_start3A_349 : memref<1x10240x32xf32, #tpu.memory_space<vmem_shared>> -> memref<10240x32xf32, #tpu.memory_space<vmem_shared>>
        %dma_start3A_351 = arith.constant 0 : i32
        %dma_start3A_352 = arith.constant 0 : i32
        %dma_start3A_353 = tpu.memref_slice %dma_start3A_350[%dma_start3A_351, %dma_start3A_352] : memref<10240x32xf32, #tpu.memory_space<vmem_shared>> -> memref<10240x32xf32, #tpu.memory_space<vmem_shared>>
        tpu.enqueue_indirect_dma source(%dma_start3A_343 : memref<128x32xf32, #tpu.memory_space<vmem>>) target(%dma_start3A_353 : memref<10240x32xf32, #tpu.memory_space<vmem_shared>>) offsets(%dma_start3A_346 : memref<128xi32, #tpu.memory_space<vmem>>) semaphore(%run_scoped3A_339 : memref<!tpu.dma_semaphore, #tpu.memory_space<semaphore_mem>>) {add = true}
        %dma_wait3A_354 = arith.constant 0 : i32
        %dma_wait3A_355 = arith.constant 0 : i32
        %dma_wait3A_356 = tpu.memref_slice %arg9[%run_scoped3A_330, %run_scoped3A_331, %dma_wait3A_354, %dma_wait3A_355] : memref<4x2x128x32xf32, #tpu.memory_space<vmem>> -> memref<1x1x128x32xf32, #tpu.memory_space<vmem>>
        %dma_wait3A_357 = tpu.memref_squeeze %dma_wait3A_356 : memref<1x1x128x32xf32, #tpu.memory_space<vmem>> -> memref<128x32xf32, #tpu.memory_space<vmem>>
        %dma_wait3A_358 = arith.constant 0 : i32
        %dma_wait3A_359 = tpu.memref_slice %arg8[%add3A_295, %dma_wait3A_358] : memref<160x128xi32, #tpu.memory_space<vmem>> -> memref<1x128xi32, #tpu.memory_space<vmem>>
        %dma_wait3A_360 = tpu.memref_squeeze %dma_wait3A_359 : memref<1x128xi32, #tpu.memory_space<vmem>> -> memref<128xi32, #tpu.memory_space<vmem>>
        %dma_wait3A_361 = arith.constant 0 : i32
        %dma_wait3A_362 = arith.constant 0 : i32
        %dma_wait3A_363 = tpu.memref_slice %arg10[%scan3A_143, %dma_wait3A_361, %dma_wait3A_362] : memref<2x10240x32xf32, #tpu.memory_space<vmem_shared>> -> memref<1x10240x32xf32, #tpu.memory_space<vmem_shared>>
        %dma_wait3A_364 = tpu.memref_squeeze %dma_wait3A_363 : memref<1x10240x32xf32, #tpu.memory_space<vmem_shared>> -> memref<10240x32xf32, #tpu.memory_space<vmem_shared>>
        %dma_wait3A_365 = arith.constant 0 : i32
        %dma_wait3A_366 = arith.constant 0 : i32
        %dma_wait3A_367 = tpu.memref_slice %dma_wait3A_364[%dma_wait3A_365, %dma_wait3A_366] : memref<10240x32xf32, #tpu.memory_space<vmem_shared>> -> memref<10240x32xf32, #tpu.memory_space<vmem_shared>>
        tpu.wait_indirect_dma semaphore(%run_scoped3A_339 : memref<!tpu.dma_semaphore, #tpu.memory_space<semaphore_mem>>) src(%dma_wait3A_357 : memref<128x32xf32, #tpu.memory_space<vmem>>) dst(%dma_wait3A_367 : memref<10240x32xf32, #tpu.memory_space<vmem_shared>>)
        tpu.yield
      }) : () -> ()
      %add3A_332 = arith.constant 4 : i32
      %add3A_333 = arith.addi %add3A_295, %add3A_332 : i32
      %lt3A_334 = arith.constant 160 : i32
      %lt3A_335 = arith.cmpi slt, %add3A_333, %lt3A_334 : i32
      %convert_element_type3A_336 = arith.extui %lt3A_335 : i1 to i32
      %cond3A_337 = arith.constant 0 : i32
      %cond3A_338 = arith.cmpi ne, %convert_element_type3A_336, %cond3A_337 : i32
      scf.if %cond3A_338 {
        %dma_start3A_339 = arith.constant 3 : i32
        %dma_start3A_340 = arith.constant 0 : i32
        %dma_start3A_341 = arith.constant 0 : i32
        %dma_start3A_342 = arith.constant 0 : i32
        %dma_start3A_343 = tpu.memref_slice %arg9[%dma_start3A_339, %dma_start3A_340, %dma_start3A_341, %dma_start3A_342] : memref<4x2x128x32xf32, #tpu.memory_space<vmem>> -> memref<1x1x128x32xf32, #tpu.memory_space<vmem>>
        %dma_start3A_344 = tpu.memref_squeeze %dma_start3A_343 : memref<1x1x128x32xf32, #tpu.memory_space<vmem>> -> memref<128x32xf32, #tpu.memory_space<vmem>>
        %dma_start3A_345 = arith.constant 0 : i32
        %dma_start3A_346 = tpu.memref_slice %arg7[%add3A_333, %dma_start3A_345] : memref<160x128xi32, #tpu.memory_space<vmem>> -> memref<1x128xi32, #tpu.memory_space<vmem>>
        %dma_start3A_347 = tpu.memref_squeeze %dma_start3A_346 : memref<1x128xi32, #tpu.memory_space<vmem>> -> memref<128xi32, #tpu.memory_space<vmem>>
        %dma_start3A_348 = arith.constant 0 : i32
        %dma_start3A_349 = arith.constant 0 : i32
        %dma_start3A_350 = tpu.memref_slice %arg2[%mul3A_3, %dma_start3A_348, %dma_start3A_349] : memref<4x10000x32xf32, #tpu.memory_space<hbm>> -> memref<1x10000x32xf32, #tpu.memory_space<hbm>>
        %dma_start3A_351 = tpu.memref_squeeze %dma_start3A_350 : memref<1x10000x32xf32, #tpu.memory_space<hbm>> -> memref<10000x32xf32, #tpu.memory_space<hbm>>
        %dma_start3A_352 = arith.constant 0 : i32
        %dma_start3A_353 = arith.constant 0 : i32
        %dma_start3A_354 = tpu.memref_slice %dma_start3A_351[%dma_start3A_352, %dma_start3A_353] : memref<10000x32xf32, #tpu.memory_space<hbm>> -> memref<10000x32xf32, #tpu.memory_space<hbm>>
        tpu.enqueue_indirect_dma source(%dma_start3A_354 : memref<10000x32xf32, #tpu.memory_space<hbm>>) target(%dma_start3A_344 : memref<128x32xf32, #tpu.memory_space<vmem>>) offsets(%dma_start3A_347 : memref<128xi32, #tpu.memory_space<vmem>>) semaphore(%arg14 : memref<!tpu.dma_semaphore, #tpu.memory_space<semaphore_mem>>)
        %dma_start3A_355 = arith.constant 3 : i32
        %dma_start3A_356 = arith.constant 1 : i32
        %dma_start3A_357 = arith.constant 0 : i32
        %dma_start3A_358 = arith.constant 0 : i32
        %dma_start3A_359 = tpu.memref_slice %arg9[%dma_start3A_355, %dma_start3A_356, %dma_start3A_357, %dma_start3A_358] : memref<4x2x128x32xf32, #tpu.memory_space<vmem>> -> memref<1x1x128x32xf32, #tpu.memory_space<vmem>>
        %dma_start3A_360 = tpu.memref_squeeze %dma_start3A_359 : memref<1x1x128x32xf32, #tpu.memory_space<vmem>> -> memref<128x32xf32, #tpu.memory_space<vmem>>
        %dma_start3A_361 = arith.constant 0 : i32
        %dma_start3A_362 = tpu.memref_slice %arg7[%add3A_333, %dma_start3A_361] : memref<160x128xi32, #tpu.memory_space<vmem>> -> memref<1x128xi32, #tpu.memory_space<vmem>>
        %dma_start3A_363 = tpu.memref_squeeze %dma_start3A_362 : memref<1x128xi32, #tpu.memory_space<vmem>> -> memref<128xi32, #tpu.memory_space<vmem>>
        %dma_start3A_364 = arith.constant 0 : i32
        %dma_start3A_365 = arith.constant 0 : i32
        %dma_start3A_366 = tpu.memref_slice %arg2[%add3A_6, %dma_start3A_364, %dma_start3A_365] : memref<4x10000x32xf32, #tpu.memory_space<hbm>> -> memref<1x10000x32xf32, #tpu.memory_space<hbm>>
        %dma_start3A_367 = tpu.memref_squeeze %dma_start3A_366 : memref<1x10000x32xf32, #tpu.memory_space<hbm>> -> memref<10000x32xf32, #tpu.memory_space<hbm>>
        %dma_start3A_368 = arith.constant 0 : i32
        %dma_start3A_369 = arith.constant 0 : i32
        %dma_start3A_370 = tpu.memref_slice %dma_start3A_367[%dma_start3A_368, %dma_start3A_369] : memref<10000x32xf32, #tpu.memory_space<hbm>> -> memref<10000x32xf32, #tpu.memory_space<hbm>>
        tpu.enqueue_indirect_dma source(%dma_start3A_370 : memref<10000x32xf32, #tpu.memory_space<hbm>>) target(%dma_start3A_360 : memref<128x32xf32, #tpu.memory_space<vmem>>) offsets(%dma_start3A_363 : memref<128xi32, #tpu.memory_space<vmem>>) semaphore(%arg14 : memref<!tpu.dma_semaphore, #tpu.memory_space<semaphore_mem>>)
      } else {
      }
    }
    %scan3A_148 = arith.constant 40 : i32
    %barrier3A_149 = arith.constant 0 : index
    tpu.barrier barrier_id(%barrier3A_149)
    %mul3A_150 = arith.constant 2 : i32
    %mul3A_151 = arith.muli %mul3A_150, %arg0 : i32
    %add3A_152 = arith.constant 0 : i32
    %add3A_153 = arith.addi %mul3A_151, %add3A_152 : i32
    %run_scoped3A_154 = arith.constant 0 : i32
    "tpu.region"() ({
      %run_scoped3A_160 = tpu.sem_alloc : memref<!tpu.dma_semaphore, #tpu.memory_space<semaphore_mem>>
      %dma_start3A_161 = arith.constant 0 : i32
      %dma_start3A_162 = tpu.memref_slice %arg6[%add3A_153, %mul3A_0, %dma_start3A_161] : memref<4x10240x32xf32, #tpu.memory_space<hbm>> -> memref<1x640x32xf32, #tpu.memory_space<hbm>>
      %dma_start3A_163 = tpu.memref_squeeze %dma_start3A_162 : memref<1x640x32xf32, #tpu.memory_space<hbm>> -> memref<640x32xf32, #tpu.memory_space<hbm>>
      %dma_start3A_164 = arith.constant 0 : i32
      %dma_start3A_165 = tpu.memref_slice %arg10[%run_scoped3A_154, %mul3A_0, %dma_start3A_164] : memref<2x10240x32xf32, #tpu.memory_space<vmem_shared>> -> memref<1x640x32xf32, #tpu.memory_space<vmem_shared>>
      %dma_start3A_166 = tpu.memref_squeeze %dma_start3A_165 : memref<1x640x32xf32, #tpu.memory_space<vmem_shared>> -> memref<640x32xf32, #tpu.memory_space<vmem_shared>>
      tpu.enqueue_dma source(%dma_start3A_166 : memref<640x32xf32, #tpu.memory_space<vmem_shared>>) target(%dma_start3A_163 : memref<640x32xf32, #tpu.memory_space<hbm>>) target_semaphore(%run_scoped3A_160 : memref<!tpu.dma_semaphore, #tpu.memory_space<semaphore_mem>>)
      %dma_wait3A = arith.constant 0 : i32
      %dma_wait3A_167 = tpu.memref_slice %arg6[%add3A_153, %mul3A_0, %dma_wait3A] : memref<4x10240x32xf32, #tpu.memory_space<hbm>> -> memref<1x640x32xf32, #tpu.memory_space<hbm>>
      %dma_wait3A_168 = tpu.memref_squeeze %dma_wait3A_167 : memref<1x640x32xf32, #tpu.memory_space<hbm>> -> memref<640x32xf32, #tpu.memory_space<hbm>>
      %dma_wait3A_169 = arith.constant 0 : i32
      %dma_wait3A_170 = tpu.memref_slice %arg10[%run_scoped3A_154, %mul3A_0, %dma_wait3A_169] : memref<2x10240x32xf32, #tpu.memory_space<vmem_shared>> -> memref<1x640x32xf32, #tpu.memory_space<vmem_shared>>
      %dma_wait3A_171 = tpu.memref_squeeze %dma_wait3A_170 : memref<1x640x32xf32, #tpu.memory_space<vmem_shared>> -> memref<640x32xf32, #tpu.memory_space<vmem_shared>>
      tpu.wait_dma2 semaphore(%run_scoped3A_160 : memref<!tpu.dma_semaphore, #tpu.memory_space<semaphore_mem>>) src(%dma_wait3A_171 : memref<640x32xf32, #tpu.memory_space<vmem_shared>>) dst(%dma_wait3A_168 : memref<640x32xf32, #tpu.memory_space<hbm>>)
      tpu.yield
    }) : () -> ()
    %mul3A_155 = arith.constant 2 : i32
    %mul3A_156 = arith.muli %mul3A_155, %arg0 : i32
    %add3A_157 = arith.constant 1 : i32
    %add3A_158 = arith.addi %mul3A_156, %add3A_157 : i32
    %run_scoped3A_159 = arith.constant 1 : i32
    "tpu.region"() ({
      %run_scoped3A_160 = tpu.sem_alloc : memref<!tpu.dma_semaphore, #tpu.memory_space<semaphore_mem>>
      %dma_start3A_161 = arith.constant 0 : i32
      %dma_start3A_162 = tpu.memref_slice %arg6[%add3A_158, %mul3A_0, %dma_start3A_161] : memref<4x10240x32xf32, #tpu.memory_space<hbm>> -> memref<1x640x32xf32, #tpu.memory_space<hbm>>
      %dma_start3A_163 = tpu.memref_squeeze %dma_start3A_162 : memref<1x640x32xf32, #tpu.memory_space<hbm>> -> memref<640x32xf32, #tpu.memory_space<hbm>>
      %dma_start3A_164 = arith.constant 0 : i32
      %dma_start3A_165 = tpu.memref_slice %arg10[%run_scoped3A_159, %mul3A_0, %dma_start3A_164] : memref<2x10240x32xf32, #tpu.memory_space<vmem_shared>> -> memref<1x640x32xf32, #tpu.memory_space<vmem_shared>>
      %dma_start3A_166 = tpu.memref_squeeze %dma_start3A_165 : memref<1x640x32xf32, #tpu.memory_space<vmem_shared>> -> memref<640x32xf32, #tpu.memory_space<vmem_shared>>
      tpu.enqueue_dma source(%dma_start3A_166 : memref<640x32xf32, #tpu.memory_space<vmem_shared>>) target(%dma_start3A_163 : memref<640x32xf32, #tpu.memory_space<hbm>>) target_semaphore(%run_scoped3A_160 : memref<!tpu.dma_semaphore, #tpu.memory_space<semaphore_mem>>)
      %dma_wait3A = arith.constant 0 : i32
      %dma_wait3A_167 = tpu.memref_slice %arg6[%add3A_158, %mul3A_0, %dma_wait3A] : memref<4x10240x32xf32, #tpu.memory_space<hbm>> -> memref<1x640x32xf32, #tpu.memory_space<hbm>>
      %dma_wait3A_168 = tpu.memref_squeeze %dma_wait3A_167 : memref<1x640x32xf32, #tpu.memory_space<hbm>> -> memref<640x32xf32, #tpu.memory_space<hbm>>
      %dma_wait3A_169 = arith.constant 0 : i32
      %dma_wait3A_170 = tpu.memref_slice %arg10[%run_scoped3A_159, %mul3A_0, %dma_wait3A_169] : memref<2x10240x32xf32, #tpu.memory_space<vmem_shared>> -> memref<1x640x32xf32, #tpu.memory_space<vmem_shared>>
      %dma_wait3A_171 = tpu.memref_squeeze %dma_wait3A_170 : memref<1x640x32xf32, #tpu.memory_space<vmem_shared>> -> memref<640x32xf32, #tpu.memory_space<vmem_shared>>
      tpu.wait_dma2 semaphore(%run_scoped3A_160 : memref<!tpu.dma_semaphore, #tpu.memory_space<semaphore_mem>>) src(%dma_wait3A_171 : memref<640x32xf32, #tpu.memory_space<vmem_shared>>) dst(%dma_wait3A_168 : memref<640x32xf32, #tpu.memory_space<hbm>>)
      tpu.yield
    }) : () -> ()
    return
  }
}

#map = affine_map<(d0, d1) -> (0, 0, 0)>
#map1 = affine_map<(d0, d1) -> (0, 0)>
module attributes {stable_mosaic.version = 14 : i64} {
  func.func @_agg_body(%arg0: i32, %arg1: i32, %arg2: memref<4x10000x32xf32, #tpu.memory_space<hbm>>, %arg3: memref<16x160x128xi32, #tpu.memory_space<hbm>>, %arg4: memref<16x160x128xi32, #tpu.memory_space<hbm>>, %arg5: memref<10240x32xf32, #tpu.memory_space<hbm>>, %arg6: memref<4x10240x32xf32, #tpu.memory_space<hbm>>, %arg7: memref<160x128xi32, #tpu.memory_space<vmem>>, %arg8: memref<160x128xi32, #tpu.memory_space<vmem>>, %arg9: memref<4x2x128x32xf32, #tpu.memory_space<vmem>>, %arg10: memref<2x10240x32xf32, #tpu.memory_space<vmem_shared>>, %arg11: memref<!tpu.dma_semaphore, #tpu.memory_space<semaphore_mem>>, %arg12: memref<!tpu.dma_semaphore, #tpu.memory_space<semaphore_mem>>, %arg13: memref<!tpu.dma_semaphore, #tpu.memory_space<semaphore_mem>>, %arg14: memref<!tpu.dma_semaphore, #tpu.memory_space<semaphore_mem>>) attributes {dimension_semantics = [#tpu.dimension_semantics<core_parallel>, #tpu.dimension_semantics<subcore_parallel>], iteration_bounds = array<i64: 2, 16>, scalar_prefetch = 0 : i64, scratch_operands = 8 : i64, tpu.core_type = #tpu.core_type<sc_vector_subcore>, window_params = [{transform_indices = #map}, {transform_indices = #map}, {transform_indices = #map}, {transform_indices = #map1}, {transform_indices = #map}]} {
    "tpu.region"() ({
      %run_scoped3A_160 = tpu.sem_alloc : memref<!tpu.dma_semaphore, #tpu.memory_space<semaphore_mem>>
      %dma_start3A_161 = arith.constant 0 : i32
      %dma_start3A_162 = arith.constant 0 : i32
      %dma_start3A_163 = tpu.memref_slice %arg3[%arg1, %dma_start3A_161, %dma_start3A_162] : memref<16x160x128xi32, #tpu.memory_space<hbm>> -> memref<1x160x128xi32, #tpu.memory_space<hbm>>
      %dma_start3A_164 = tpu.memref_squeeze %dma_start3A_163 : memref<1x160x128xi32, #tpu.memory_space<hbm>> -> memref<160x128xi32, #tpu.memory_space<hbm>>
      %dma_start3A_165 = arith.constant 0 : i32
      %dma_start3A_166 = arith.constant 0 : i32
      %dma_start3A_167 = tpu.memref_slice %arg3[%arg1, %dma_start3A_165, %dma_start3A_166] : memref<16x160x128xi32, #tpu.memory_space<hbm>> -> memref<1x160x128xi32, #tpu.memory_space<hbm>>
      %dma_start3A_168 = tpu.memref_squeeze %dma_start3A_167 : memref<1x160x128xi32, #tpu.memory_space<hbm>> -> memref<160x128xi32, #tpu.memory_space<hbm>>
      tpu.enqueue_dma source(%dma_start3A_168 : memref<160x128xi32, #tpu.memory_space<hbm>>) target(%arg7 : memref<160x128xi32, #tpu.memory_space<vmem>>) target_semaphore(%run_scoped3A_160 : memref<!tpu.dma_semaphore, #tpu.memory_space<semaphore_mem>>)
      %dma_wait3A = arith.constant 0 : i32
      %dma_wait3A_169 = arith.constant 0 : i32
      %dma_wait3A_170 = tpu.memref_slice %arg3[%arg1, %dma_wait3A, %dma_wait3A_169] : memref<16x160x128xi32, #tpu.memory_space<hbm>> -> memref<1x160x128xi32, #tpu.memory_space<hbm>>
      %dma_wait3A_171 = tpu.memref_squeeze %dma_wait3A_170 : memref<1x160x128xi32, #tpu.memory_space<hbm>> -> memref<160x128xi32, #tpu.memory_space<hbm>>
      %dma_wait3A_172 = arith.constant 0 : i32
      %dma_wait3A_173 = arith.constant 0 : i32
      %dma_wait3A_174 = tpu.memref_slice %arg3[%arg1, %dma_wait3A_172, %dma_wait3A_173] : memref<16x160x128xi32, #tpu.memory_space<hbm>> -> memref<1x160x128xi32, #tpu.memory_space<hbm>>
      %dma_wait3A_175 = tpu.memref_squeeze %dma_wait3A_174 : memref<1x160x128xi32, #tpu.memory_space<hbm>> -> memref<160x128xi32, #tpu.memory_space<hbm>>
      tpu.wait_dma2 semaphore(%run_scoped3A_160 : memref<!tpu.dma_semaphore, #tpu.memory_space<semaphore_mem>>) src(%dma_wait3A_175 : memref<160x128xi32, #tpu.memory_space<hbm>>) dst(%arg7 : memref<160x128xi32, #tpu.memory_space<vmem>>)
      tpu.yield
    }) : () -> ()
    "tpu.region"() ({
      %run_scoped3A_160 = tpu.sem_alloc : memref<!tpu.dma_semaphore, #tpu.memory_space<semaphore_mem>>
      %dma_start3A_161 = arith.constant 0 : i32
      %dma_start3A_162 = arith.constant 0 : i32
      %dma_start3A_163 = tpu.memref_slice %arg4[%arg1, %dma_start3A_161, %dma_start3A_162] : memref<16x160x128xi32, #tpu.memory_space<hbm>> -> memref<1x160x128xi32, #tpu.memory_space<hbm>>
      %dma_start3A_164 = tpu.memref_squeeze %dma_start3A_163 : memref<1x160x128xi32, #tpu.memory_space<hbm>> -> memref<160x128xi32, #tpu.memory_space<hbm>>
      %dma_start3A_165 = arith.constant 0 : i32
      %dma_start3A_166 = arith.constant 0 : i32
      %dma_start3A_167 = tpu.memref_slice %arg4[%arg1, %dma_start3A_165, %dma_start3A_166] : memref<16x160x128xi32, #tpu.memory_space<hbm>> -> memref<1x160x128xi32, #tpu.memory_space<hbm>>
      %dma_start3A_168 = tpu.memref_squeeze %dma_start3A_167 : memref<1x160x128xi32, #tpu.memory_space<hbm>> -> memref<160x128xi32, #tpu.memory_space<hbm>>
      tpu.enqueue_dma source(%dma_start3A_168 : memref<160x128xi32, #tpu.memory_space<hbm>>) target(%arg8 : memref<160x128xi32, #tpu.memory_space<vmem>>) target_semaphore(%run_scoped3A_160 : memref<!tpu.dma_semaphore, #tpu.memory_space<semaphore_mem>>)
      %dma_wait3A = arith.constant 0 : i32
      %dma_wait3A_169 = arith.constant 0 : i32
      %dma_wait3A_170 = tpu.memref_slice %arg4[%arg1, %dma_wait3A, %dma_wait3A_169] : memref<16x160x128xi32, #tpu.memory_space<hbm>> -> memref<1x160x128xi32, #tpu.memory_space<hbm>>
      %dma_wait3A_171 = tpu.memref_squeeze %dma_wait3A_170 : memref<1x160x128xi32, #tpu.memory_space<hbm>> -> memref<160x128xi32, #tpu.memory_space<hbm>>
      %dma_wait3A_172 = arith.constant 0 : i32
      %dma_wait3A_173 = arith.constant 0 : i32
      %dma_wait3A_174 = tpu.memref_slice %arg4[%arg1, %dma_wait3A_172, %dma_wait3A_173] : memref<16x160x128xi32, #tpu.memory_space<hbm>> -> memref<1x160x128xi32, #tpu.memory_space<hbm>>
      %dma_wait3A_175 = tpu.memref_squeeze %dma_wait3A_174 : memref<1x160x128xi32, #tpu.memory_space<hbm>> -> memref<160x128xi32, #tpu.memory_space<hbm>>
      tpu.wait_dma2 semaphore(%run_scoped3A_160 : memref<!tpu.dma_semaphore, #tpu.memory_space<semaphore_mem>>) src(%dma_wait3A_175 : memref<160x128xi32, #tpu.memory_space<hbm>>) dst(%arg8 : memref<160x128xi32, #tpu.memory_space<vmem>>)
      tpu.yield
    }) : () -> ()
    %mul3A = arith.constant 640 : i32
    %mul3A_0 = arith.muli %arg1, %mul3A : i32
    %run_scoped3A = arith.constant 0 : i32
    "tpu.region"() ({
      %run_scoped3A_160 = tpu.sem_alloc : memref<!tpu.dma_semaphore, #tpu.memory_space<semaphore_mem>>
      %dma_start3A_161 = arith.constant 0 : i32
      %dma_start3A_162 = tpu.memref_slice %arg10[%run_scoped3A, %mul3A_0, %dma_start3A_161] : memref<2x10240x32xf32, #tpu.memory_space<vmem_shared>> -> memref<1x640x32xf32, #tpu.memory_space<vmem_shared>>
      %dma_start3A_163 = tpu.memref_squeeze %dma_start3A_162 : memref<1x640x32xf32, #tpu.memory_space<vmem_shared>> -> memref<640x32xf32, #tpu.memory_space<vmem_shared>>
      %dma_start3A_164 = arith.constant 0 : i32
      %dma_start3A_165 = tpu.memref_slice %arg5[%mul3A_0, %dma_start3A_164] : memref<10240x32xf32, #tpu.memory_space<hbm>> -> memref<640x32xf32, #tpu.memory_space<hbm>>
      tpu.enqueue_dma source(%dma_start3A_165 : memref<640x32xf32, #tpu.memory_space<hbm>>) target(%dma_start3A_163 : memref<640x32xf32, #tpu.memory_space<vmem_shared>>) target_semaphore(%run_scoped3A_160 : memref<!tpu.dma_semaphore, #tpu.memory_space<semaphore_mem>>)
      %dma_wait3A = arith.constant 0 : i32
      %dma_wait3A_166 = tpu.memref_slice %arg10[%run_scoped3A, %mul3A_0, %dma_wait3A] : memref<2x10240x32xf32, #tpu.memory_space<vmem_shared>> -> memref<1x640x32xf32, #tpu.memory_space<vmem_shared>>
      %dma_wait3A_167 = tpu.memref_squeeze %dma_wait3A_166 : memref<1x640x32xf32, #tpu.memory_space<vmem_shared>> -> memref<640x32xf32, #tpu.memory_space<vmem_shared>>
      %dma_wait3A_168 = arith.constant 0 : i32
      %dma_wait3A_169 = tpu.memref_slice %arg5[%mul3A_0, %dma_wait3A_168] : memref<10240x32xf32, #tpu.memory_space<hbm>> -> memref<640x32xf32, #tpu.memory_space<hbm>>
      tpu.wait_dma2 semaphore(%run_scoped3A_160 : memref<!tpu.dma_semaphore, #tpu.memory_space<semaphore_mem>>) src(%dma_wait3A_169 : memref<640x32xf32, #tpu.memory_space<hbm>>) dst(%dma_wait3A_167 : memref<640x32xf32, #tpu.memory_space<vmem_shared>>)
      tpu.yield
    }) : () -> ()
    %run_scoped3A_1 = arith.constant 1 : i32
    "tpu.region"() ({
      %run_scoped3A_160 = tpu.sem_alloc : memref<!tpu.dma_semaphore, #tpu.memory_space<semaphore_mem>>
      %dma_start3A_161 = arith.constant 0 : i32
      %dma_start3A_162 = tpu.memref_slice %arg10[%run_scoped3A_1, %mul3A_0, %dma_start3A_161] : memref<2x10240x32xf32, #tpu.memory_space<vmem_shared>> -> memref<1x640x32xf32, #tpu.memory_space<vmem_shared>>
      %dma_start3A_163 = tpu.memref_squeeze %dma_start3A_162 : memref<1x640x32xf32, #tpu.memory_space<vmem_shared>> -> memref<640x32xf32, #tpu.memory_space<vmem_shared>>
      %dma_start3A_164 = arith.constant 0 : i32
      %dma_start3A_165 = tpu.memref_slice %arg5[%mul3A_0, %dma_start3A_164] : memref<10240x32xf32, #tpu.memory_space<hbm>> -> memref<640x32xf32, #tpu.memory_space<hbm>>
      tpu.enqueue_dma source(%dma_start3A_165 : memref<640x32xf32, #tpu.memory_space<hbm>>) target(%dma_start3A_163 : memref<640x32xf32, #tpu.memory_space<vmem_shared>>) target_semaphore(%run_scoped3A_160 : memref<!tpu.dma_semaphore, #tpu.memory_space<semaphore_mem>>)
      %dma_wait3A = arith.constant 0 : i32
      %dma_wait3A_166 = tpu.memref_slice %arg10[%run_scoped3A_1, %mul3A_0, %dma_wait3A] : memref<2x10240x32xf32, #tpu.memory_space<vmem_shared>> -> memref<1x640x32xf32, #tpu.memory_space<vmem_shared>>
      %dma_wait3A_167 = tpu.memref_squeeze %dma_wait3A_166 : memref<1x640x32xf32, #tpu.memory_space<vmem_shared>> -> memref<640x32xf32, #tpu.memory_space<vmem_shared>>
      %dma_wait3A_168 = arith.constant 0 : i32
      %dma_wait3A_169 = tpu.memref_slice %arg5[%mul3A_0, %dma_wait3A_168] : memref<10240x32xf32, #tpu.memory_space<hbm>> -> memref<640x32xf32, #tpu.memory_space<hbm>>
      tpu.wait_dma2 semaphore(%run_scoped3A_160 : memref<!tpu.dma_semaphore, #tpu.memory_space<semaphore_mem>>) src(%dma_wait3A_169 : memref<640x32xf32, #tpu.memory_space<hbm>>) dst(%dma_wait3A_167 : memref<640x32xf32, #tpu.memory_space<vmem_shared>>)
      tpu.yield
    }) : () -> ()
    %barrier3A = arith.constant 0 : index
    tpu.barrier barrier_id(%barrier3A)
    %mul3A_2 = arith.constant 2 : i32
    %mul3A_3 = arith.muli %mul3A_2, %arg0 : i32
    %mul3A_4 = arith.constant 2 : i32
    %mul3A_5 = arith.muli %mul3A_4, %arg0 : i32
    %add3A = arith.constant 1 : i32
    %add3A_6 = arith.addi %mul3A_5, %add3A : i32
    %dma_start3A = arith.constant 0 : i32
    %dma_start3A_7 = arith.constant 0 : i32
    %dma_start3A_8 = arith.constant 0 : i32
    %dma_start3A_9 = arith.constant 0 : i32
    %dma_start3A_10 = arith.constant 0 : i32
    %dma_start3A_11 = tpu.memref_slice %arg9[%dma_start3A_7, %dma_start3A_8, %dma_start3A_9, %dma_start3A_10] : memref<4x2x128x32xf32, #tpu.memory_space<vmem>> -> memref<1x1x128x32xf32, #tpu.memory_space<vmem>>
    %dma_start3A_12 = tpu.memref_squeeze %dma_start3A_11 : memref<1x1x128x32xf32, #tpu.memory_space<vmem>> -> memref<128x32xf32, #tpu.memory_space<vmem>>
    %dma_start3A_13 = arith.constant 0 : i32
    %dma_start3A_14 = tpu.memref_slice %arg7[%dma_start3A, %dma_start3A_13] : memref<160x128xi32, #tpu.memory_space<vmem>> -> memref<1x128xi32, #tpu.memory_space<vmem>>
    %dma_start3A_15 = tpu.memref_squeeze %dma_start3A_14 : memref<1x128xi32, #tpu.memory_space<vmem>> -> memref<128xi32, #tpu.memory_space<vmem>>
    %dma_start3A_16 = arith.constant 0 : i32
    %dma_start3A_17 = arith.constant 0 : i32
    %dma_start3A_18 = tpu.memref_slice %arg2[%mul3A_3, %dma_start3A_16, %dma_start3A_17] : memref<4x10000x32xf32, #tpu.memory_space<hbm>> -> memref<1x10000x32xf32, #tpu.memory_space<hbm>>
    %dma_start3A_19 = tpu.memref_squeeze %dma_start3A_18 : memref<1x10000x32xf32, #tpu.memory_space<hbm>> -> memref<10000x32xf32, #tpu.memory_space<hbm>>
    %dma_start3A_20 = arith.constant 0 : i32
    %dma_start3A_21 = arith.constant 0 : i32
    %dma_start3A_22 = tpu.memref_slice %dma_start3A_19[%dma_start3A_20, %dma_start3A_21] : memref<10000x32xf32, #tpu.memory_space<hbm>> -> memref<10000x32xf32, #tpu.memory_space<hbm>>
    tpu.enqueue_indirect_dma source(%dma_start3A_22 : memref<10000x32xf32, #tpu.memory_space<hbm>>) target(%dma_start3A_12 : memref<128x32xf32, #tpu.memory_space<vmem>>) offsets(%dma_start3A_15 : memref<128xi32, #tpu.memory_space<vmem>>) semaphore(%arg11 : memref<!tpu.dma_semaphore, #tpu.memory_space<semaphore_mem>>)
    %dma_start3A_23 = arith.constant 0 : i32
    %dma_start3A_24 = arith.constant 0 : i32
    %dma_start3A_25 = arith.constant 1 : i32
    %dma_start3A_26 = arith.constant 0 : i32
    %dma_start3A_27 = arith.constant 0 : i32
    %dma_start3A_28 = tpu.memref_slice %arg9[%dma_start3A_24, %dma_start3A_25, %dma_start3A_26, %dma_start3A_27] : memref<4x2x128x32xf32, #tpu.memory_space<vmem>> -> memref<1x1x128x32xf32, #tpu.memory_space<vmem>>
    %dma_start3A_29 = tpu.memref_squeeze %dma_start3A_28 : memref<1x1x128x32xf32, #tpu.memory_space<vmem>> -> memref<128x32xf32, #tpu.memory_space<vmem>>
    %dma_start3A_30 = arith.constant 0 : i32
    %dma_start3A_31 = tpu.memref_slice %arg7[%dma_start3A_23, %dma_start3A_30] : memref<160x128xi32, #tpu.memory_space<vmem>> -> memref<1x128xi32, #tpu.memory_space<vmem>>
    %dma_start3A_32 = tpu.memref_squeeze %dma_start3A_31 : memref<1x128xi32, #tpu.memory_space<vmem>> -> memref<128xi32, #tpu.memory_space<vmem>>
    %dma_start3A_33 = arith.constant 0 : i32
    %dma_start3A_34 = arith.constant 0 : i32
    %dma_start3A_35 = tpu.memref_slice %arg2[%add3A_6, %dma_start3A_33, %dma_start3A_34] : memref<4x10000x32xf32, #tpu.memory_space<hbm>> -> memref<1x10000x32xf32, #tpu.memory_space<hbm>>
    %dma_start3A_36 = tpu.memref_squeeze %dma_start3A_35 : memref<1x10000x32xf32, #tpu.memory_space<hbm>> -> memref<10000x32xf32, #tpu.memory_space<hbm>>
    %dma_start3A_37 = arith.constant 0 : i32
    %dma_start3A_38 = arith.constant 0 : i32
    %dma_start3A_39 = tpu.memref_slice %dma_start3A_36[%dma_start3A_37, %dma_start3A_38] : memref<10000x32xf32, #tpu.memory_space<hbm>> -> memref<10000x32xf32, #tpu.memory_space<hbm>>
    tpu.enqueue_indirect_dma source(%dma_start3A_39 : memref<10000x32xf32, #tpu.memory_space<hbm>>) target(%dma_start3A_29 : memref<128x32xf32, #tpu.memory_space<vmem>>) offsets(%dma_start3A_32 : memref<128xi32, #tpu.memory_space<vmem>>) semaphore(%arg11 : memref<!tpu.dma_semaphore, #tpu.memory_space<semaphore_mem>>)
    %dma_start3A_40 = arith.constant 1 : i32
    %dma_start3A_41 = arith.constant 1 : i32
    %dma_start3A_42 = arith.constant 0 : i32
    %dma_start3A_43 = arith.constant 0 : i32
    %dma_start3A_44 = arith.constant 0 : i32
    %dma_start3A_45 = tpu.memref_slice %arg9[%dma_start3A_41, %dma_start3A_42, %dma_start3A_43, %dma_start3A_44] : memref<4x2x128x32xf32, #tpu.memory_space<vmem>> -> memref<1x1x128x32xf32, #tpu.memory_space<vmem>>
    %dma_start3A_46 = tpu.memref_squeeze %dma_start3A_45 : memref<1x1x128x32xf32, #tpu.memory_space<vmem>> -> memref<128x32xf32, #tpu.memory_space<vmem>>
    %dma_start3A_47 = arith.constant 0 : i32
    %dma_start3A_48 = tpu.memref_slice %arg7[%dma_start3A_40, %dma_start3A_47] : memref<160x128xi32, #tpu.memory_space<vmem>> -> memref<1x128xi32, #tpu.memory_space<vmem>>
    %dma_start3A_49 = tpu.memref_squeeze %dma_start3A_48 : memref<1x128xi32, #tpu.memory_space<vmem>> -> memref<128xi32, #tpu.memory_space<vmem>>
    %dma_start3A_50 = arith.constant 0 : i32
    %dma_start3A_51 = arith.constant 0 : i32
    %dma_start3A_52 = tpu.memref_slice %arg2[%mul3A_3, %dma_start3A_50, %dma_start3A_51] : memref<4x10000x32xf32, #tpu.memory_space<hbm>> -> memref<1x10000x32xf32, #tpu.memory_space<hbm>>
    %dma_start3A_53 = tpu.memref_squeeze %dma_start3A_52 : memref<1x10000x32xf32, #tpu.memory_space<hbm>> -> memref<10000x32xf32, #tpu.memory_space<hbm>>
    %dma_start3A_54 = arith.constant 0 : i32
    %dma_start3A_55 = arith.constant 0 : i32
    %dma_start3A_56 = tpu.memref_slice %dma_start3A_53[%dma_start3A_54, %dma_start3A_55] : memref<10000x32xf32, #tpu.memory_space<hbm>> -> memref<10000x32xf32, #tpu.memory_space<hbm>>
    tpu.enqueue_indirect_dma source(%dma_start3A_56 : memref<10000x32xf32, #tpu.memory_space<hbm>>) target(%dma_start3A_46 : memref<128x32xf32, #tpu.memory_space<vmem>>) offsets(%dma_start3A_49 : memref<128xi32, #tpu.memory_space<vmem>>) semaphore(%arg12 : memref<!tpu.dma_semaphore, #tpu.memory_space<semaphore_mem>>)
    %dma_start3A_57 = arith.constant 1 : i32
    %dma_start3A_58 = arith.constant 1 : i32
    %dma_start3A_59 = arith.constant 1 : i32
    %dma_start3A_60 = arith.constant 0 : i32
    %dma_start3A_61 = arith.constant 0 : i32
    %dma_start3A_62 = tpu.memref_slice %arg9[%dma_start3A_58, %dma_start3A_59, %dma_start3A_60, %dma_start3A_61] : memref<4x2x128x32xf32, #tpu.memory_space<vmem>> -> memref<1x1x128x32xf32, #tpu.memory_space<vmem>>
    %dma_start3A_63 = tpu.memref_squeeze %dma_start3A_62 : memref<1x1x128x32xf32, #tpu.memory_space<vmem>> -> memref<128x32xf32, #tpu.memory_space<vmem>>
    %dma_start3A_64 = arith.constant 0 : i32
    %dma_start3A_65 = tpu.memref_slice %arg7[%dma_start3A_57, %dma_start3A_64] : memref<160x128xi32, #tpu.memory_space<vmem>> -> memref<1x128xi32, #tpu.memory_space<vmem>>
    %dma_start3A_66 = tpu.memref_squeeze %dma_start3A_65 : memref<1x128xi32, #tpu.memory_space<vmem>> -> memref<128xi32, #tpu.memory_space<vmem>>
    %dma_start3A_67 = arith.constant 0 : i32
    %dma_start3A_68 = arith.constant 0 : i32
    %dma_start3A_69 = tpu.memref_slice %arg2[%add3A_6, %dma_start3A_67, %dma_start3A_68] : memref<4x10000x32xf32, #tpu.memory_space<hbm>> -> memref<1x10000x32xf32, #tpu.memory_space<hbm>>
    %dma_start3A_70 = tpu.memref_squeeze %dma_start3A_69 : memref<1x10000x32xf32, #tpu.memory_space<hbm>> -> memref<10000x32xf32, #tpu.memory_space<hbm>>
    %dma_start3A_71 = arith.constant 0 : i32
    %dma_start3A_72 = arith.constant 0 : i32
    %dma_start3A_73 = tpu.memref_slice %dma_start3A_70[%dma_start3A_71, %dma_start3A_72] : memref<10000x32xf32, #tpu.memory_space<hbm>> -> memref<10000x32xf32, #tpu.memory_space<hbm>>
    tpu.enqueue_indirect_dma source(%dma_start3A_73 : memref<10000x32xf32, #tpu.memory_space<hbm>>) target(%dma_start3A_63 : memref<128x32xf32, #tpu.memory_space<vmem>>) offsets(%dma_start3A_66 : memref<128xi32, #tpu.memory_space<vmem>>) semaphore(%arg12 : memref<!tpu.dma_semaphore, #tpu.memory_space<semaphore_mem>>)
    %dma_start3A_74 = arith.constant 2 : i32
    %dma_start3A_75 = arith.constant 2 : i32
    %dma_start3A_76 = arith.constant 0 : i32
    %dma_start3A_77 = arith.constant 0 : i32
    %dma_start3A_78 = arith.constant 0 : i32
    %dma_start3A_79 = tpu.memref_slice %arg9[%dma_start3A_75, %dma_start3A_76, %dma_start3A_77, %dma_start3A_78] : memref<4x2x128x32xf32, #tpu.memory_space<vmem>> -> memref<1x1x128x32xf32, #tpu.memory_space<vmem>>
    %dma_start3A_80 = tpu.memref_squeeze %dma_start3A_79 : memref<1x1x128x32xf32, #tpu.memory_space<vmem>> -> memref<128x32xf32, #tpu.memory_space<vmem>>
    %dma_start3A_81 = arith.constant 0 : i32
    %dma_start3A_82 = tpu.memref_slice %arg7[%dma_start3A_74, %dma_start3A_81] : memref<160x128xi32, #tpu.memory_space<vmem>> -> memref<1x128xi32, #tpu.memory_space<vmem>>
    %dma_start3A_83 = tpu.memref_squeeze %dma_start3A_82 : memref<1x128xi32, #tpu.memory_space<vmem>> -> memref<128xi32, #tpu.memory_space<vmem>>
    %dma_start3A_84 = arith.constant 0 : i32
    %dma_start3A_85 = arith.constant 0 : i32
    %dma_start3A_86 = tpu.memref_slice %arg2[%mul3A_3, %dma_start3A_84, %dma_start3A_85] : memref<4x10000x32xf32, #tpu.memory_space<hbm>> -> memref<1x10000x32xf32, #tpu.memory_space<hbm>>
    %dma_start3A_87 = tpu.memref_squeeze %dma_start3A_86 : memref<1x10000x32xf32, #tpu.memory_space<hbm>> -> memref<10000x32xf32, #tpu.memory_space<hbm>>
    %dma_start3A_88 = arith.constant 0 : i32
    %dma_start3A_89 = arith.constant 0 : i32
    %dma_start3A_90 = tpu.memref_slice %dma_start3A_87[%dma_start3A_88, %dma_start3A_89] : memref<10000x32xf32, #tpu.memory_space<hbm>> -> memref<10000x32xf32, #tpu.memory_space<hbm>>
    tpu.enqueue_indirect_dma source(%dma_start3A_90 : memref<10000x32xf32, #tpu.memory_space<hbm>>) target(%dma_start3A_80 : memref<128x32xf32, #tpu.memory_space<vmem>>) offsets(%dma_start3A_83 : memref<128xi32, #tpu.memory_space<vmem>>) semaphore(%arg13 : memref<!tpu.dma_semaphore, #tpu.memory_space<semaphore_mem>>)
    %dma_start3A_91 = arith.constant 2 : i32
    %dma_start3A_92 = arith.constant 2 : i32
    %dma_start3A_93 = arith.constant 1 : i32
    %dma_start3A_94 = arith.constant 0 : i32
    %dma_start3A_95 = arith.constant 0 : i32
    %dma_start3A_96 = tpu.memref_slice %arg9[%dma_start3A_92, %dma_start3A_93, %dma_start3A_94, %dma_start3A_95] : memref<4x2x128x32xf32, #tpu.memory_space<vmem>> -> memref<1x1x128x32xf32, #tpu.memory_space<vmem>>
    %dma_start3A_97 = tpu.memref_squeeze %dma_start3A_96 : memref<1x1x128x32xf32, #tpu.memory_space<vmem>> -> memref<128x32xf32, #tpu.memory_space<vmem>>
    %dma_start3A_98 = arith.constant 0 : i32
    %dma_start3A_99 = tpu.memref_slice %arg7[%dma_start3A_91, %dma_start3A_98] : memref<160x128xi32, #tpu.memory_space<vmem>> -> memref<1x128xi32, #tpu.memory_space<vmem>>
    %dma_start3A_100 = tpu.memref_squeeze %dma_start3A_99 : memref<1x128xi32, #tpu.memory_space<vmem>> -> memref<128xi32, #tpu.memory_space<vmem>>
    %dma_start3A_101 = arith.constant 0 : i32
    %dma_start3A_102 = arith.constant 0 : i32
    %dma_start3A_103 = tpu.memref_slice %arg2[%add3A_6, %dma_start3A_101, %dma_start3A_102] : memref<4x10000x32xf32, #tpu.memory_space<hbm>> -> memref<1x10000x32xf32, #tpu.memory_space<hbm>>
    %dma_start3A_104 = tpu.memref_squeeze %dma_start3A_103 : memref<1x10000x32xf32, #tpu.memory_space<hbm>> -> memref<10000x32xf32, #tpu.memory_space<hbm>>
    %dma_start3A_105 = arith.constant 0 : i32
    %dma_start3A_106 = arith.constant 0 : i32
    %dma_start3A_107 = tpu.memref_slice %dma_start3A_104[%dma_start3A_105, %dma_start3A_106] : memref<10000x32xf32, #tpu.memory_space<hbm>> -> memref<10000x32xf32, #tpu.memory_space<hbm>>
    tpu.enqueue_indirect_dma source(%dma_start3A_107 : memref<10000x32xf32, #tpu.memory_space<hbm>>) target(%dma_start3A_97 : memref<128x32xf32, #tpu.memory_space<vmem>>) offsets(%dma_start3A_100 : memref<128xi32, #tpu.memory_space<vmem>>) semaphore(%arg13 : memref<!tpu.dma_semaphore, #tpu.memory_space<semaphore_mem>>)
    %dma_start3A_108 = arith.constant 3 : i32
    %dma_start3A_109 = arith.constant 3 : i32
    %dma_start3A_110 = arith.constant 0 : i32
    %dma_start3A_111 = arith.constant 0 : i32
    %dma_start3A_112 = arith.constant 0 : i32
    %dma_start3A_113 = tpu.memref_slice %arg9[%dma_start3A_109, %dma_start3A_110, %dma_start3A_111, %dma_start3A_112] : memref<4x2x128x32xf32, #tpu.memory_space<vmem>> -> memref<1x1x128x32xf32, #tpu.memory_space<vmem>>
    %dma_start3A_114 = tpu.memref_squeeze %dma_start3A_113 : memref<1x1x128x32xf32, #tpu.memory_space<vmem>> -> memref<128x32xf32, #tpu.memory_space<vmem>>
    %dma_start3A_115 = arith.constant 0 : i32
    %dma_start3A_116 = tpu.memref_slice %arg7[%dma_start3A_108, %dma_start3A_115] : memref<160x128xi32, #tpu.memory_space<vmem>> -> memref<1x128xi32, #tpu.memory_space<vmem>>
    %dma_start3A_117 = tpu.memref_squeeze %dma_start3A_116 : memref<1x128xi32, #tpu.memory_space<vmem>> -> memref<128xi32, #tpu.memory_space<vmem>>
    %dma_start3A_118 = arith.constant 0 : i32
    %dma_start3A_119 = arith.constant 0 : i32
    %dma_start3A_120 = tpu.memref_slice %arg2[%mul3A_3, %dma_start3A_118, %dma_start3A_119] : memref<4x10000x32xf32, #tpu.memory_space<hbm>> -> memref<1x10000x32xf32, #tpu.memory_space<hbm>>
    %dma_start3A_121 = tpu.memref_squeeze %dma_start3A_120 : memref<1x10000x32xf32, #tpu.memory_space<hbm>> -> memref<10000x32xf32, #tpu.memory_space<hbm>>
    %dma_start3A_122 = arith.constant 0 : i32
    %dma_start3A_123 = arith.constant 0 : i32
    %dma_start3A_124 = tpu.memref_slice %dma_start3A_121[%dma_start3A_122, %dma_start3A_123] : memref<10000x32xf32, #tpu.memory_space<hbm>> -> memref<10000x32xf32, #tpu.memory_space<hbm>>
    tpu.enqueue_indirect_dma source(%dma_start3A_124 : memref<10000x32xf32, #tpu.memory_space<hbm>>) target(%dma_start3A_114 : memref<128x32xf32, #tpu.memory_space<vmem>>) offsets(%dma_start3A_117 : memref<128xi32, #tpu.memory_space<vmem>>) semaphore(%arg14 : memref<!tpu.dma_semaphore, #tpu.memory_space<semaphore_mem>>)
    %dma_start3A_125 = arith.constant 3 : i32
    %dma_start3A_126 = arith.constant 3 : i32
    %dma_start3A_127 = arith.constant 1 : i32
    %dma_start3A_128 = arith.constant 0 : i32
    %dma_start3A_129 = arith.constant 0 : i32
    %dma_start3A_130 = tpu.memref_slice %arg9[%dma_start3A_126, %dma_start3A_127, %dma_start3A_128, %dma_start3A_129] : memref<4x2x128x32xf32, #tpu.memory_space<vmem>> -> memref<1x1x128x32xf32, #tpu.memory_space<vmem>>
    %dma_start3A_131 = tpu.memref_squeeze %dma_start3A_130 : memref<1x1x128x32xf32, #tpu.memory_space<vmem>> -> memref<128x32xf32, #tpu.memory_space<vmem>>
    %dma_start3A_132 = arith.constant 0 : i32
    %dma_start3A_133 = tpu.memref_slice %arg7[%dma_start3A_125, %dma_start3A_132] : memref<160x128xi32, #tpu.memory_space<vmem>> -> memref<1x128xi32, #tpu.memory_space<vmem>>
    %dma_start3A_134 = tpu.memref_squeeze %dma_start3A_133 : memref<1x128xi32, #tpu.memory_space<vmem>> -> memref<128xi32, #tpu.memory_space<vmem>>
    %dma_start3A_135 = arith.constant 0 : i32
    %dma_start3A_136 = arith.constant 0 : i32
    %dma_start3A_137 = tpu.memref_slice %arg2[%add3A_6, %dma_start3A_135, %dma_start3A_136] : memref<4x10000x32xf32, #tpu.memory_space<hbm>> -> memref<1x10000x32xf32, #tpu.memory_space<hbm>>
    %dma_start3A_138 = tpu.memref_squeeze %dma_start3A_137 : memref<1x10000x32xf32, #tpu.memory_space<hbm>> -> memref<10000x32xf32, #tpu.memory_space<hbm>>
    %dma_start3A_139 = arith.constant 0 : i32
    %dma_start3A_140 = arith.constant 0 : i32
    %dma_start3A_141 = tpu.memref_slice %dma_start3A_138[%dma_start3A_139, %dma_start3A_140] : memref<10000x32xf32, #tpu.memory_space<hbm>> -> memref<10000x32xf32, #tpu.memory_space<hbm>>
    tpu.enqueue_indirect_dma source(%dma_start3A_141 : memref<10000x32xf32, #tpu.memory_space<hbm>>) target(%dma_start3A_131 : memref<128x32xf32, #tpu.memory_space<vmem>>) offsets(%dma_start3A_134 : memref<128xi32, #tpu.memory_space<vmem>>) semaphore(%arg14 : memref<!tpu.dma_semaphore, #tpu.memory_space<semaphore_mem>>)
    %scan3A = arith.constant 0 : i32
    %scan3A_142 = arith.constant 0 : i32
    %scan3A_143 = arith.constant 1 : i32
    %scan3A_144 = arith.constant 0 : i32
    %scan3A_145 = arith.constant 40 : i32
    %scan3A_146 = arith.addi %scan3A_144, %scan3A_145 : i32
    %scan3A_147 = arith.constant 1 : i32
    scf.for %scan3A_160 = %scan3A_144 to %scan3A_146 step %scan3A_147  : i32 {
      %mul3A_161 = arith.constant 4 : i32
      %mul3A_162 = arith.muli %scan3A_160, %mul3A_161 : i32
      %add3A_163 = arith.constant 0 : i32
      %add3A_164 = arith.addi %mul3A_162, %add3A_163 : i32
      %dma_wait3A = arith.constant 0 : i32
      %dma_wait3A_165 = arith.constant 0 : i32
      %dma_wait3A_166 = arith.constant 0 : i32
      %dma_wait3A_167 = arith.constant 0 : i32
      %dma_wait3A_168 = tpu.memref_slice %arg9[%dma_wait3A, %dma_wait3A_165, %dma_wait3A_166, %dma_wait3A_167] : memref<4x2x128x32xf32, #tpu.memory_space<vmem>> -> memref<1x1x128x32xf32, #tpu.memory_space<vmem>>
      %dma_wait3A_169 = tpu.memref_squeeze %dma_wait3A_168 : memref<1x1x128x32xf32, #tpu.memory_space<vmem>> -> memref<128x32xf32, #tpu.memory_space<vmem>>
      %dma_wait3A_170 = arith.constant 0 : i32
      %dma_wait3A_171 = tpu.memref_slice %arg7[%add3A_164, %dma_wait3A_170] : memref<160x128xi32, #tpu.memory_space<vmem>> -> memref<1x128xi32, #tpu.memory_space<vmem>>
      %dma_wait3A_172 = tpu.memref_squeeze %dma_wait3A_171 : memref<1x128xi32, #tpu.memory_space<vmem>> -> memref<128xi32, #tpu.memory_space<vmem>>
      %dma_wait3A_173 = arith.constant 0 : i32
      %dma_wait3A_174 = arith.constant 0 : i32
      %dma_wait3A_175 = tpu.memref_slice %arg2[%mul3A_3, %dma_wait3A_173, %dma_wait3A_174] : memref<4x10000x32xf32, #tpu.memory_space<hbm>> -> memref<1x10000x32xf32, #tpu.memory_space<hbm>>
      %dma_wait3A_176 = tpu.memref_squeeze %dma_wait3A_175 : memref<1x10000x32xf32, #tpu.memory_space<hbm>> -> memref<10000x32xf32, #tpu.memory_space<hbm>>
      %dma_wait3A_177 = arith.constant 0 : i32
      %dma_wait3A_178 = arith.constant 0 : i32
      %dma_wait3A_179 = tpu.memref_slice %dma_wait3A_176[%dma_wait3A_177, %dma_wait3A_178] : memref<10000x32xf32, #tpu.memory_space<hbm>> -> memref<10000x32xf32, #tpu.memory_space<hbm>>
      tpu.wait_indirect_dma semaphore(%arg11 : memref<!tpu.dma_semaphore, #tpu.memory_space<semaphore_mem>>) src(%dma_wait3A_179 : memref<10000x32xf32, #tpu.memory_space<hbm>>) dst(%dma_wait3A_169 : memref<128x32xf32, #tpu.memory_space<vmem>>)
      %dma_wait3A_180 = arith.constant 0 : i32
      %dma_wait3A_181 = arith.constant 1 : i32
      %dma_wait3A_182 = arith.constant 0 : i32
      %dma_wait3A_183 = arith.constant 0 : i32
      %dma_wait3A_184 = tpu.memref_slice %arg9[%dma_wait3A_180, %dma_wait3A_181, %dma_wait3A_182, %dma_wait3A_183] : memref<4x2x128x32xf32, #tpu.memory_space<vmem>> -> memref<1x1x128x32xf32, #tpu.memory_space<vmem>>
      %dma_wait3A_185 = tpu.memref_squeeze %dma_wait3A_184 : memref<1x1x128x32xf32, #tpu.memory_space<vmem>> -> memref<128x32xf32, #tpu.memory_space<vmem>>
      %dma_wait3A_186 = arith.constant 0 : i32
      %dma_wait3A_187 = tpu.memref_slice %arg7[%add3A_164, %dma_wait3A_186] : memref<160x128xi32, #tpu.memory_space<vmem>> -> memref<1x128xi32, #tpu.memory_space<vmem>>
      %dma_wait3A_188 = tpu.memref_squeeze %dma_wait3A_187 : memref<1x128xi32, #tpu.memory_space<vmem>> -> memref<128xi32, #tpu.memory_space<vmem>>
      %dma_wait3A_189 = arith.constant 0 : i32
      %dma_wait3A_190 = arith.constant 0 : i32
      %dma_wait3A_191 = tpu.memref_slice %arg2[%add3A_6, %dma_wait3A_189, %dma_wait3A_190] : memref<4x10000x32xf32, #tpu.memory_space<hbm>> -> memref<1x10000x32xf32, #tpu.memory_space<hbm>>
      %dma_wait3A_192 = tpu.memref_squeeze %dma_wait3A_191 : memref<1x10000x32xf32, #tpu.memory_space<hbm>> -> memref<10000x32xf32, #tpu.memory_space<hbm>>
      %dma_wait3A_193 = arith.constant 0 : i32
      %dma_wait3A_194 = arith.constant 0 : i32
      %dma_wait3A_195 = tpu.memref_slice %dma_wait3A_192[%dma_wait3A_193, %dma_wait3A_194] : memref<10000x32xf32, #tpu.memory_space<hbm>> -> memref<10000x32xf32, #tpu.memory_space<hbm>>
      tpu.wait_indirect_dma semaphore(%arg11 : memref<!tpu.dma_semaphore, #tpu.memory_space<semaphore_mem>>) src(%dma_wait3A_195 : memref<10000x32xf32, #tpu.memory_space<hbm>>) dst(%dma_wait3A_185 : memref<128x32xf32, #tpu.memory_space<vmem>>)
      %run_scoped3A_196 = arith.constant 0 : i32
      %run_scoped3A_197 = arith.constant 0 : i32
      "tpu.region"() ({
        %run_scoped3A_339 = tpu.sem_alloc : memref<!tpu.dma_semaphore, #tpu.memory_space<semaphore_mem>>
        %dma_start3A_340 = arith.constant 0 : i32
        %dma_start3A_341 = arith.constant 0 : i32
        %dma_start3A_342 = tpu.memref_slice %arg9[%run_scoped3A_196, %run_scoped3A_197, %dma_start3A_340, %dma_start3A_341] : memref<4x2x128x32xf32, #tpu.memory_space<vmem>> -> memref<1x1x128x32xf32, #tpu.memory_space<vmem>>
        %dma_start3A_343 = tpu.memref_squeeze %dma_start3A_342 : memref<1x1x128x32xf32, #tpu.memory_space<vmem>> -> memref<128x32xf32, #tpu.memory_space<vmem>>
        %dma_start3A_344 = arith.constant 0 : i32
        %dma_start3A_345 = tpu.memref_slice %arg8[%add3A_164, %dma_start3A_344] : memref<160x128xi32, #tpu.memory_space<vmem>> -> memref<1x128xi32, #tpu.memory_space<vmem>>
        %dma_start3A_346 = tpu.memref_squeeze %dma_start3A_345 : memref<1x128xi32, #tpu.memory_space<vmem>> -> memref<128xi32, #tpu.memory_space<vmem>>
        %dma_start3A_347 = arith.constant 0 : i32
        %dma_start3A_348 = arith.constant 0 : i32
        %dma_start3A_349 = tpu.memref_slice %arg10[%scan3A_142, %dma_start3A_347, %dma_start3A_348] : memref<2x10240x32xf32, #tpu.memory_space<vmem_shared>> -> memref<1x10240x32xf32, #tpu.memory_space<vmem_shared>>
        %dma_start3A_350 = tpu.memref_squeeze %dma_start3A_349 : memref<1x10240x32xf32, #tpu.memory_space<vmem_shared>> -> memref<10240x32xf32, #tpu.memory_space<vmem_shared>>
        %dma_start3A_351 = arith.constant 0 : i32
        %dma_start3A_352 = arith.constant 0 : i32
        %dma_start3A_353 = tpu.memref_slice %dma_start3A_350[%dma_start3A_351, %dma_start3A_352] : memref<10240x32xf32, #tpu.memory_space<vmem_shared>> -> memref<10240x32xf32, #tpu.memory_space<vmem_shared>>
        tpu.enqueue_indirect_dma source(%dma_start3A_343 : memref<128x32xf32, #tpu.memory_space<vmem>>) target(%dma_start3A_353 : memref<10240x32xf32, #tpu.memory_space<vmem_shared>>) offsets(%dma_start3A_346 : memref<128xi32, #tpu.memory_space<vmem>>) semaphore(%run_scoped3A_339 : memref<!tpu.dma_semaphore, #tpu.memory_space<semaphore_mem>>) {add = true}
        %dma_wait3A_354 = arith.constant 0 : i32
        %dma_wait3A_355 = arith.constant 0 : i32
        %dma_wait3A_356 = tpu.memref_slice %arg9[%run_scoped3A_196, %run_scoped3A_197, %dma_wait3A_354, %dma_wait3A_355] : memref<4x2x128x32xf32, #tpu.memory_space<vmem>> -> memref<1x1x128x32xf32, #tpu.memory_space<vmem>>
        %dma_wait3A_357 = tpu.memref_squeeze %dma_wait3A_356 : memref<1x1x128x32xf32, #tpu.memory_space<vmem>> -> memref<128x32xf32, #tpu.memory_space<vmem>>
        %dma_wait3A_358 = arith.constant 0 : i32
        %dma_wait3A_359 = tpu.memref_slice %arg8[%add3A_164, %dma_wait3A_358] : memref<160x128xi32, #tpu.memory_space<vmem>> -> memref<1x128xi32, #tpu.memory_space<vmem>>
        %dma_wait3A_360 = tpu.memref_squeeze %dma_wait3A_359 : memref<1x128xi32, #tpu.memory_space<vmem>> -> memref<128xi32, #tpu.memory_space<vmem>>
        %dma_wait3A_361 = arith.constant 0 : i32
        %dma_wait3A_362 = arith.constant 0 : i32
        %dma_wait3A_363 = tpu.memref_slice %arg10[%scan3A_142, %dma_wait3A_361, %dma_wait3A_362] : memref<2x10240x32xf32, #tpu.memory_space<vmem_shared>> -> memref<1x10240x32xf32, #tpu.memory_space<vmem_shared>>
        %dma_wait3A_364 = tpu.memref_squeeze %dma_wait3A_363 : memref<1x10240x32xf32, #tpu.memory_space<vmem_shared>> -> memref<10240x32xf32, #tpu.memory_space<vmem_shared>>
        %dma_wait3A_365 = arith.constant 0 : i32
        %dma_wait3A_366 = arith.constant 0 : i32
        %dma_wait3A_367 = tpu.memref_slice %dma_wait3A_364[%dma_wait3A_365, %dma_wait3A_366] : memref<10240x32xf32, #tpu.memory_space<vmem_shared>> -> memref<10240x32xf32, #tpu.memory_space<vmem_shared>>
        tpu.wait_indirect_dma semaphore(%run_scoped3A_339 : memref<!tpu.dma_semaphore, #tpu.memory_space<semaphore_mem>>) src(%dma_wait3A_357 : memref<128x32xf32, #tpu.memory_space<vmem>>) dst(%dma_wait3A_367 : memref<10240x32xf32, #tpu.memory_space<vmem_shared>>)
        tpu.yield
      }) : () -> ()
      %run_scoped3A_198 = arith.constant 0 : i32
      %run_scoped3A_199 = arith.constant 1 : i32
      "tpu.region"() ({
        %run_scoped3A_339 = tpu.sem_alloc : memref<!tpu.dma_semaphore, #tpu.memory_space<semaphore_mem>>
        %dma_start3A_340 = arith.constant 0 : i32
        %dma_start3A_341 = arith.constant 0 : i32
        %dma_start3A_342 = tpu.memref_slice %arg9[%run_scoped3A_198, %run_scoped3A_199, %dma_start3A_340, %dma_start3A_341] : memref<4x2x128x32xf32, #tpu.memory_space<vmem>> -> memref<1x1x128x32xf32, #tpu.memory_space<vmem>>
        %dma_start3A_343 = tpu.memref_squeeze %dma_start3A_342 : memref<1x1x128x32xf32, #tpu.memory_space<vmem>> -> memref<128x32xf32, #tpu.memory_space<vmem>>
        %dma_start3A_344 = arith.constant 0 : i32
        %dma_start3A_345 = tpu.memref_slice %arg8[%add3A_164, %dma_start3A_344] : memref<160x128xi32, #tpu.memory_space<vmem>> -> memref<1x128xi32, #tpu.memory_space<vmem>>
        %dma_start3A_346 = tpu.memref_squeeze %dma_start3A_345 : memref<1x128xi32, #tpu.memory_space<vmem>> -> memref<128xi32, #tpu.memory_space<vmem>>
        %dma_start3A_347 = arith.constant 0 : i32
        %dma_start3A_348 = arith.constant 0 : i32
        %dma_start3A_349 = tpu.memref_slice %arg10[%scan3A_143, %dma_start3A_347, %dma_start3A_348] : memref<2x10240x32xf32, #tpu.memory_space<vmem_shared>> -> memref<1x10240x32xf32, #tpu.memory_space<vmem_shared>>
        %dma_start3A_350 = tpu.memref_squeeze %dma_start3A_349 : memref<1x10240x32xf32, #tpu.memory_space<vmem_shared>> -> memref<10240x32xf32, #tpu.memory_space<vmem_shared>>
        %dma_start3A_351 = arith.constant 0 : i32
        %dma_start3A_352 = arith.constant 0 : i32
        %dma_start3A_353 = tpu.memref_slice %dma_start3A_350[%dma_start3A_351, %dma_start3A_352] : memref<10240x32xf32, #tpu.memory_space<vmem_shared>> -> memref<10240x32xf32, #tpu.memory_space<vmem_shared>>
        tpu.enqueue_indirect_dma source(%dma_start3A_343 : memref<128x32xf32, #tpu.memory_space<vmem>>) target(%dma_start3A_353 : memref<10240x32xf32, #tpu.memory_space<vmem_shared>>) offsets(%dma_start3A_346 : memref<128xi32, #tpu.memory_space<vmem>>) semaphore(%run_scoped3A_339 : memref<!tpu.dma_semaphore, #tpu.memory_space<semaphore_mem>>) {add = true}
        %dma_wait3A_354 = arith.constant 0 : i32
        %dma_wait3A_355 = arith.constant 0 : i32
        %dma_wait3A_356 = tpu.memref_slice %arg9[%run_scoped3A_198, %run_scoped3A_199, %dma_wait3A_354, %dma_wait3A_355] : memref<4x2x128x32xf32, #tpu.memory_space<vmem>> -> memref<1x1x128x32xf32, #tpu.memory_space<vmem>>
        %dma_wait3A_357 = tpu.memref_squeeze %dma_wait3A_356 : memref<1x1x128x32xf32, #tpu.memory_space<vmem>> -> memref<128x32xf32, #tpu.memory_space<vmem>>
        %dma_wait3A_358 = arith.constant 0 : i32
        %dma_wait3A_359 = tpu.memref_slice %arg8[%add3A_164, %dma_wait3A_358] : memref<160x128xi32, #tpu.memory_space<vmem>> -> memref<1x128xi32, #tpu.memory_space<vmem>>
        %dma_wait3A_360 = tpu.memref_squeeze %dma_wait3A_359 : memref<1x128xi32, #tpu.memory_space<vmem>> -> memref<128xi32, #tpu.memory_space<vmem>>
        %dma_wait3A_361 = arith.constant 0 : i32
        %dma_wait3A_362 = arith.constant 0 : i32
        %dma_wait3A_363 = tpu.memref_slice %arg10[%scan3A_143, %dma_wait3A_361, %dma_wait3A_362] : memref<2x10240x32xf32, #tpu.memory_space<vmem_shared>> -> memref<1x10240x32xf32, #tpu.memory_space<vmem_shared>>
        %dma_wait3A_364 = tpu.memref_squeeze %dma_wait3A_363 : memref<1x10240x32xf32, #tpu.memory_space<vmem_shared>> -> memref<10240x32xf32, #tpu.memory_space<vmem_shared>>
        %dma_wait3A_365 = arith.constant 0 : i32
        %dma_wait3A_366 = arith.constant 0 : i32
        %dma_wait3A_367 = tpu.memref_slice %dma_wait3A_364[%dma_wait3A_365, %dma_wait3A_366] : memref<10240x32xf32, #tpu.memory_space<vmem_shared>> -> memref<10240x32xf32, #tpu.memory_space<vmem_shared>>
        tpu.wait_indirect_dma semaphore(%run_scoped3A_339 : memref<!tpu.dma_semaphore, #tpu.memory_space<semaphore_mem>>) src(%dma_wait3A_357 : memref<128x32xf32, #tpu.memory_space<vmem>>) dst(%dma_wait3A_367 : memref<10240x32xf32, #tpu.memory_space<vmem_shared>>)
        tpu.yield
      }) : () -> ()
      %add3A_200 = arith.constant 4 : i32
      %add3A_201 = arith.addi %add3A_164, %add3A_200 : i32
      %lt3A = arith.constant 160 : i32
      %lt3A_202 = arith.cmpi slt, %add3A_201, %lt3A : i32
      %convert_element_type3A = arith.extui %lt3A_202 : i1 to i32
      %cond3A = arith.constant 0 : i32
      %cond3A_203 = arith.cmpi ne, %convert_element_type3A, %cond3A : i32
      scf.if %cond3A_203 {
        %dma_start3A_339 = arith.constant 0 : i32
        %dma_start3A_340 = arith.constant 0 : i32
        %dma_start3A_341 = arith.constant 0 : i32
        %dma_start3A_342 = arith.constant 0 : i32
        %dma_start3A_343 = tpu.memref_slice %arg9[%dma_start3A_339, %dma_start3A_340, %dma_start3A_341, %dma_start3A_342] : memref<4x2x128x32xf32, #tpu.memory_space<vmem>> -> memref<1x1x128x32xf32, #tpu.memory_space<vmem>>
        %dma_start3A_344 = tpu.memref_squeeze %dma_start3A_343 : memref<1x1x128x32xf32, #tpu.memory_space<vmem>> -> memref<128x32xf32, #tpu.memory_space<vmem>>
        %dma_start3A_345 = arith.constant 0 : i32
        %dma_start3A_346 = tpu.memref_slice %arg7[%add3A_201, %dma_start3A_345] : memref<160x128xi32, #tpu.memory_space<vmem>> -> memref<1x128xi32, #tpu.memory_space<vmem>>
        %dma_start3A_347 = tpu.memref_squeeze %dma_start3A_346 : memref<1x128xi32, #tpu.memory_space<vmem>> -> memref<128xi32, #tpu.memory_space<vmem>>
        %dma_start3A_348 = arith.constant 0 : i32
        %dma_start3A_349 = arith.constant 0 : i32
        %dma_start3A_350 = tpu.memref_slice %arg2[%mul3A_3, %dma_start3A_348, %dma_start3A_349] : memref<4x10000x32xf32, #tpu.memory_space<hbm>> -> memref<1x10000x32xf32, #tpu.memory_space<hbm>>
        %dma_start3A_351 = tpu.memref_squeeze %dma_start3A_350 : memref<1x10000x32xf32, #tpu.memory_space<hbm>> -> memref<10000x32xf32, #tpu.memory_space<hbm>>
        %dma_start3A_352 = arith.constant 0 : i32
        %dma_start3A_353 = arith.constant 0 : i32
        %dma_start3A_354 = tpu.memref_slice %dma_start3A_351[%dma_start3A_352, %dma_start3A_353] : memref<10000x32xf32, #tpu.memory_space<hbm>> -> memref<10000x32xf32, #tpu.memory_space<hbm>>
        tpu.enqueue_indirect_dma source(%dma_start3A_354 : memref<10000x32xf32, #tpu.memory_space<hbm>>) target(%dma_start3A_344 : memref<128x32xf32, #tpu.memory_space<vmem>>) offsets(%dma_start3A_347 : memref<128xi32, #tpu.memory_space<vmem>>) semaphore(%arg11 : memref<!tpu.dma_semaphore, #tpu.memory_space<semaphore_mem>>)
        %dma_start3A_355 = arith.constant 0 : i32
        %dma_start3A_356 = arith.constant 1 : i32
        %dma_start3A_357 = arith.constant 0 : i32
        %dma_start3A_358 = arith.constant 0 : i32
        %dma_start3A_359 = tpu.memref_slice %arg9[%dma_start3A_355, %dma_start3A_356, %dma_start3A_357, %dma_start3A_358] : memref<4x2x128x32xf32, #tpu.memory_space<vmem>> -> memref<1x1x128x32xf32, #tpu.memory_space<vmem>>
        %dma_start3A_360 = tpu.memref_squeeze %dma_start3A_359 : memref<1x1x128x32xf32, #tpu.memory_space<vmem>> -> memref<128x32xf32, #tpu.memory_space<vmem>>
        %dma_start3A_361 = arith.constant 0 : i32
        %dma_start3A_362 = tpu.memref_slice %arg7[%add3A_201, %dma_start3A_361] : memref<160x128xi32, #tpu.memory_space<vmem>> -> memref<1x128xi32, #tpu.memory_space<vmem>>
        %dma_start3A_363 = tpu.memref_squeeze %dma_start3A_362 : memref<1x128xi32, #tpu.memory_space<vmem>> -> memref<128xi32, #tpu.memory_space<vmem>>
        %dma_start3A_364 = arith.constant 0 : i32
        %dma_start3A_365 = arith.constant 0 : i32
        %dma_start3A_366 = tpu.memref_slice %arg2[%add3A_6, %dma_start3A_364, %dma_start3A_365] : memref<4x10000x32xf32, #tpu.memory_space<hbm>> -> memref<1x10000x32xf32, #tpu.memory_space<hbm>>
        %dma_start3A_367 = tpu.memref_squeeze %dma_start3A_366 : memref<1x10000x32xf32, #tpu.memory_space<hbm>> -> memref<10000x32xf32, #tpu.memory_space<hbm>>
        %dma_start3A_368 = arith.constant 0 : i32
        %dma_start3A_369 = arith.constant 0 : i32
        %dma_start3A_370 = tpu.memref_slice %dma_start3A_367[%dma_start3A_368, %dma_start3A_369] : memref<10000x32xf32, #tpu.memory_space<hbm>> -> memref<10000x32xf32, #tpu.memory_space<hbm>>
        tpu.enqueue_indirect_dma source(%dma_start3A_370 : memref<10000x32xf32, #tpu.memory_space<hbm>>) target(%dma_start3A_360 : memref<128x32xf32, #tpu.memory_space<vmem>>) offsets(%dma_start3A_363 : memref<128xi32, #tpu.memory_space<vmem>>) semaphore(%arg11 : memref<!tpu.dma_semaphore, #tpu.memory_space<semaphore_mem>>)
      } else {
      }
      %add3A_204 = arith.constant 1 : i32
      %add3A_205 = arith.addi %mul3A_162, %add3A_204 : i32
      %dma_wait3A_206 = arith.constant 1 : i32
      %dma_wait3A_207 = arith.constant 0 : i32
      %dma_wait3A_208 = arith.constant 0 : i32
      %dma_wait3A_209 = arith.constant 0 : i32
      %dma_wait3A_210 = tpu.memref_slice %arg9[%dma_wait3A_206, %dma_wait3A_207, %dma_wait3A_208, %dma_wait3A_209] : memref<4x2x128x32xf32, #tpu.memory_space<vmem>> -> memref<1x1x128x32xf32, #tpu.memory_space<vmem>>
      %dma_wait3A_211 = tpu.memref_squeeze %dma_wait3A_210 : memref<1x1x128x32xf32, #tpu.memory_space<vmem>> -> memref<128x32xf32, #tpu.memory_space<vmem>>
      %dma_wait3A_212 = arith.constant 0 : i32
      %dma_wait3A_213 = tpu.memref_slice %arg7[%add3A_205, %dma_wait3A_212] : memref<160x128xi32, #tpu.memory_space<vmem>> -> memref<1x128xi32, #tpu.memory_space<vmem>>
      %dma_wait3A_214 = tpu.memref_squeeze %dma_wait3A_213 : memref<1x128xi32, #tpu.memory_space<vmem>> -> memref<128xi32, #tpu.memory_space<vmem>>
      %dma_wait3A_215 = arith.constant 0 : i32
      %dma_wait3A_216 = arith.constant 0 : i32
      %dma_wait3A_217 = tpu.memref_slice %arg2[%mul3A_3, %dma_wait3A_215, %dma_wait3A_216] : memref<4x10000x32xf32, #tpu.memory_space<hbm>> -> memref<1x10000x32xf32, #tpu.memory_space<hbm>>
      %dma_wait3A_218 = tpu.memref_squeeze %dma_wait3A_217 : memref<1x10000x32xf32, #tpu.memory_space<hbm>> -> memref<10000x32xf32, #tpu.memory_space<hbm>>
      %dma_wait3A_219 = arith.constant 0 : i32
      %dma_wait3A_220 = arith.constant 0 : i32
      %dma_wait3A_221 = tpu.memref_slice %dma_wait3A_218[%dma_wait3A_219, %dma_wait3A_220] : memref<10000x32xf32, #tpu.memory_space<hbm>> -> memref<10000x32xf32, #tpu.memory_space<hbm>>
      tpu.wait_indirect_dma semaphore(%arg12 : memref<!tpu.dma_semaphore, #tpu.memory_space<semaphore_mem>>) src(%dma_wait3A_221 : memref<10000x32xf32, #tpu.memory_space<hbm>>) dst(%dma_wait3A_211 : memref<128x32xf32, #tpu.memory_space<vmem>>)
      %dma_wait3A_222 = arith.constant 1 : i32
      %dma_wait3A_223 = arith.constant 1 : i32
      %dma_wait3A_224 = arith.constant 0 : i32
      %dma_wait3A_225 = arith.constant 0 : i32
      %dma_wait3A_226 = tpu.memref_slice %arg9[%dma_wait3A_222, %dma_wait3A_223, %dma_wait3A_224, %dma_wait3A_225] : memref<4x2x128x32xf32, #tpu.memory_space<vmem>> -> memref<1x1x128x32xf32, #tpu.memory_space<vmem>>
      %dma_wait3A_227 = tpu.memref_squeeze %dma_wait3A_226 : memref<1x1x128x32xf32, #tpu.memory_space<vmem>> -> memref<128x32xf32, #tpu.memory_space<vmem>>
      %dma_wait3A_228 = arith.constant 0 : i32
      %dma_wait3A_229 = tpu.memref_slice %arg7[%add3A_205, %dma_wait3A_228] : memref<160x128xi32, #tpu.memory_space<vmem>> -> memref<1x128xi32, #tpu.memory_space<vmem>>
      %dma_wait3A_230 = tpu.memref_squeeze %dma_wait3A_229 : memref<1x128xi32, #tpu.memory_space<vmem>> -> memref<128xi32, #tpu.memory_space<vmem>>
      %dma_wait3A_231 = arith.constant 0 : i32
      %dma_wait3A_232 = arith.constant 0 : i32
      %dma_wait3A_233 = tpu.memref_slice %arg2[%add3A_6, %dma_wait3A_231, %dma_wait3A_232] : memref<4x10000x32xf32, #tpu.memory_space<hbm>> -> memref<1x10000x32xf32, #tpu.memory_space<hbm>>
      %dma_wait3A_234 = tpu.memref_squeeze %dma_wait3A_233 : memref<1x10000x32xf32, #tpu.memory_space<hbm>> -> memref<10000x32xf32, #tpu.memory_space<hbm>>
      %dma_wait3A_235 = arith.constant 0 : i32
      %dma_wait3A_236 = arith.constant 0 : i32
      %dma_wait3A_237 = tpu.memref_slice %dma_wait3A_234[%dma_wait3A_235, %dma_wait3A_236] : memref<10000x32xf32, #tpu.memory_space<hbm>> -> memref<10000x32xf32, #tpu.memory_space<hbm>>
      tpu.wait_indirect_dma semaphore(%arg12 : memref<!tpu.dma_semaphore, #tpu.memory_space<semaphore_mem>>) src(%dma_wait3A_237 : memref<10000x32xf32, #tpu.memory_space<hbm>>) dst(%dma_wait3A_227 : memref<128x32xf32, #tpu.memory_space<vmem>>)
      %run_scoped3A_238 = arith.constant 1 : i32
      %run_scoped3A_239 = arith.constant 0 : i32
      "tpu.region"() ({
        %run_scoped3A_339 = tpu.sem_alloc : memref<!tpu.dma_semaphore, #tpu.memory_space<semaphore_mem>>
        %dma_start3A_340 = arith.constant 0 : i32
        %dma_start3A_341 = arith.constant 0 : i32
        %dma_start3A_342 = tpu.memref_slice %arg9[%run_scoped3A_238, %run_scoped3A_239, %dma_start3A_340, %dma_start3A_341] : memref<4x2x128x32xf32, #tpu.memory_space<vmem>> -> memref<1x1x128x32xf32, #tpu.memory_space<vmem>>
        %dma_start3A_343 = tpu.memref_squeeze %dma_start3A_342 : memref<1x1x128x32xf32, #tpu.memory_space<vmem>> -> memref<128x32xf32, #tpu.memory_space<vmem>>
        %dma_start3A_344 = arith.constant 0 : i32
        %dma_start3A_345 = tpu.memref_slice %arg8[%add3A_205, %dma_start3A_344] : memref<160x128xi32, #tpu.memory_space<vmem>> -> memref<1x128xi32, #tpu.memory_space<vmem>>
        %dma_start3A_346 = tpu.memref_squeeze %dma_start3A_345 : memref<1x128xi32, #tpu.memory_space<vmem>> -> memref<128xi32, #tpu.memory_space<vmem>>
        %dma_start3A_347 = arith.constant 0 : i32
        %dma_start3A_348 = arith.constant 0 : i32
        %dma_start3A_349 = tpu.memref_slice %arg10[%scan3A_142, %dma_start3A_347, %dma_start3A_348] : memref<2x10240x32xf32, #tpu.memory_space<vmem_shared>> -> memref<1x10240x32xf32, #tpu.memory_space<vmem_shared>>
        %dma_start3A_350 = tpu.memref_squeeze %dma_start3A_349 : memref<1x10240x32xf32, #tpu.memory_space<vmem_shared>> -> memref<10240x32xf32, #tpu.memory_space<vmem_shared>>
        %dma_start3A_351 = arith.constant 0 : i32
        %dma_start3A_352 = arith.constant 0 : i32
        %dma_start3A_353 = tpu.memref_slice %dma_start3A_350[%dma_start3A_351, %dma_start3A_352] : memref<10240x32xf32, #tpu.memory_space<vmem_shared>> -> memref<10240x32xf32, #tpu.memory_space<vmem_shared>>
        tpu.enqueue_indirect_dma source(%dma_start3A_343 : memref<128x32xf32, #tpu.memory_space<vmem>>) target(%dma_start3A_353 : memref<10240x32xf32, #tpu.memory_space<vmem_shared>>) offsets(%dma_start3A_346 : memref<128xi32, #tpu.memory_space<vmem>>) semaphore(%run_scoped3A_339 : memref<!tpu.dma_semaphore, #tpu.memory_space<semaphore_mem>>) {add = true}
        %dma_wait3A_354 = arith.constant 0 : i32
        %dma_wait3A_355 = arith.constant 0 : i32
        %dma_wait3A_356 = tpu.memref_slice %arg9[%run_scoped3A_238, %run_scoped3A_239, %dma_wait3A_354, %dma_wait3A_355] : memref<4x2x128x32xf32, #tpu.memory_space<vmem>> -> memref<1x1x128x32xf32, #tpu.memory_space<vmem>>
        %dma_wait3A_357 = tpu.memref_squeeze %dma_wait3A_356 : memref<1x1x128x32xf32, #tpu.memory_space<vmem>> -> memref<128x32xf32, #tpu.memory_space<vmem>>
        %dma_wait3A_358 = arith.constant 0 : i32
        %dma_wait3A_359 = tpu.memref_slice %arg8[%add3A_205, %dma_wait3A_358] : memref<160x128xi32, #tpu.memory_space<vmem>> -> memref<1x128xi32, #tpu.memory_space<vmem>>
        %dma_wait3A_360 = tpu.memref_squeeze %dma_wait3A_359 : memref<1x128xi32, #tpu.memory_space<vmem>> -> memref<128xi32, #tpu.memory_space<vmem>>
        %dma_wait3A_361 = arith.constant 0 : i32
        %dma_wait3A_362 = arith.constant 0 : i32
        %dma_wait3A_363 = tpu.memref_slice %arg10[%scan3A_142, %dma_wait3A_361, %dma_wait3A_362] : memref<2x10240x32xf32, #tpu.memory_space<vmem_shared>> -> memref<1x10240x32xf32, #tpu.memory_space<vmem_shared>>
        %dma_wait3A_364 = tpu.memref_squeeze %dma_wait3A_363 : memref<1x10240x32xf32, #tpu.memory_space<vmem_shared>> -> memref<10240x32xf32, #tpu.memory_space<vmem_shared>>
        %dma_wait3A_365 = arith.constant 0 : i32
        %dma_wait3A_366 = arith.constant 0 : i32
        %dma_wait3A_367 = tpu.memref_slice %dma_wait3A_364[%dma_wait3A_365, %dma_wait3A_366] : memref<10240x32xf32, #tpu.memory_space<vmem_shared>> -> memref<10240x32xf32, #tpu.memory_space<vmem_shared>>
        tpu.wait_indirect_dma semaphore(%run_scoped3A_339 : memref<!tpu.dma_semaphore, #tpu.memory_space<semaphore_mem>>) src(%dma_wait3A_357 : memref<128x32xf32, #tpu.memory_space<vmem>>) dst(%dma_wait3A_367 : memref<10240x32xf32, #tpu.memory_space<vmem_shared>>)
        tpu.yield
      }) : () -> ()
      %run_scoped3A_240 = arith.constant 1 : i32
      %run_scoped3A_241 = arith.constant 1 : i32
      "tpu.region"() ({
        %run_scoped3A_339 = tpu.sem_alloc : memref<!tpu.dma_semaphore, #tpu.memory_space<semaphore_mem>>
        %dma_start3A_340 = arith.constant 0 : i32
        %dma_start3A_341 = arith.constant 0 : i32
        %dma_start3A_342 = tpu.memref_slice %arg9[%run_scoped3A_240, %run_scoped3A_241, %dma_start3A_340, %dma_start3A_341] : memref<4x2x128x32xf32, #tpu.memory_space<vmem>> -> memref<1x1x128x32xf32, #tpu.memory_space<vmem>>
        %dma_start3A_343 = tpu.memref_squeeze %dma_start3A_342 : memref<1x1x128x32xf32, #tpu.memory_space<vmem>> -> memref<128x32xf32, #tpu.memory_space<vmem>>
        %dma_start3A_344 = arith.constant 0 : i32
        %dma_start3A_345 = tpu.memref_slice %arg8[%add3A_205, %dma_start3A_344] : memref<160x128xi32, #tpu.memory_space<vmem>> -> memref<1x128xi32, #tpu.memory_space<vmem>>
        %dma_start3A_346 = tpu.memref_squeeze %dma_start3A_345 : memref<1x128xi32, #tpu.memory_space<vmem>> -> memref<128xi32, #tpu.memory_space<vmem>>
        %dma_start3A_347 = arith.constant 0 : i32
        %dma_start3A_348 = arith.constant 0 : i32
        %dma_start3A_349 = tpu.memref_slice %arg10[%scan3A_143, %dma_start3A_347, %dma_start3A_348] : memref<2x10240x32xf32, #tpu.memory_space<vmem_shared>> -> memref<1x10240x32xf32, #tpu.memory_space<vmem_shared>>
        %dma_start3A_350 = tpu.memref_squeeze %dma_start3A_349 : memref<1x10240x32xf32, #tpu.memory_space<vmem_shared>> -> memref<10240x32xf32, #tpu.memory_space<vmem_shared>>
        %dma_start3A_351 = arith.constant 0 : i32
        %dma_start3A_352 = arith.constant 0 : i32
        %dma_start3A_353 = tpu.memref_slice %dma_start3A_350[%dma_start3A_351, %dma_start3A_352] : memref<10240x32xf32, #tpu.memory_space<vmem_shared>> -> memref<10240x32xf32, #tpu.memory_space<vmem_shared>>
        tpu.enqueue_indirect_dma source(%dma_start3A_343 : memref<128x32xf32, #tpu.memory_space<vmem>>) target(%dma_start3A_353 : memref<10240x32xf32, #tpu.memory_space<vmem_shared>>) offsets(%dma_start3A_346 : memref<128xi32, #tpu.memory_space<vmem>>) semaphore(%run_scoped3A_339 : memref<!tpu.dma_semaphore, #tpu.memory_space<semaphore_mem>>) {add = true}
        %dma_wait3A_354 = arith.constant 0 : i32
        %dma_wait3A_355 = arith.constant 0 : i32
        %dma_wait3A_356 = tpu.memref_slice %arg9[%run_scoped3A_240, %run_scoped3A_241, %dma_wait3A_354, %dma_wait3A_355] : memref<4x2x128x32xf32, #tpu.memory_space<vmem>> -> memref<1x1x128x32xf32, #tpu.memory_space<vmem>>
        %dma_wait3A_357 = tpu.memref_squeeze %dma_wait3A_356 : memref<1x1x128x32xf32, #tpu.memory_space<vmem>> -> memref<128x32xf32, #tpu.memory_space<vmem>>
        %dma_wait3A_358 = arith.constant 0 : i32
        %dma_wait3A_359 = tpu.memref_slice %arg8[%add3A_205, %dma_wait3A_358] : memref<160x128xi32, #tpu.memory_space<vmem>> -> memref<1x128xi32, #tpu.memory_space<vmem>>
        %dma_wait3A_360 = tpu.memref_squeeze %dma_wait3A_359 : memref<1x128xi32, #tpu.memory_space<vmem>> -> memref<128xi32, #tpu.memory_space<vmem>>
        %dma_wait3A_361 = arith.constant 0 : i32
        %dma_wait3A_362 = arith.constant 0 : i32
        %dma_wait3A_363 = tpu.memref_slice %arg10[%scan3A_143, %dma_wait3A_361, %dma_wait3A_362] : memref<2x10240x32xf32, #tpu.memory_space<vmem_shared>> -> memref<1x10240x32xf32, #tpu.memory_space<vmem_shared>>
        %dma_wait3A_364 = tpu.memref_squeeze %dma_wait3A_363 : memref<1x10240x32xf32, #tpu.memory_space<vmem_shared>> -> memref<10240x32xf32, #tpu.memory_space<vmem_shared>>
        %dma_wait3A_365 = arith.constant 0 : i32
        %dma_wait3A_366 = arith.constant 0 : i32
        %dma_wait3A_367 = tpu.memref_slice %dma_wait3A_364[%dma_wait3A_365, %dma_wait3A_366] : memref<10240x32xf32, #tpu.memory_space<vmem_shared>> -> memref<10240x32xf32, #tpu.memory_space<vmem_shared>>
        tpu.wait_indirect_dma semaphore(%run_scoped3A_339 : memref<!tpu.dma_semaphore, #tpu.memory_space<semaphore_mem>>) src(%dma_wait3A_357 : memref<128x32xf32, #tpu.memory_space<vmem>>) dst(%dma_wait3A_367 : memref<10240x32xf32, #tpu.memory_space<vmem_shared>>)
        tpu.yield
      }) : () -> ()
      %add3A_242 = arith.constant 4 : i32
      %add3A_243 = arith.addi %add3A_205, %add3A_242 : i32
      %lt3A_244 = arith.constant 160 : i32
      %lt3A_245 = arith.cmpi slt, %add3A_243, %lt3A_244 : i32
      %convert_element_type3A_246 = arith.extui %lt3A_245 : i1 to i32
      %cond3A_247 = arith.constant 0 : i32
      %cond3A_248 = arith.cmpi ne, %convert_element_type3A_246, %cond3A_247 : i32
      scf.if %cond3A_248 {
        %dma_start3A_339 = arith.constant 1 : i32
        %dma_start3A_340 = arith.constant 0 : i32
        %dma_start3A_341 = arith.constant 0 : i32
        %dma_start3A_342 = arith.constant 0 : i32
        %dma_start3A_343 = tpu.memref_slice %arg9[%dma_start3A_339, %dma_start3A_340, %dma_start3A_341, %dma_start3A_342] : memref<4x2x128x32xf32, #tpu.memory_space<vmem>> -> memref<1x1x128x32xf32, #tpu.memory_space<vmem>>
        %dma_start3A_344 = tpu.memref_squeeze %dma_start3A_343 : memref<1x1x128x32xf32, #tpu.memory_space<vmem>> -> memref<128x32xf32, #tpu.memory_space<vmem>>
        %dma_start3A_345 = arith.constant 0 : i32
        %dma_start3A_346 = tpu.memref_slice %arg7[%add3A_243, %dma_start3A_345] : memref<160x128xi32, #tpu.memory_space<vmem>> -> memref<1x128xi32, #tpu.memory_space<vmem>>
        %dma_start3A_347 = tpu.memref_squeeze %dma_start3A_346 : memref<1x128xi32, #tpu.memory_space<vmem>> -> memref<128xi32, #tpu.memory_space<vmem>>
        %dma_start3A_348 = arith.constant 0 : i32
        %dma_start3A_349 = arith.constant 0 : i32
        %dma_start3A_350 = tpu.memref_slice %arg2[%mul3A_3, %dma_start3A_348, %dma_start3A_349] : memref<4x10000x32xf32, #tpu.memory_space<hbm>> -> memref<1x10000x32xf32, #tpu.memory_space<hbm>>
        %dma_start3A_351 = tpu.memref_squeeze %dma_start3A_350 : memref<1x10000x32xf32, #tpu.memory_space<hbm>> -> memref<10000x32xf32, #tpu.memory_space<hbm>>
        %dma_start3A_352 = arith.constant 0 : i32
        %dma_start3A_353 = arith.constant 0 : i32
        %dma_start3A_354 = tpu.memref_slice %dma_start3A_351[%dma_start3A_352, %dma_start3A_353] : memref<10000x32xf32, #tpu.memory_space<hbm>> -> memref<10000x32xf32, #tpu.memory_space<hbm>>
        tpu.enqueue_indirect_dma source(%dma_start3A_354 : memref<10000x32xf32, #tpu.memory_space<hbm>>) target(%dma_start3A_344 : memref<128x32xf32, #tpu.memory_space<vmem>>) offsets(%dma_start3A_347 : memref<128xi32, #tpu.memory_space<vmem>>) semaphore(%arg12 : memref<!tpu.dma_semaphore, #tpu.memory_space<semaphore_mem>>)
        %dma_start3A_355 = arith.constant 1 : i32
        %dma_start3A_356 = arith.constant 1 : i32
        %dma_start3A_357 = arith.constant 0 : i32
        %dma_start3A_358 = arith.constant 0 : i32
        %dma_start3A_359 = tpu.memref_slice %arg9[%dma_start3A_355, %dma_start3A_356, %dma_start3A_357, %dma_start3A_358] : memref<4x2x128x32xf32, #tpu.memory_space<vmem>> -> memref<1x1x128x32xf32, #tpu.memory_space<vmem>>
        %dma_start3A_360 = tpu.memref_squeeze %dma_start3A_359 : memref<1x1x128x32xf32, #tpu.memory_space<vmem>> -> memref<128x32xf32, #tpu.memory_space<vmem>>
        %dma_start3A_361 = arith.constant 0 : i32
        %dma_start3A_362 = tpu.memref_slice %arg7[%add3A_243, %dma_start3A_361] : memref<160x128xi32, #tpu.memory_space<vmem>> -> memref<1x128xi32, #tpu.memory_space<vmem>>
        %dma_start3A_363 = tpu.memref_squeeze %dma_start3A_362 : memref<1x128xi32, #tpu.memory_space<vmem>> -> memref<128xi32, #tpu.memory_space<vmem>>
        %dma_start3A_364 = arith.constant 0 : i32
        %dma_start3A_365 = arith.constant 0 : i32
        %dma_start3A_366 = tpu.memref_slice %arg2[%add3A_6, %dma_start3A_364, %dma_start3A_365] : memref<4x10000x32xf32, #tpu.memory_space<hbm>> -> memref<1x10000x32xf32, #tpu.memory_space<hbm>>
        %dma_start3A_367 = tpu.memref_squeeze %dma_start3A_366 : memref<1x10000x32xf32, #tpu.memory_space<hbm>> -> memref<10000x32xf32, #tpu.memory_space<hbm>>
        %dma_start3A_368 = arith.constant 0 : i32
        %dma_start3A_369 = arith.constant 0 : i32
        %dma_start3A_370 = tpu.memref_slice %dma_start3A_367[%dma_start3A_368, %dma_start3A_369] : memref<10000x32xf32, #tpu.memory_space<hbm>> -> memref<10000x32xf32, #tpu.memory_space<hbm>>
        tpu.enqueue_indirect_dma source(%dma_start3A_370 : memref<10000x32xf32, #tpu.memory_space<hbm>>) target(%dma_start3A_360 : memref<128x32xf32, #tpu.memory_space<vmem>>) offsets(%dma_start3A_363 : memref<128xi32, #tpu.memory_space<vmem>>) semaphore(%arg12 : memref<!tpu.dma_semaphore, #tpu.memory_space<semaphore_mem>>)
      } else {
      }
      %add3A_249 = arith.constant 2 : i32
      %add3A_250 = arith.addi %mul3A_162, %add3A_249 : i32
      %dma_wait3A_251 = arith.constant 2 : i32
      %dma_wait3A_252 = arith.constant 0 : i32
      %dma_wait3A_253 = arith.constant 0 : i32
      %dma_wait3A_254 = arith.constant 0 : i32
      %dma_wait3A_255 = tpu.memref_slice %arg9[%dma_wait3A_251, %dma_wait3A_252, %dma_wait3A_253, %dma_wait3A_254] : memref<4x2x128x32xf32, #tpu.memory_space<vmem>> -> memref<1x1x128x32xf32, #tpu.memory_space<vmem>>
      %dma_wait3A_256 = tpu.memref_squeeze %dma_wait3A_255 : memref<1x1x128x32xf32, #tpu.memory_space<vmem>> -> memref<128x32xf32, #tpu.memory_space<vmem>>
      %dma_wait3A_257 = arith.constant 0 : i32
      %dma_wait3A_258 = tpu.memref_slice %arg7[%add3A_250, %dma_wait3A_257] : memref<160x128xi32, #tpu.memory_space<vmem>> -> memref<1x128xi32, #tpu.memory_space<vmem>>
      %dma_wait3A_259 = tpu.memref_squeeze %dma_wait3A_258 : memref<1x128xi32, #tpu.memory_space<vmem>> -> memref<128xi32, #tpu.memory_space<vmem>>
      %dma_wait3A_260 = arith.constant 0 : i32
      %dma_wait3A_261 = arith.constant 0 : i32
      %dma_wait3A_262 = tpu.memref_slice %arg2[%mul3A_3, %dma_wait3A_260, %dma_wait3A_261] : memref<4x10000x32xf32, #tpu.memory_space<hbm>> -> memref<1x10000x32xf32, #tpu.memory_space<hbm>>
      %dma_wait3A_263 = tpu.memref_squeeze %dma_wait3A_262 : memref<1x10000x32xf32, #tpu.memory_space<hbm>> -> memref<10000x32xf32, #tpu.memory_space<hbm>>
      %dma_wait3A_264 = arith.constant 0 : i32
      %dma_wait3A_265 = arith.constant 0 : i32
      %dma_wait3A_266 = tpu.memref_slice %dma_wait3A_263[%dma_wait3A_264, %dma_wait3A_265] : memref<10000x32xf32, #tpu.memory_space<hbm>> -> memref<10000x32xf32, #tpu.memory_space<hbm>>
      tpu.wait_indirect_dma semaphore(%arg13 : memref<!tpu.dma_semaphore, #tpu.memory_space<semaphore_mem>>) src(%dma_wait3A_266 : memref<10000x32xf32, #tpu.memory_space<hbm>>) dst(%dma_wait3A_256 : memref<128x32xf32, #tpu.memory_space<vmem>>)
      %dma_wait3A_267 = arith.constant 2 : i32
      %dma_wait3A_268 = arith.constant 1 : i32
      %dma_wait3A_269 = arith.constant 0 : i32
      %dma_wait3A_270 = arith.constant 0 : i32
      %dma_wait3A_271 = tpu.memref_slice %arg9[%dma_wait3A_267, %dma_wait3A_268, %dma_wait3A_269, %dma_wait3A_270] : memref<4x2x128x32xf32, #tpu.memory_space<vmem>> -> memref<1x1x128x32xf32, #tpu.memory_space<vmem>>
      %dma_wait3A_272 = tpu.memref_squeeze %dma_wait3A_271 : memref<1x1x128x32xf32, #tpu.memory_space<vmem>> -> memref<128x32xf32, #tpu.memory_space<vmem>>
      %dma_wait3A_273 = arith.constant 0 : i32
      %dma_wait3A_274 = tpu.memref_slice %arg7[%add3A_250, %dma_wait3A_273] : memref<160x128xi32, #tpu.memory_space<vmem>> -> memref<1x128xi32, #tpu.memory_space<vmem>>
      %dma_wait3A_275 = tpu.memref_squeeze %dma_wait3A_274 : memref<1x128xi32, #tpu.memory_space<vmem>> -> memref<128xi32, #tpu.memory_space<vmem>>
      %dma_wait3A_276 = arith.constant 0 : i32
      %dma_wait3A_277 = arith.constant 0 : i32
      %dma_wait3A_278 = tpu.memref_slice %arg2[%add3A_6, %dma_wait3A_276, %dma_wait3A_277] : memref<4x10000x32xf32, #tpu.memory_space<hbm>> -> memref<1x10000x32xf32, #tpu.memory_space<hbm>>
      %dma_wait3A_279 = tpu.memref_squeeze %dma_wait3A_278 : memref<1x10000x32xf32, #tpu.memory_space<hbm>> -> memref<10000x32xf32, #tpu.memory_space<hbm>>
      %dma_wait3A_280 = arith.constant 0 : i32
      %dma_wait3A_281 = arith.constant 0 : i32
      %dma_wait3A_282 = tpu.memref_slice %dma_wait3A_279[%dma_wait3A_280, %dma_wait3A_281] : memref<10000x32xf32, #tpu.memory_space<hbm>> -> memref<10000x32xf32, #tpu.memory_space<hbm>>
      tpu.wait_indirect_dma semaphore(%arg13 : memref<!tpu.dma_semaphore, #tpu.memory_space<semaphore_mem>>) src(%dma_wait3A_282 : memref<10000x32xf32, #tpu.memory_space<hbm>>) dst(%dma_wait3A_272 : memref<128x32xf32, #tpu.memory_space<vmem>>)
      %run_scoped3A_283 = arith.constant 2 : i32
      %run_scoped3A_284 = arith.constant 0 : i32
      "tpu.region"() ({
        %run_scoped3A_339 = tpu.sem_alloc : memref<!tpu.dma_semaphore, #tpu.memory_space<semaphore_mem>>
        %dma_start3A_340 = arith.constant 0 : i32
        %dma_start3A_341 = arith.constant 0 : i32
        %dma_start3A_342 = tpu.memref_slice %arg9[%run_scoped3A_283, %run_scoped3A_284, %dma_start3A_340, %dma_start3A_341] : memref<4x2x128x32xf32, #tpu.memory_space<vmem>> -> memref<1x1x128x32xf32, #tpu.memory_space<vmem>>
        %dma_start3A_343 = tpu.memref_squeeze %dma_start3A_342 : memref<1x1x128x32xf32, #tpu.memory_space<vmem>> -> memref<128x32xf32, #tpu.memory_space<vmem>>
        %dma_start3A_344 = arith.constant 0 : i32
        %dma_start3A_345 = tpu.memref_slice %arg8[%add3A_250, %dma_start3A_344] : memref<160x128xi32, #tpu.memory_space<vmem>> -> memref<1x128xi32, #tpu.memory_space<vmem>>
        %dma_start3A_346 = tpu.memref_squeeze %dma_start3A_345 : memref<1x128xi32, #tpu.memory_space<vmem>> -> memref<128xi32, #tpu.memory_space<vmem>>
        %dma_start3A_347 = arith.constant 0 : i32
        %dma_start3A_348 = arith.constant 0 : i32
        %dma_start3A_349 = tpu.memref_slice %arg10[%scan3A_142, %dma_start3A_347, %dma_start3A_348] : memref<2x10240x32xf32, #tpu.memory_space<vmem_shared>> -> memref<1x10240x32xf32, #tpu.memory_space<vmem_shared>>
        %dma_start3A_350 = tpu.memref_squeeze %dma_start3A_349 : memref<1x10240x32xf32, #tpu.memory_space<vmem_shared>> -> memref<10240x32xf32, #tpu.memory_space<vmem_shared>>
        %dma_start3A_351 = arith.constant 0 : i32
        %dma_start3A_352 = arith.constant 0 : i32
        %dma_start3A_353 = tpu.memref_slice %dma_start3A_350[%dma_start3A_351, %dma_start3A_352] : memref<10240x32xf32, #tpu.memory_space<vmem_shared>> -> memref<10240x32xf32, #tpu.memory_space<vmem_shared>>
        tpu.enqueue_indirect_dma source(%dma_start3A_343 : memref<128x32xf32, #tpu.memory_space<vmem>>) target(%dma_start3A_353 : memref<10240x32xf32, #tpu.memory_space<vmem_shared>>) offsets(%dma_start3A_346 : memref<128xi32, #tpu.memory_space<vmem>>) semaphore(%run_scoped3A_339 : memref<!tpu.dma_semaphore, #tpu.memory_space<semaphore_mem>>) {add = true}
        %dma_wait3A_354 = arith.constant 0 : i32
        %dma_wait3A_355 = arith.constant 0 : i32
        %dma_wait3A_356 = tpu.memref_slice %arg9[%run_scoped3A_283, %run_scoped3A_284, %dma_wait3A_354, %dma_wait3A_355] : memref<4x2x128x32xf32, #tpu.memory_space<vmem>> -> memref<1x1x128x32xf32, #tpu.memory_space<vmem>>
        %dma_wait3A_357 = tpu.memref_squeeze %dma_wait3A_356 : memref<1x1x128x32xf32, #tpu.memory_space<vmem>> -> memref<128x32xf32, #tpu.memory_space<vmem>>
        %dma_wait3A_358 = arith.constant 0 : i32
        %dma_wait3A_359 = tpu.memref_slice %arg8[%add3A_250, %dma_wait3A_358] : memref<160x128xi32, #tpu.memory_space<vmem>> -> memref<1x128xi32, #tpu.memory_space<vmem>>
        %dma_wait3A_360 = tpu.memref_squeeze %dma_wait3A_359 : memref<1x128xi32, #tpu.memory_space<vmem>> -> memref<128xi32, #tpu.memory_space<vmem>>
        %dma_wait3A_361 = arith.constant 0 : i32
        %dma_wait3A_362 = arith.constant 0 : i32
        %dma_wait3A_363 = tpu.memref_slice %arg10[%scan3A_142, %dma_wait3A_361, %dma_wait3A_362] : memref<2x10240x32xf32, #tpu.memory_space<vmem_shared>> -> memref<1x10240x32xf32, #tpu.memory_space<vmem_shared>>
        %dma_wait3A_364 = tpu.memref_squeeze %dma_wait3A_363 : memref<1x10240x32xf32, #tpu.memory_space<vmem_shared>> -> memref<10240x32xf32, #tpu.memory_space<vmem_shared>>
        %dma_wait3A_365 = arith.constant 0 : i32
        %dma_wait3A_366 = arith.constant 0 : i32
        %dma_wait3A_367 = tpu.memref_slice %dma_wait3A_364[%dma_wait3A_365, %dma_wait3A_366] : memref<10240x32xf32, #tpu.memory_space<vmem_shared>> -> memref<10240x32xf32, #tpu.memory_space<vmem_shared>>
        tpu.wait_indirect_dma semaphore(%run_scoped3A_339 : memref<!tpu.dma_semaphore, #tpu.memory_space<semaphore_mem>>) src(%dma_wait3A_357 : memref<128x32xf32, #tpu.memory_space<vmem>>) dst(%dma_wait3A_367 : memref<10240x32xf32, #tpu.memory_space<vmem_shared>>)
        tpu.yield
      }) : () -> ()
      %run_scoped3A_285 = arith.constant 2 : i32
      %run_scoped3A_286 = arith.constant 1 : i32
      "tpu.region"() ({
        %run_scoped3A_339 = tpu.sem_alloc : memref<!tpu.dma_semaphore, #tpu.memory_space<semaphore_mem>>
        %dma_start3A_340 = arith.constant 0 : i32
        %dma_start3A_341 = arith.constant 0 : i32
        %dma_start3A_342 = tpu.memref_slice %arg9[%run_scoped3A_285, %run_scoped3A_286, %dma_start3A_340, %dma_start3A_341] : memref<4x2x128x32xf32, #tpu.memory_space<vmem>> -> memref<1x1x128x32xf32, #tpu.memory_space<vmem>>
        %dma_start3A_343 = tpu.memref_squeeze %dma_start3A_342 : memref<1x1x128x32xf32, #tpu.memory_space<vmem>> -> memref<128x32xf32, #tpu.memory_space<vmem>>
        %dma_start3A_344 = arith.constant 0 : i32
        %dma_start3A_345 = tpu.memref_slice %arg8[%add3A_250, %dma_start3A_344] : memref<160x128xi32, #tpu.memory_space<vmem>> -> memref<1x128xi32, #tpu.memory_space<vmem>>
        %dma_start3A_346 = tpu.memref_squeeze %dma_start3A_345 : memref<1x128xi32, #tpu.memory_space<vmem>> -> memref<128xi32, #tpu.memory_space<vmem>>
        %dma_start3A_347 = arith.constant 0 : i32
        %dma_start3A_348 = arith.constant 0 : i32
        %dma_start3A_349 = tpu.memref_slice %arg10[%scan3A_143, %dma_start3A_347, %dma_start3A_348] : memref<2x10240x32xf32, #tpu.memory_space<vmem_shared>> -> memref<1x10240x32xf32, #tpu.memory_space<vmem_shared>>
        %dma_start3A_350 = tpu.memref_squeeze %dma_start3A_349 : memref<1x10240x32xf32, #tpu.memory_space<vmem_shared>> -> memref<10240x32xf32, #tpu.memory_space<vmem_shared>>
        %dma_start3A_351 = arith.constant 0 : i32
        %dma_start3A_352 = arith.constant 0 : i32
        %dma_start3A_353 = tpu.memref_slice %dma_start3A_350[%dma_start3A_351, %dma_start3A_352] : memref<10240x32xf32, #tpu.memory_space<vmem_shared>> -> memref<10240x32xf32, #tpu.memory_space<vmem_shared>>
        tpu.enqueue_indirect_dma source(%dma_start3A_343 : memref<128x32xf32, #tpu.memory_space<vmem>>) target(%dma_start3A_353 : memref<10240x32xf32, #tpu.memory_space<vmem_shared>>) offsets(%dma_start3A_346 : memref<128xi32, #tpu.memory_space<vmem>>) semaphore(%run_scoped3A_339 : memref<!tpu.dma_semaphore, #tpu.memory_space<semaphore_mem>>) {add = true}
        %dma_wait3A_354 = arith.constant 0 : i32
        %dma_wait3A_355 = arith.constant 0 : i32
        %dma_wait3A_356 = tpu.memref_slice %arg9[%run_scoped3A_285, %run_scoped3A_286, %dma_wait3A_354, %dma_wait3A_355] : memref<4x2x128x32xf32, #tpu.memory_space<vmem>> -> memref<1x1x128x32xf32, #tpu.memory_space<vmem>>
        %dma_wait3A_357 = tpu.memref_squeeze %dma_wait3A_356 : memref<1x1x128x32xf32, #tpu.memory_space<vmem>> -> memref<128x32xf32, #tpu.memory_space<vmem>>
        %dma_wait3A_358 = arith.constant 0 : i32
        %dma_wait3A_359 = tpu.memref_slice %arg8[%add3A_250, %dma_wait3A_358] : memref<160x128xi32, #tpu.memory_space<vmem>> -> memref<1x128xi32, #tpu.memory_space<vmem>>
        %dma_wait3A_360 = tpu.memref_squeeze %dma_wait3A_359 : memref<1x128xi32, #tpu.memory_space<vmem>> -> memref<128xi32, #tpu.memory_space<vmem>>
        %dma_wait3A_361 = arith.constant 0 : i32
        %dma_wait3A_362 = arith.constant 0 : i32
        %dma_wait3A_363 = tpu.memref_slice %arg10[%scan3A_143, %dma_wait3A_361, %dma_wait3A_362] : memref<2x10240x32xf32, #tpu.memory_space<vmem_shared>> -> memref<1x10240x32xf32, #tpu.memory_space<vmem_shared>>
        %dma_wait3A_364 = tpu.memref_squeeze %dma_wait3A_363 : memref<1x10240x32xf32, #tpu.memory_space<vmem_shared>> -> memref<10240x32xf32, #tpu.memory_space<vmem_shared>>
        %dma_wait3A_365 = arith.constant 0 : i32
        %dma_wait3A_366 = arith.constant 0 : i32
        %dma_wait3A_367 = tpu.memref_slice %dma_wait3A_364[%dma_wait3A_365, %dma_wait3A_366] : memref<10240x32xf32, #tpu.memory_space<vmem_shared>> -> memref<10240x32xf32, #tpu.memory_space<vmem_shared>>
        tpu.wait_indirect_dma semaphore(%run_scoped3A_339 : memref<!tpu.dma_semaphore, #tpu.memory_space<semaphore_mem>>) src(%dma_wait3A_357 : memref<128x32xf32, #tpu.memory_space<vmem>>) dst(%dma_wait3A_367 : memref<10240x32xf32, #tpu.memory_space<vmem_shared>>)
        tpu.yield
      }) : () -> ()
      %add3A_287 = arith.constant 4 : i32
      %add3A_288 = arith.addi %add3A_250, %add3A_287 : i32
      %lt3A_289 = arith.constant 160 : i32
      %lt3A_290 = arith.cmpi slt, %add3A_288, %lt3A_289 : i32
      %convert_element_type3A_291 = arith.extui %lt3A_290 : i1 to i32
      %cond3A_292 = arith.constant 0 : i32
      %cond3A_293 = arith.cmpi ne, %convert_element_type3A_291, %cond3A_292 : i32
      scf.if %cond3A_293 {
        %dma_start3A_339 = arith.constant 2 : i32
        %dma_start3A_340 = arith.constant 0 : i32
        %dma_start3A_341 = arith.constant 0 : i32
        %dma_start3A_342 = arith.constant 0 : i32
        %dma_start3A_343 = tpu.memref_slice %arg9[%dma_start3A_339, %dma_start3A_340, %dma_start3A_341, %dma_start3A_342] : memref<4x2x128x32xf32, #tpu.memory_space<vmem>> -> memref<1x1x128x32xf32, #tpu.memory_space<vmem>>
        %dma_start3A_344 = tpu.memref_squeeze %dma_start3A_343 : memref<1x1x128x32xf32, #tpu.memory_space<vmem>> -> memref<128x32xf32, #tpu.memory_space<vmem>>
        %dma_start3A_345 = arith.constant 0 : i32
        %dma_start3A_346 = tpu.memref_slice %arg7[%add3A_288, %dma_start3A_345] : memref<160x128xi32, #tpu.memory_space<vmem>> -> memref<1x128xi32, #tpu.memory_space<vmem>>
        %dma_start3A_347 = tpu.memref_squeeze %dma_start3A_346 : memref<1x128xi32, #tpu.memory_space<vmem>> -> memref<128xi32, #tpu.memory_space<vmem>>
        %dma_start3A_348 = arith.constant 0 : i32
        %dma_start3A_349 = arith.constant 0 : i32
        %dma_start3A_350 = tpu.memref_slice %arg2[%mul3A_3, %dma_start3A_348, %dma_start3A_349] : memref<4x10000x32xf32, #tpu.memory_space<hbm>> -> memref<1x10000x32xf32, #tpu.memory_space<hbm>>
        %dma_start3A_351 = tpu.memref_squeeze %dma_start3A_350 : memref<1x10000x32xf32, #tpu.memory_space<hbm>> -> memref<10000x32xf32, #tpu.memory_space<hbm>>
        %dma_start3A_352 = arith.constant 0 : i32
        %dma_start3A_353 = arith.constant 0 : i32
        %dma_start3A_354 = tpu.memref_slice %dma_start3A_351[%dma_start3A_352, %dma_start3A_353] : memref<10000x32xf32, #tpu.memory_space<hbm>> -> memref<10000x32xf32, #tpu.memory_space<hbm>>
        tpu.enqueue_indirect_dma source(%dma_start3A_354 : memref<10000x32xf32, #tpu.memory_space<hbm>>) target(%dma_start3A_344 : memref<128x32xf32, #tpu.memory_space<vmem>>) offsets(%dma_start3A_347 : memref<128xi32, #tpu.memory_space<vmem>>) semaphore(%arg13 : memref<!tpu.dma_semaphore, #tpu.memory_space<semaphore_mem>>)
        %dma_start3A_355 = arith.constant 2 : i32
        %dma_start3A_356 = arith.constant 1 : i32
        %dma_start3A_357 = arith.constant 0 : i32
        %dma_start3A_358 = arith.constant 0 : i32
        %dma_start3A_359 = tpu.memref_slice %arg9[%dma_start3A_355, %dma_start3A_356, %dma_start3A_357, %dma_start3A_358] : memref<4x2x128x32xf32, #tpu.memory_space<vmem>> -> memref<1x1x128x32xf32, #tpu.memory_space<vmem>>
        %dma_start3A_360 = tpu.memref_squeeze %dma_start3A_359 : memref<1x1x128x32xf32, #tpu.memory_space<vmem>> -> memref<128x32xf32, #tpu.memory_space<vmem>>
        %dma_start3A_361 = arith.constant 0 : i32
        %dma_start3A_362 = tpu.memref_slice %arg7[%add3A_288, %dma_start3A_361] : memref<160x128xi32, #tpu.memory_space<vmem>> -> memref<1x128xi32, #tpu.memory_space<vmem>>
        %dma_start3A_363 = tpu.memref_squeeze %dma_start3A_362 : memref<1x128xi32, #tpu.memory_space<vmem>> -> memref<128xi32, #tpu.memory_space<vmem>>
        %dma_start3A_364 = arith.constant 0 : i32
        %dma_start3A_365 = arith.constant 0 : i32
        %dma_start3A_366 = tpu.memref_slice %arg2[%add3A_6, %dma_start3A_364, %dma_start3A_365] : memref<4x10000x32xf32, #tpu.memory_space<hbm>> -> memref<1x10000x32xf32, #tpu.memory_space<hbm>>
        %dma_start3A_367 = tpu.memref_squeeze %dma_start3A_366 : memref<1x10000x32xf32, #tpu.memory_space<hbm>> -> memref<10000x32xf32, #tpu.memory_space<hbm>>
        %dma_start3A_368 = arith.constant 0 : i32
        %dma_start3A_369 = arith.constant 0 : i32
        %dma_start3A_370 = tpu.memref_slice %dma_start3A_367[%dma_start3A_368, %dma_start3A_369] : memref<10000x32xf32, #tpu.memory_space<hbm>> -> memref<10000x32xf32, #tpu.memory_space<hbm>>
        tpu.enqueue_indirect_dma source(%dma_start3A_370 : memref<10000x32xf32, #tpu.memory_space<hbm>>) target(%dma_start3A_360 : memref<128x32xf32, #tpu.memory_space<vmem>>) offsets(%dma_start3A_363 : memref<128xi32, #tpu.memory_space<vmem>>) semaphore(%arg13 : memref<!tpu.dma_semaphore, #tpu.memory_space<semaphore_mem>>)
      } else {
      }
      %add3A_294 = arith.constant 3 : i32
      %add3A_295 = arith.addi %mul3A_162, %add3A_294 : i32
      %dma_wait3A_296 = arith.constant 3 : i32
      %dma_wait3A_297 = arith.constant 0 : i32
      %dma_wait3A_298 = arith.constant 0 : i32
      %dma_wait3A_299 = arith.constant 0 : i32
      %dma_wait3A_300 = tpu.memref_slice %arg9[%dma_wait3A_296, %dma_wait3A_297, %dma_wait3A_298, %dma_wait3A_299] : memref<4x2x128x32xf32, #tpu.memory_space<vmem>> -> memref<1x1x128x32xf32, #tpu.memory_space<vmem>>
      %dma_wait3A_301 = tpu.memref_squeeze %dma_wait3A_300 : memref<1x1x128x32xf32, #tpu.memory_space<vmem>> -> memref<128x32xf32, #tpu.memory_space<vmem>>
      %dma_wait3A_302 = arith.constant 0 : i32
      %dma_wait3A_303 = tpu.memref_slice %arg7[%add3A_295, %dma_wait3A_302] : memref<160x128xi32, #tpu.memory_space<vmem>> -> memref<1x128xi32, #tpu.memory_space<vmem>>
      %dma_wait3A_304 = tpu.memref_squeeze %dma_wait3A_303 : memref<1x128xi32, #tpu.memory_space<vmem>> -> memref<128xi32, #tpu.memory_space<vmem>>
      %dma_wait3A_305 = arith.constant 0 : i32
      %dma_wait3A_306 = arith.constant 0 : i32
      %dma_wait3A_307 = tpu.memref_slice %arg2[%mul3A_3, %dma_wait3A_305, %dma_wait3A_306] : memref<4x10000x32xf32, #tpu.memory_space<hbm>> -> memref<1x10000x32xf32, #tpu.memory_space<hbm>>
      %dma_wait3A_308 = tpu.memref_squeeze %dma_wait3A_307 : memref<1x10000x32xf32, #tpu.memory_space<hbm>> -> memref<10000x32xf32, #tpu.memory_space<hbm>>
      %dma_wait3A_309 = arith.constant 0 : i32
      %dma_wait3A_310 = arith.constant 0 : i32
      %dma_wait3A_311 = tpu.memref_slice %dma_wait3A_308[%dma_wait3A_309, %dma_wait3A_310] : memref<10000x32xf32, #tpu.memory_space<hbm>> -> memref<10000x32xf32, #tpu.memory_space<hbm>>
      tpu.wait_indirect_dma semaphore(%arg14 : memref<!tpu.dma_semaphore, #tpu.memory_space<semaphore_mem>>) src(%dma_wait3A_311 : memref<10000x32xf32, #tpu.memory_space<hbm>>) dst(%dma_wait3A_301 : memref<128x32xf32, #tpu.memory_space<vmem>>)
      %dma_wait3A_312 = arith.constant 3 : i32
      %dma_wait3A_313 = arith.constant 1 : i32
      %dma_wait3A_314 = arith.constant 0 : i32
      %dma_wait3A_315 = arith.constant 0 : i32
      %dma_wait3A_316 = tpu.memref_slice %arg9[%dma_wait3A_312, %dma_wait3A_313, %dma_wait3A_314, %dma_wait3A_315] : memref<4x2x128x32xf32, #tpu.memory_space<vmem>> -> memref<1x1x128x32xf32, #tpu.memory_space<vmem>>
      %dma_wait3A_317 = tpu.memref_squeeze %dma_wait3A_316 : memref<1x1x128x32xf32, #tpu.memory_space<vmem>> -> memref<128x32xf32, #tpu.memory_space<vmem>>
      %dma_wait3A_318 = arith.constant 0 : i32
      %dma_wait3A_319 = tpu.memref_slice %arg7[%add3A_295, %dma_wait3A_318] : memref<160x128xi32, #tpu.memory_space<vmem>> -> memref<1x128xi32, #tpu.memory_space<vmem>>
      %dma_wait3A_320 = tpu.memref_squeeze %dma_wait3A_319 : memref<1x128xi32, #tpu.memory_space<vmem>> -> memref<128xi32, #tpu.memory_space<vmem>>
      %dma_wait3A_321 = arith.constant 0 : i32
      %dma_wait3A_322 = arith.constant 0 : i32
      %dma_wait3A_323 = tpu.memref_slice %arg2[%add3A_6, %dma_wait3A_321, %dma_wait3A_322] : memref<4x10000x32xf32, #tpu.memory_space<hbm>> -> memref<1x10000x32xf32, #tpu.memory_space<hbm>>
      %dma_wait3A_324 = tpu.memref_squeeze %dma_wait3A_323 : memref<1x10000x32xf32, #tpu.memory_space<hbm>> -> memref<10000x32xf32, #tpu.memory_space<hbm>>
      %dma_wait3A_325 = arith.constant 0 : i32
      %dma_wait3A_326 = arith.constant 0 : i32
      %dma_wait3A_327 = tpu.memref_slice %dma_wait3A_324[%dma_wait3A_325, %dma_wait3A_326] : memref<10000x32xf32, #tpu.memory_space<hbm>> -> memref<10000x32xf32, #tpu.memory_space<hbm>>
      tpu.wait_indirect_dma semaphore(%arg14 : memref<!tpu.dma_semaphore, #tpu.memory_space<semaphore_mem>>) src(%dma_wait3A_327 : memref<10000x32xf32, #tpu.memory_space<hbm>>) dst(%dma_wait3A_317 : memref<128x32xf32, #tpu.memory_space<vmem>>)
      %run_scoped3A_328 = arith.constant 3 : i32
      %run_scoped3A_329 = arith.constant 0 : i32
      "tpu.region"() ({
        %run_scoped3A_339 = tpu.sem_alloc : memref<!tpu.dma_semaphore, #tpu.memory_space<semaphore_mem>>
        %dma_start3A_340 = arith.constant 0 : i32
        %dma_start3A_341 = arith.constant 0 : i32
        %dma_start3A_342 = tpu.memref_slice %arg9[%run_scoped3A_328, %run_scoped3A_329, %dma_start3A_340, %dma_start3A_341] : memref<4x2x128x32xf32, #tpu.memory_space<vmem>> -> memref<1x1x128x32xf32, #tpu.memory_space<vmem>>
        %dma_start3A_343 = tpu.memref_squeeze %dma_start3A_342 : memref<1x1x128x32xf32, #tpu.memory_space<vmem>> -> memref<128x32xf32, #tpu.memory_space<vmem>>
        %dma_start3A_344 = arith.constant 0 : i32
        %dma_start3A_345 = tpu.memref_slice %arg8[%add3A_295, %dma_start3A_344] : memref<160x128xi32, #tpu.memory_space<vmem>> -> memref<1x128xi32, #tpu.memory_space<vmem>>
        %dma_start3A_346 = tpu.memref_squeeze %dma_start3A_345 : memref<1x128xi32, #tpu.memory_space<vmem>> -> memref<128xi32, #tpu.memory_space<vmem>>
        %dma_start3A_347 = arith.constant 0 : i32
        %dma_start3A_348 = arith.constant 0 : i32
        %dma_start3A_349 = tpu.memref_slice %arg10[%scan3A_142, %dma_start3A_347, %dma_start3A_348] : memref<2x10240x32xf32, #tpu.memory_space<vmem_shared>> -> memref<1x10240x32xf32, #tpu.memory_space<vmem_shared>>
        %dma_start3A_350 = tpu.memref_squeeze %dma_start3A_349 : memref<1x10240x32xf32, #tpu.memory_space<vmem_shared>> -> memref<10240x32xf32, #tpu.memory_space<vmem_shared>>
        %dma_start3A_351 = arith.constant 0 : i32
        %dma_start3A_352 = arith.constant 0 : i32
        %dma_start3A_353 = tpu.memref_slice %dma_start3A_350[%dma_start3A_351, %dma_start3A_352] : memref<10240x32xf32, #tpu.memory_space<vmem_shared>> -> memref<10240x32xf32, #tpu.memory_space<vmem_shared>>
        tpu.enqueue_indirect_dma source(%dma_start3A_343 : memref<128x32xf32, #tpu.memory_space<vmem>>) target(%dma_start3A_353 : memref<10240x32xf32, #tpu.memory_space<vmem_shared>>) offsets(%dma_start3A_346 : memref<128xi32, #tpu.memory_space<vmem>>) semaphore(%run_scoped3A_339 : memref<!tpu.dma_semaphore, #tpu.memory_space<semaphore_mem>>) {add = true}
        %dma_wait3A_354 = arith.constant 0 : i32
        %dma_wait3A_355 = arith.constant 0 : i32
        %dma_wait3A_356 = tpu.memref_slice %arg9[%run_scoped3A_328, %run_scoped3A_329, %dma_wait3A_354, %dma_wait3A_355] : memref<4x2x128x32xf32, #tpu.memory_space<vmem>> -> memref<1x1x128x32xf32, #tpu.memory_space<vmem>>
        %dma_wait3A_357 = tpu.memref_squeeze %dma_wait3A_356 : memref<1x1x128x32xf32, #tpu.memory_space<vmem>> -> memref<128x32xf32, #tpu.memory_space<vmem>>
        %dma_wait3A_358 = arith.constant 0 : i32
        %dma_wait3A_359 = tpu.memref_slice %arg8[%add3A_295, %dma_wait3A_358] : memref<160x128xi32, #tpu.memory_space<vmem>> -> memref<1x128xi32, #tpu.memory_space<vmem>>
        %dma_wait3A_360 = tpu.memref_squeeze %dma_wait3A_359 : memref<1x128xi32, #tpu.memory_space<vmem>> -> memref<128xi32, #tpu.memory_space<vmem>>
        %dma_wait3A_361 = arith.constant 0 : i32
        %dma_wait3A_362 = arith.constant 0 : i32
        %dma_wait3A_363 = tpu.memref_slice %arg10[%scan3A_142, %dma_wait3A_361, %dma_wait3A_362] : memref<2x10240x32xf32, #tpu.memory_space<vmem_shared>> -> memref<1x10240x32xf32, #tpu.memory_space<vmem_shared>>
        %dma_wait3A_364 = tpu.memref_squeeze %dma_wait3A_363 : memref<1x10240x32xf32, #tpu.memory_space<vmem_shared>> -> memref<10240x32xf32, #tpu.memory_space<vmem_shared>>
        %dma_wait3A_365 = arith.constant 0 : i32
        %dma_wait3A_366 = arith.constant 0 : i32
        %dma_wait3A_367 = tpu.memref_slice %dma_wait3A_364[%dma_wait3A_365, %dma_wait3A_366] : memref<10240x32xf32, #tpu.memory_space<vmem_shared>> -> memref<10240x32xf32, #tpu.memory_space<vmem_shared>>
        tpu.wait_indirect_dma semaphore(%run_scoped3A_339 : memref<!tpu.dma_semaphore, #tpu.memory_space<semaphore_mem>>) src(%dma_wait3A_357 : memref<128x32xf32, #tpu.memory_space<vmem>>) dst(%dma_wait3A_367 : memref<10240x32xf32, #tpu.memory_space<vmem_shared>>)
        tpu.yield
      }) : () -> ()
      %run_scoped3A_330 = arith.constant 3 : i32
      %run_scoped3A_331 = arith.constant 1 : i32
      "tpu.region"() ({
        %run_scoped3A_339 = tpu.sem_alloc : memref<!tpu.dma_semaphore, #tpu.memory_space<semaphore_mem>>
        %dma_start3A_340 = arith.constant 0 : i32
        %dma_start3A_341 = arith.constant 0 : i32
        %dma_start3A_342 = tpu.memref_slice %arg9[%run_scoped3A_330, %run_scoped3A_331, %dma_start3A_340, %dma_start3A_341] : memref<4x2x128x32xf32, #tpu.memory_space<vmem>> -> memref<1x1x128x32xf32, #tpu.memory_space<vmem>>
        %dma_start3A_343 = tpu.memref_squeeze %dma_start3A_342 : memref<1x1x128x32xf32, #tpu.memory_space<vmem>> -> memref<128x32xf32, #tpu.memory_space<vmem>>
        %dma_start3A_344 = arith.constant 0 : i32
        %dma_start3A_345 = tpu.memref_slice %arg8[%add3A_295, %dma_start3A_344] : memref<160x128xi32, #tpu.memory_space<vmem>> -> memref<1x128xi32, #tpu.memory_space<vmem>>
        %dma_start3A_346 = tpu.memref_squeeze %dma_start3A_345 : memref<1x128xi32, #tpu.memory_space<vmem>> -> memref<128xi32, #tpu.memory_space<vmem>>
        %dma_start3A_347 = arith.constant 0 : i32
        %dma_start3A_348 = arith.constant 0 : i32
        %dma_start3A_349 = tpu.memref_slice %arg10[%scan3A_143, %dma_start3A_347, %dma_start3A_348] : memref<2x10240x32xf32, #tpu.memory_space<vmem_shared>> -> memref<1x10240x32xf32, #tpu.memory_space<vmem_shared>>
        %dma_start3A_350 = tpu.memref_squeeze %dma_start3A_349 : memref<1x10240x32xf32, #tpu.memory_space<vmem_shared>> -> memref<10240x32xf32, #tpu.memory_space<vmem_shared>>
        %dma_start3A_351 = arith.constant 0 : i32
        %dma_start3A_352 = arith.constant 0 : i32
        %dma_start3A_353 = tpu.memref_slice %dma_start3A_350[%dma_start3A_351, %dma_start3A_352] : memref<10240x32xf32, #tpu.memory_space<vmem_shared>> -> memref<10240x32xf32, #tpu.memory_space<vmem_shared>>
        tpu.enqueue_indirect_dma source(%dma_start3A_343 : memref<128x32xf32, #tpu.memory_space<vmem>>) target(%dma_start3A_353 : memref<10240x32xf32, #tpu.memory_space<vmem_shared>>) offsets(%dma_start3A_346 : memref<128xi32, #tpu.memory_space<vmem>>) semaphore(%run_scoped3A_339 : memref<!tpu.dma_semaphore, #tpu.memory_space<semaphore_mem>>) {add = true}
        %dma_wait3A_354 = arith.constant 0 : i32
        %dma_wait3A_355 = arith.constant 0 : i32
        %dma_wait3A_356 = tpu.memref_slice %arg9[%run_scoped3A_330, %run_scoped3A_331, %dma_wait3A_354, %dma_wait3A_355] : memref<4x2x128x32xf32, #tpu.memory_space<vmem>> -> memref<1x1x128x32xf32, #tpu.memory_space<vmem>>
        %dma_wait3A_357 = tpu.memref_squeeze %dma_wait3A_356 : memref<1x1x128x32xf32, #tpu.memory_space<vmem>> -> memref<128x32xf32, #tpu.memory_space<vmem>>
        %dma_wait3A_358 = arith.constant 0 : i32
        %dma_wait3A_359 = tpu.memref_slice %arg8[%add3A_295, %dma_wait3A_358] : memref<160x128xi32, #tpu.memory_space<vmem>> -> memref<1x128xi32, #tpu.memory_space<vmem>>
        %dma_wait3A_360 = tpu.memref_squeeze %dma_wait3A_359 : memref<1x128xi32, #tpu.memory_space<vmem>> -> memref<128xi32, #tpu.memory_space<vmem>>
        %dma_wait3A_361 = arith.constant 0 : i32
        %dma_wait3A_362 = arith.constant 0 : i32
        %dma_wait3A_363 = tpu.memref_slice %arg10[%scan3A_143, %dma_wait3A_361, %dma_wait3A_362] : memref<2x10240x32xf32, #tpu.memory_space<vmem_shared>> -> memref<1x10240x32xf32, #tpu.memory_space<vmem_shared>>
        %dma_wait3A_364 = tpu.memref_squeeze %dma_wait3A_363 : memref<1x10240x32xf32, #tpu.memory_space<vmem_shared>> -> memref<10240x32xf32, #tpu.memory_space<vmem_shared>>
        %dma_wait3A_365 = arith.constant 0 : i32
        %dma_wait3A_366 = arith.constant 0 : i32
        %dma_wait3A_367 = tpu.memref_slice %dma_wait3A_364[%dma_wait3A_365, %dma_wait3A_366] : memref<10240x32xf32, #tpu.memory_space<vmem_shared>> -> memref<10240x32xf32, #tpu.memory_space<vmem_shared>>
        tpu.wait_indirect_dma semaphore(%run_scoped3A_339 : memref<!tpu.dma_semaphore, #tpu.memory_space<semaphore_mem>>) src(%dma_wait3A_357 : memref<128x32xf32, #tpu.memory_space<vmem>>) dst(%dma_wait3A_367 : memref<10240x32xf32, #tpu.memory_space<vmem_shared>>)
        tpu.yield
      }) : () -> ()
      %add3A_332 = arith.constant 4 : i32
      %add3A_333 = arith.addi %add3A_295, %add3A_332 : i32
      %lt3A_334 = arith.constant 160 : i32
      %lt3A_335 = arith.cmpi slt, %add3A_333, %lt3A_334 : i32
      %convert_element_type3A_336 = arith.extui %lt3A_335 : i1 to i32
      %cond3A_337 = arith.constant 0 : i32
      %cond3A_338 = arith.cmpi ne, %convert_element_type3A_336, %cond3A_337 : i32
      scf.if %cond3A_338 {
        %dma_start3A_339 = arith.constant 3 : i32
        %dma_start3A_340 = arith.constant 0 : i32
        %dma_start3A_341 = arith.constant 0 : i32
        %dma_start3A_342 = arith.constant 0 : i32
        %dma_start3A_343 = tpu.memref_slice %arg9[%dma_start3A_339, %dma_start3A_340, %dma_start3A_341, %dma_start3A_342] : memref<4x2x128x32xf32, #tpu.memory_space<vmem>> -> memref<1x1x128x32xf32, #tpu.memory_space<vmem>>
        %dma_start3A_344 = tpu.memref_squeeze %dma_start3A_343 : memref<1x1x128x32xf32, #tpu.memory_space<vmem>> -> memref<128x32xf32, #tpu.memory_space<vmem>>
        %dma_start3A_345 = arith.constant 0 : i32
        %dma_start3A_346 = tpu.memref_slice %arg7[%add3A_333, %dma_start3A_345] : memref<160x128xi32, #tpu.memory_space<vmem>> -> memref<1x128xi32, #tpu.memory_space<vmem>>
        %dma_start3A_347 = tpu.memref_squeeze %dma_start3A_346 : memref<1x128xi32, #tpu.memory_space<vmem>> -> memref<128xi32, #tpu.memory_space<vmem>>
        %dma_start3A_348 = arith.constant 0 : i32
        %dma_start3A_349 = arith.constant 0 : i32
        %dma_start3A_350 = tpu.memref_slice %arg2[%mul3A_3, %dma_start3A_348, %dma_start3A_349] : memref<4x10000x32xf32, #tpu.memory_space<hbm>> -> memref<1x10000x32xf32, #tpu.memory_space<hbm>>
        %dma_start3A_351 = tpu.memref_squeeze %dma_start3A_350 : memref<1x10000x32xf32, #tpu.memory_space<hbm>> -> memref<10000x32xf32, #tpu.memory_space<hbm>>
        %dma_start3A_352 = arith.constant 0 : i32
        %dma_start3A_353 = arith.constant 0 : i32
        %dma_start3A_354 = tpu.memref_slice %dma_start3A_351[%dma_start3A_352, %dma_start3A_353] : memref<10000x32xf32, #tpu.memory_space<hbm>> -> memref<10000x32xf32, #tpu.memory_space<hbm>>
        tpu.enqueue_indirect_dma source(%dma_start3A_354 : memref<10000x32xf32, #tpu.memory_space<hbm>>) target(%dma_start3A_344 : memref<128x32xf32, #tpu.memory_space<vmem>>) offsets(%dma_start3A_347 : memref<128xi32, #tpu.memory_space<vmem>>) semaphore(%arg14 : memref<!tpu.dma_semaphore, #tpu.memory_space<semaphore_mem>>)
        %dma_start3A_355 = arith.constant 3 : i32
        %dma_start3A_356 = arith.constant 1 : i32
        %dma_start3A_357 = arith.constant 0 : i32
        %dma_start3A_358 = arith.constant 0 : i32
        %dma_start3A_359 = tpu.memref_slice %arg9[%dma_start3A_355, %dma_start3A_356, %dma_start3A_357, %dma_start3A_358] : memref<4x2x128x32xf32, #tpu.memory_space<vmem>> -> memref<1x1x128x32xf32, #tpu.memory_space<vmem>>
        %dma_start3A_360 = tpu.memref_squeeze %dma_start3A_359 : memref<1x1x128x32xf32, #tpu.memory_space<vmem>> -> memref<128x32xf32, #tpu.memory_space<vmem>>
        %dma_start3A_361 = arith.constant 0 : i32
        %dma_start3A_362 = tpu.memref_slice %arg7[%add3A_333, %dma_start3A_361] : memref<160x128xi32, #tpu.memory_space<vmem>> -> memref<1x128xi32, #tpu.memory_space<vmem>>
        %dma_start3A_363 = tpu.memref_squeeze %dma_start3A_362 : memref<1x128xi32, #tpu.memory_space<vmem>> -> memref<128xi32, #tpu.memory_space<vmem>>
        %dma_start3A_364 = arith.constant 0 : i32
        %dma_start3A_365 = arith.constant 0 : i32
        %dma_start3A_366 = tpu.memref_slice %arg2[%add3A_6, %dma_start3A_364, %dma_start3A_365] : memref<4x10000x32xf32, #tpu.memory_space<hbm>> -> memref<1x10000x32xf32, #tpu.memory_space<hbm>>
        %dma_start3A_367 = tpu.memref_squeeze %dma_start3A_366 : memref<1x10000x32xf32, #tpu.memory_space<hbm>> -> memref<10000x32xf32, #tpu.memory_space<hbm>>
        %dma_start3A_368 = arith.constant 0 : i32
        %dma_start3A_369 = arith.constant 0 : i32
        %dma_start3A_370 = tpu.memref_slice %dma_start3A_367[%dma_start3A_368, %dma_start3A_369] : memref<10000x32xf32, #tpu.memory_space<hbm>> -> memref<10000x32xf32, #tpu.memory_space<hbm>>
        tpu.enqueue_indirect_dma source(%dma_start3A_370 : memref<10000x32xf32, #tpu.memory_space<hbm>>) target(%dma_start3A_360 : memref<128x32xf32, #tpu.memory_space<vmem>>) offsets(%dma_start3A_363 : memref<128xi32, #tpu.memory_space<vmem>>) semaphore(%arg14 : memref<!tpu.dma_semaphore, #tpu.memory_space<semaphore_mem>>)
      } else {
      }
    }
    %scan3A_148 = arith.constant 40 : i32
    %barrier3A_149 = arith.constant 0 : index
    tpu.barrier barrier_id(%barrier3A_149)
    %mul3A_150 = arith.constant 2 : i32
    %mul3A_151 = arith.muli %mul3A_150, %arg0 : i32
    %add3A_152 = arith.constant 0 : i32
    %add3A_153 = arith.addi %mul3A_151, %add3A_152 : i32
    %run_scoped3A_154 = arith.constant 0 : i32
    "tpu.region"() ({
      %run_scoped3A_160 = tpu.sem_alloc : memref<!tpu.dma_semaphore, #tpu.memory_space<semaphore_mem>>
      %dma_start3A_161 = arith.constant 0 : i32
      %dma_start3A_162 = tpu.memref_slice %arg6[%add3A_153, %mul3A_0, %dma_start3A_161] : memref<4x10240x32xf32, #tpu.memory_space<hbm>> -> memref<1x640x32xf32, #tpu.memory_space<hbm>>
      %dma_start3A_163 = tpu.memref_squeeze %dma_start3A_162 : memref<1x640x32xf32, #tpu.memory_space<hbm>> -> memref<640x32xf32, #tpu.memory_space<hbm>>
      %dma_start3A_164 = arith.constant 0 : i32
      %dma_start3A_165 = tpu.memref_slice %arg10[%run_scoped3A_154, %mul3A_0, %dma_start3A_164] : memref<2x10240x32xf32, #tpu.memory_space<vmem_shared>> -> memref<1x640x32xf32, #tpu.memory_space<vmem_shared>>
      %dma_start3A_166 = tpu.memref_squeeze %dma_start3A_165 : memref<1x640x32xf32, #tpu.memory_space<vmem_shared>> -> memref<640x32xf32, #tpu.memory_space<vmem_shared>>
      tpu.enqueue_dma source(%dma_start3A_166 : memref<640x32xf32, #tpu.memory_space<vmem_shared>>) target(%dma_start3A_163 : memref<640x32xf32, #tpu.memory_space<hbm>>) target_semaphore(%run_scoped3A_160 : memref<!tpu.dma_semaphore, #tpu.memory_space<semaphore_mem>>)
      %dma_wait3A = arith.constant 0 : i32
      %dma_wait3A_167 = tpu.memref_slice %arg6[%add3A_153, %mul3A_0, %dma_wait3A] : memref<4x10240x32xf32, #tpu.memory_space<hbm>> -> memref<1x640x32xf32, #tpu.memory_space<hbm>>
      %dma_wait3A_168 = tpu.memref_squeeze %dma_wait3A_167 : memref<1x640x32xf32, #tpu.memory_space<hbm>> -> memref<640x32xf32, #tpu.memory_space<hbm>>
      %dma_wait3A_169 = arith.constant 0 : i32
      %dma_wait3A_170 = tpu.memref_slice %arg10[%run_scoped3A_154, %mul3A_0, %dma_wait3A_169] : memref<2x10240x32xf32, #tpu.memory_space<vmem_shared>> -> memref<1x640x32xf32, #tpu.memory_space<vmem_shared>>
      %dma_wait3A_171 = tpu.memref_squeeze %dma_wait3A_170 : memref<1x640x32xf32, #tpu.memory_space<vmem_shared>> -> memref<640x32xf32, #tpu.memory_space<vmem_shared>>
      tpu.wait_dma2 semaphore(%run_scoped3A_160 : memref<!tpu.dma_semaphore, #tpu.memory_space<semaphore_mem>>) src(%dma_wait3A_171 : memref<640x32xf32, #tpu.memory_space<vmem_shared>>) dst(%dma_wait3A_168 : memref<640x32xf32, #tpu.memory_space<hbm>>)
      tpu.yield
    }) : () -> ()
    %mul3A_155 = arith.constant 2 : i32
    %mul3A_156 = arith.muli %mul3A_155, %arg0 : i32
    %add3A_157 = arith.constant 1 : i32
    %add3A_158 = arith.addi %mul3A_156, %add3A_157 : i32
    %run_scoped3A_159 = arith.constant 1 : i32
    "tpu.region"() ({
      %run_scoped3A_160 = tpu.sem_alloc : memref<!tpu.dma_semaphore, #tpu.memory_space<semaphore_mem>>
      %dma_start3A_161 = arith.constant 0 : i32
      %dma_start3A_162 = tpu.memref_slice %arg6[%add3A_158, %mul3A_0, %dma_start3A_161] : memref<4x10240x32xf32, #tpu.memory_space<hbm>> -> memref<1x640x32xf32, #tpu.memory_space<hbm>>
      %dma_start3A_163 = tpu.memref_squeeze %dma_start3A_162 : memref<1x640x32xf32, #tpu.memory_space<hbm>> -> memref<640x32xf32, #tpu.memory_space<hbm>>
      %dma_start3A_164 = arith.constant 0 : i32
      %dma_start3A_165 = tpu.memref_slice %arg10[%run_scoped3A_159, %mul3A_0, %dma_start3A_164] : memref<2x10240x32xf32, #tpu.memory_space<vmem_shared>> -> memref<1x640x32xf32, #tpu.memory_space<vmem_shared>>
      %dma_start3A_166 = tpu.memref_squeeze %dma_start3A_165 : memref<1x640x32xf32, #tpu.memory_space<vmem_shared>> -> memref<640x32xf32, #tpu.memory_space<vmem_shared>>
      tpu.enqueue_dma source(%dma_start3A_166 : memref<640x32xf32, #tpu.memory_space<vmem_shared>>) target(%dma_start3A_163 : memref<640x32xf32, #tpu.memory_space<hbm>>) target_semaphore(%run_scoped3A_160 : memref<!tpu.dma_semaphore, #tpu.memory_space<semaphore_mem>>)
      %dma_wait3A = arith.constant 0 : i32
      %dma_wait3A_167 = tpu.memref_slice %arg6[%add3A_158, %mul3A_0, %dma_wait3A] : memref<4x10240x32xf32, #tpu.memory_space<hbm>> -> memref<1x640x32xf32, #tpu.memory_space<hbm>>
      %dma_wait3A_168 = tpu.memref_squeeze %dma_wait3A_167 : memref<1x640x32xf32, #tpu.memory_space<hbm>> -> memref<640x32xf32, #tpu.memory_space<hbm>>
      %dma_wait3A_169 = arith.constant 0 : i32
      %dma_wait3A_170 = tpu.memref_slice %arg10[%run_scoped3A_159, %mul3A_0, %dma_wait3A_169] : memref<2x10240x32xf32, #tpu.memory_space<vmem_shared>> -> memref<1x640x32xf32, #tpu.memory_space<vmem_shared>>
      %dma_wait3A_171 = tpu.memref_squeeze %dma_wait3A_170 : memref<1x640x32xf32, #tpu.memory_space<vmem_shared>> -> memref<640x32xf32, #tpu.memory_space<vmem_shared>>
      tpu.wait_dma2 semaphore(%run_scoped3A_160 : memref<!tpu.dma_semaphore, #tpu.memory_space<semaphore_mem>>) src(%dma_wait3A_171 : memref<640x32xf32, #tpu.memory_space<vmem_shared>>) dst(%dma_wait3A_168 : memref<640x32xf32, #tpu.memory_space<hbm>>)
      tpu.yield
    }) : () -> ()
    return
  }
}

module attributes {stable_mosaic.version = 14 : i64} {
  func.func @_mm_ones_body(%arg0: i32, %arg1: memref<2000x128xf32, #tpu.memory_space<vmem>>, %arg2: memref<128x128xf32, #tpu.memory_space<vmem>>, %arg3: memref<4x2000x32xf32, #tpu.memory_space<vmem>>) attributes {dimension_semantics = [#tpu.dimension_semantics<arbitrary>], iteration_bounds = array<i64: 5>, scalar_prefetch = 0 : i64, scratch_operands = 0 : i64, tpu.core_type = #tpu.core_type<tc>, window_params = [{transform_indices = @transform_0, window_bounds = array<i64: 2000, 128>}, {pipeline_mode = #tpu.pipeline_mode<synchronous>, transform_indices = @transform_1, window_bounds = array<i64: 128, 128>}, {transform_indices = @transform_2, window_bounds = array<i64: 4, 2000, 32>}]} {
    %get3A = arith.constant 0 : index
    %get3A_0 = arith.constant 0 : index
    %get3A_1 = vector.load %arg1[%get3A, %get3A_0] : memref<2000x128xf32, #tpu.memory_space<vmem>>, vector<2000x128xf32>
    %slice3A = vector.extract_strided_slice %get3A_1 {offsets = [0, 0], sizes = [2000, 1], strides = [1, 1]} : vector<2000x128xf32> to vector<2000x1xf32>
    %mul3A = arith.mulf %get3A_1, %get3A_1 : vector<2000x128xf32>
    %reduce_sum3A = arith.constant dense<0.000000e+00> : vector<2000xf32>
    %reduce_sum3A_2 = vector.multi_reduction <add>, %mul3A, %reduce_sum3A [1] : vector<2000x128xf32> to vector<2000xf32>
    %broadcast_in_dim3A = vector.shape_cast %reduce_sum3A_2 : vector<2000xf32> to vector<2000x1xf32>
    %mul3A_3 = arith.mulf %slice3A, %slice3A : vector<2000x1xf32>
    %sub3A = arith.subf %broadcast_in_dim3A, %mul3A_3 : vector<2000x1xf32>
    %jit3A = arith.constant 0.000000e+00 : f32
    %max3A = vector.broadcast %jit3A : f32 to vector<2000x1xf32>
    %max3A_4 = arith.maximumf %max3A, %sub3A : vector<2000x1xf32>
    %sqrt3A = math.sqrt %max3A_4 : vector<2000x1xf32>
    %jit3A_5 = arith.constant 1.000000e-15 : f32
    %max3A_6 = vector.broadcast %jit3A_5 : f32 to vector<2000x1xf32>
    %max3A_7 = arith.maximumf %max3A_6, %sqrt3A : vector<2000x1xf32>
    %jit3A_8 = arith.constant 1.00000012 : f32
    %max3A_9 = vector.broadcast %jit3A_8 : f32 to vector<2000x1xf32>
    %max3A_10 = arith.maximumf %max3A_9, %slice3A : vector<2000x1xf32>
    %mul3A_11 = arith.mulf %max3A_10, %max3A_10 : vector<2000x1xf32>
    %sub3A_12 = arith.constant 1.000000e+00 : f32
    %sub3A_13 = vector.broadcast %sub3A_12 : f32 to vector<2000x1xf32>
    %sub3A_14 = arith.subf %mul3A_11, %sub3A_13 : vector<2000x1xf32>
    %jit3A_15 = arith.constant 1.000000e-15 : f32
    %max3A_16 = vector.broadcast %jit3A_15 : f32 to vector<2000x1xf32>
    %max3A_17 = arith.maximumf %max3A_16, %sub3A_14 : vector<2000x1xf32>
    %sqrt3A_18 = math.sqrt %max3A_17 : vector<2000x1xf32>
    %add3A = arith.addf %max3A_10, %sqrt3A_18 : vector<2000x1xf32>
    %log3A = math.log %add3A : vector<2000x1xf32>
    %div3A = arith.divf %log3A, %max3A_7 : vector<2000x1xf32>
    %mul3A_19 = vector.broadcast %div3A : vector<2000x1xf32> to vector<2000x128xf32>
    %mul3A_20 = arith.mulf %get3A_1, %mul3A_19 : vector<2000x128xf32>
    %get3A_21 = arith.constant 0 : index
    %get3A_22 = arith.constant 0 : index
    %get3A_23 = vector.load %arg2[%get3A_21, %get3A_22] : memref<128x128xf32, #tpu.memory_space<vmem>>, vector<128x128xf32>
    %dot_general3A = arith.constant dense<0.000000e+00> : vector<2000x128xf32>
    %dot_general3A_24 = tpu.matmul %mul3A_20, %get3A_23, %dot_general3A {dimension_numbers = #tpu.dot_dimension_numbers<[1], [0], [0], [1], [0, 0, 1, 1], [], []>, transpose_lhs_hint = false} : vector<2000x128xf32>, vector<128x128xf32>, vector<2000x128xf32> -> vector<2000x128xf32>
    %iota3A = tpu.iota {dimensions = array<i32: 1>} : vector<2000x128xi32>
    %eq3A = arith.constant 0 : i32
    %eq3A_25 = vector.broadcast %eq3A : i32 to vector<2000x128xi32>
    %eq3A_26 = arith.cmpi eq, %iota3A, %eq3A_25 : vector<2000x128xi32>
    %jit3A_27 = arith.constant 1.000000e+00 : f32
    %broadcast_in_dim3A_28 = vector.broadcast %jit3A_27 : f32 to vector<2000x128xf32>
    %select_n3A = arith.select %eq3A_26, %broadcast_in_dim3A_28, %dot_general3A_24 : vector<2000x128xi1>, vector<2000x128xf32>
    %slice3A_29 = vector.extract_strided_slice %select_n3A {offsets = [0, 0], sizes = [2000, 32], strides = [1, 1]} : vector<2000x128xf32> to vector<2000x32xf32>
    %swap3A = arith.constant 0 : index
    %swap3A_30 = arith.constant 0 : index
    %swap3A_31 = arith.constant 0 : index
    %swap3A_32 = vector.load %arg3[%swap3A, %swap3A_30, %swap3A_31] : memref<4x2000x32xf32, #tpu.memory_space<vmem>>, vector<1x2000x32xf32>
    %swap3A_33 = vector.shape_cast %swap3A_32 : vector<1x2000x32xf32> to vector<2000x32xf32>
    %swap3A_34 = vector.shape_cast %slice3A_29 : vector<2000x32xf32> to vector<1x2000x32xf32>
    tpu.vector_store %arg3[%swap3A, %swap3A_30, %swap3A_31], %swap3A_34 {strides = array<i32>} : memref<4x2000x32xf32, #tpu.memory_space<vmem>>, vector<1x2000x32xf32>,
    %slice3A_35 = vector.extract_strided_slice %select_n3A {offsets = [0, 32], sizes = [2000, 32], strides = [1, 1]} : vector<2000x128xf32> to vector<2000x32xf32>
    %swap3A_36 = arith.constant 1 : index
    %swap3A_37 = arith.constant 0 : index
    %swap3A_38 = arith.constant 0 : index
    %swap3A_39 = vector.load %arg3[%swap3A_36, %swap3A_37, %swap3A_38] : memref<4x2000x32xf32, #tpu.memory_space<vmem>>, vector<1x2000x32xf32>
    %swap3A_40 = vector.shape_cast %swap3A_39 : vector<1x2000x32xf32> to vector<2000x32xf32>
    %swap3A_41 = vector.shape_cast %slice3A_35 : vector<2000x32xf32> to vector<1x2000x32xf32>
    tpu.vector_store %arg3[%swap3A_36, %swap3A_37, %swap3A_38], %swap3A_41 {strides = array<i32>} : memref<4x2000x32xf32, #tpu.memory_space<vmem>>, vector<1x2000x32xf32>,
    %slice3A_42 = vector.extract_strided_slice %select_n3A {offsets = [0, 64], sizes = [2000, 32], strides = [1, 1]} : vector<2000x128xf32> to vector<2000x32xf32>
    %swap3A_43 = arith.constant 2 : index
    %swap3A_44 = arith.constant 0 : index
    %swap3A_45 = arith.constant 0 : index
    %swap3A_46 = vector.load %arg3[%swap3A_43, %swap3A_44, %swap3A_45] : memref<4x2000x32xf32, #tpu.memory_space<vmem>>, vector<1x2000x32xf32>
    %swap3A_47 = vector.shape_cast %swap3A_46 : vector<1x2000x32xf32> to vector<2000x32xf32>
    %swap3A_48 = vector.shape_cast %slice3A_42 : vector<2000x32xf32> to vector<1x2000x32xf32>
    tpu.vector_store %arg3[%swap3A_43, %swap3A_44, %swap3A_45], %swap3A_48 {strides = array<i32>} : memref<4x2000x32xf32, #tpu.memory_space<vmem>>, vector<1x2000x32xf32>,
    %slice3A_49 = vector.extract_strided_slice %select_n3A {offsets = [0, 96], sizes = [2000, 32], strides = [1, 1]} : vector<2000x128xf32> to vector<2000x32xf32>
    %swap3A_50 = arith.constant 3 : index
    %swap3A_51 = arith.constant 0 : index
    %swap3A_52 = arith.constant 0 : index
    %swap3A_53 = vector.load %arg3[%swap3A_50, %swap3A_51, %swap3A_52] : memref<4x2000x32xf32, #tpu.memory_space<vmem>>, vector<1x2000x32xf32>
    %swap3A_54 = vector.shape_cast %swap3A_53 : vector<1x2000x32xf32> to vector<2000x32xf32>
    %swap3A_55 = vector.shape_cast %slice3A_49 : vector<2000x32xf32> to vector<1x2000x32xf32>
    tpu.vector_store %arg3[%swap3A_50, %swap3A_51, %swap3A_52], %swap3A_55 {strides = array<i32>} : memref<4x2000x32xf32, #tpu.memory_space<vmem>>, vector<1x2000x32xf32>,
    return
  }
  func.func @transform_0(%arg0: i32) -> (i32, i32) {
    %c0_i32 = arith.constant 0 : i32
    %c0_i32_0 = arith.constant 0 : i32
    return %arg0, %c0_i32 : i32, i32
  }
  func.func @transform_1(%arg0: i32) -> (i32, i32) {
    %c0_i32 = arith.constant 0 : i32
    %c0_i32_0 = arith.constant 0 : i32
    %c0_i32_1 = arith.constant 0 : i32
    return %c0_i32, %c0_i32_0 : i32, i32
  }
  func.func @transform_2(%arg0: i32) -> (i32, i32, i32) {
    %c0_i32 = arith.constant 0 : i32
    %c0_i32_0 = arith.constant 0 : i32
    %c0_i32_1 = arith.constant 0 : i32
    return %c0_i32, %arg0, %c0_i32_0 : i32, i32, i32
  }
}

module attributes {stable_mosaic.version = 14 : i64} {
  func.func @_mid_body(%arg0: i32, %arg1: memref<4x2000x32xf32, #tpu.memory_space<vmem>>, %arg2: memref<128x128xf32, #tpu.memory_space<vmem>>, %arg3: memref<4x2000x32xf32, #tpu.memory_space<vmem>>) attributes {dimension_semantics = [#tpu.dimension_semantics<arbitrary>], iteration_bounds = array<i64: 5>, scalar_prefetch = 0 : i64, scratch_operands = 0 : i64, tpu.core_type = #tpu.core_type<tc>, window_params = [{transform_indices = @transform_0, window_bounds = array<i64: 4, 2000, 32>}, {pipeline_mode = #tpu.pipeline_mode<synchronous>, transform_indices = @transform_1, window_bounds = array<i64: 128, 128>}, {transform_indices = @transform_2, window_bounds = array<i64: 4, 2000, 32>}]} {
    %get3A = arith.constant 0 : index
    %get3A_0 = arith.constant 0 : index
    %get3A_1 = arith.constant 0 : index
    %get3A_2 = vector.load %arg1[%get3A, %get3A_0, %get3A_1] : memref<4x2000x32xf32, #tpu.memory_space<vmem>>, vector<1x2000x32xf32>
    %get3A_3 = vector.shape_cast %get3A_2 : vector<1x2000x32xf32> to vector<2000x32xf32>
    %get3A_4 = arith.constant 1 : index
    %get3A_5 = arith.constant 0 : index
    %get3A_6 = arith.constant 0 : index
    %get3A_7 = vector.load %arg1[%get3A_4, %get3A_5, %get3A_6] : memref<4x2000x32xf32, #tpu.memory_space<vmem>>, vector<1x2000x32xf32>
    %get3A_8 = vector.shape_cast %get3A_7 : vector<1x2000x32xf32> to vector<2000x32xf32>
    %get3A_9 = arith.constant 2 : index
    %get3A_10 = arith.constant 0 : index
    %get3A_11 = arith.constant 0 : index
    %get3A_12 = vector.load %arg1[%get3A_9, %get3A_10, %get3A_11] : memref<4x2000x32xf32, #tpu.memory_space<vmem>>, vector<1x2000x32xf32>
    %get3A_13 = vector.shape_cast %get3A_12 : vector<1x2000x32xf32> to vector<2000x32xf32>
    %get3A_14 = arith.constant 3 : index
    %get3A_15 = arith.constant 0 : index
    %get3A_16 = arith.constant 0 : index
    %get3A_17 = vector.load %arg1[%get3A_14, %get3A_15, %get3A_16] : memref<4x2000x32xf32, #tpu.memory_space<vmem>>, vector<1x2000x32xf32>
    %get3A_18 = vector.shape_cast %get3A_17 : vector<1x2000x32xf32> to vector<2000x32xf32>
    %concatenate3A = tpu.concatenate %get3A_3, %get3A_8, %get3A_13, %get3A_18 in 1 : vector<2000x32xf32>, vector<2000x32xf32>, vector<2000x32xf32>, vector<2000x32xf32> -> vector<2000x128xf32>
    %slice3A = vector.extract_strided_slice %concatenate3A {offsets = [0, 0], sizes = [2000, 1], strides = [1, 1]} : vector<2000x128xf32> to vector<2000x1xf32>
    %jit3A = arith.constant 1.000000e+00 : f32
    %max3A = vector.broadcast %jit3A : f32 to vector<2000x1xf32>
    %max3A_19 = arith.maximumf %max3A, %slice3A : vector<2000x1xf32>
    %div3A = vector.broadcast %max3A_19 : vector<2000x1xf32> to vector<2000x128xf32>
    %div3A_20 = arith.divf %concatenate3A, %div3A : vector<2000x128xf32>
    %max3A_21 = arith.constant 0.000000e+00 : f32
    %max3A_22 = vector.broadcast %max3A_21 : f32 to vector<2000x128xf32>
    %max3A_23 = arith.maximumf %div3A_20, %max3A_22 : vector<2000x128xf32>
    %get3A_24 = arith.constant 0 : index
    %get3A_25 = arith.constant 0 : index
    %get3A_26 = vector.load %arg2[%get3A_24, %get3A_25] : memref<128x128xf32, #tpu.memory_space<vmem>>, vector<128x128xf32>
    %dot_general3A = arith.constant dense<0.000000e+00> : vector<2000x128xf32>
    %dot_general3A_27 = tpu.matmul %max3A_23, %get3A_26, %dot_general3A {dimension_numbers = #tpu.dot_dimension_numbers<[1], [0], [0], [1], [0, 0, 1, 1], [], []>, transpose_lhs_hint = false} : vector<2000x128xf32>, vector<128x128xf32>, vector<2000x128xf32> -> vector<2000x128xf32>
    %iota3A = tpu.iota {dimensions = array<i32: 1>} : vector<2000x128xi32>
    %eq3A = arith.constant 0 : i32
    %eq3A_28 = vector.broadcast %eq3A : i32 to vector<2000x128xi32>
    %eq3A_29 = arith.cmpi eq, %iota3A, %eq3A_28 : vector<2000x128xi32>
    %jit3A_30 = arith.constant 1.000000e+00 : f32
    %broadcast_in_dim3A = vector.broadcast %jit3A_30 : f32 to vector<2000x128xf32>
    %select_n3A = arith.select %eq3A_29, %broadcast_in_dim3A, %dot_general3A_27 : vector<2000x128xi1>, vector<2000x128xf32>
    %slice3A_31 = vector.extract_strided_slice %select_n3A {offsets = [0, 0], sizes = [2000, 32], strides = [1, 1]} : vector<2000x128xf32> to vector<2000x32xf32>
    %swap3A = arith.constant 0 : index
    %swap3A_32 = arith.constant 0 : index
    %swap3A_33 = arith.constant 0 : index
    %swap3A_34 = vector.load %arg3[%swap3A, %swap3A_32, %swap3A_33] : memref<4x2000x32xf32, #tpu.memory_space<vmem>>, vector<1x2000x32xf32>
    %swap3A_35 = vector.shape_cast %swap3A_34 : vector<1x2000x32xf32> to vector<2000x32xf32>
    %swap3A_36 = vector.shape_cast %slice3A_31 : vector<2000x32xf32> to vector<1x2000x32xf32>
    tpu.vector_store %arg3[%swap3A, %swap3A_32, %swap3A_33], %swap3A_36 {strides = array<i32>} : memref<4x2000x32xf32, #tpu.memory_space<vmem>>, vector<1x2000x32xf32>,
    %slice3A_37 = vector.extract_strided_slice %select_n3A {offsets = [0, 32], sizes = [2000, 32], strides = [1, 1]} : vector<2000x128xf32> to vector<2000x32xf32>
    %swap3A_38 = arith.constant 1 : index
    %swap3A_39 = arith.constant 0 : index
    %swap3A_40 = arith.constant 0 : index
    %swap3A_41 = vector.load %arg3[%swap3A_38, %swap3A_39, %swap3A_40] : memref<4x2000x32xf32, #tpu.memory_space<vmem>>, vector<1x2000x32xf32>
    %swap3A_42 = vector.shape_cast %swap3A_41 : vector<1x2000x32xf32> to vector<2000x32xf32>
    %swap3A_43 = vector.shape_cast %slice3A_37 : vector<2000x32xf32> to vector<1x2000x32xf32>
    tpu.vector_store %arg3[%swap3A_38, %swap3A_39, %swap3A_40], %swap3A_43 {strides = array<i32>} : memref<4x2000x32xf32, #tpu.memory_space<vmem>>, vector<1x2000x32xf32>,
    %slice3A_44 = vector.extract_strided_slice %select_n3A {offsets = [0, 64], sizes = [2000, 32], strides = [1, 1]} : vector<2000x128xf32> to vector<2000x32xf32>
    %swap3A_45 = arith.constant 2 : index
    %swap3A_46 = arith.constant 0 : index
    %swap3A_47 = arith.constant 0 : index
    %swap3A_48 = vector.load %arg3[%swap3A_45, %swap3A_46, %swap3A_47] : memref<4x2000x32xf32, #tpu.memory_space<vmem>>, vector<1x2000x32xf32>
    %swap3A_49 = vector.shape_cast %swap3A_48 : vector<1x2000x32xf32> to vector<2000x32xf32>
    %swap3A_50 = vector.shape_cast %slice3A_44 : vector<2000x32xf32> to vector<1x2000x32xf32>
    tpu.vector_store %arg3[%swap3A_45, %swap3A_46, %swap3A_47], %swap3A_50 {strides = array<i32>} : memref<4x2000x32xf32, #tpu.memory_space<vmem>>, vector<1x2000x32xf32>,
    %slice3A_51 = vector.extract_strided_slice %select_n3A {offsets = [0, 96], sizes = [2000, 32], strides = [1, 1]} : vector<2000x128xf32> to vector<2000x32xf32>
    %swap3A_52 = arith.constant 3 : index
    %swap3A_53 = arith.constant 0 : index
    %swap3A_54 = arith.constant 0 : index
    %swap3A_55 = vector.load %arg3[%swap3A_52, %swap3A_53, %swap3A_54] : memref<4x2000x32xf32, #tpu.memory_space<vmem>>, vector<1x2000x32xf32>
    %swap3A_56 = vector.shape_cast %swap3A_55 : vector<1x2000x32xf32> to vector<2000x32xf32>
    %swap3A_57 = vector.shape_cast %slice3A_51 : vector<2000x32xf32> to vector<1x2000x32xf32>
    tpu.vector_store %arg3[%swap3A_52, %swap3A_53, %swap3A_54], %swap3A_57 {strides = array<i32>} : memref<4x2000x32xf32, #tpu.memory_space<vmem>>, vector<1x2000x32xf32>,
    return
  }
  func.func @transform_0(%arg0: i32) -> (i32, i32, i32) {
    %c0_i32 = arith.constant 0 : i32
    %c0_i32_0 = arith.constant 0 : i32
    %c0_i32_1 = arith.constant 0 : i32
    return %c0_i32, %arg0, %c0_i32_0 : i32, i32, i32
  }
  func.func @transform_1(%arg0: i32) -> (i32, i32) {
    %c0_i32 = arith.constant 0 : i32
    %c0_i32_0 = arith.constant 0 : i32
    %c0_i32_1 = arith.constant 0 : i32
    return %c0_i32, %c0_i32_0 : i32, i32
  }
  func.func @transform_2(%arg0: i32) -> (i32, i32, i32) {
    %c0_i32 = arith.constant 0 : i32
    %c0_i32_0 = arith.constant 0 : i32
    %c0_i32_1 = arith.constant 0 : i32
    return %c0_i32, %arg0, %c0_i32_0 : i32, i32, i32
  }
}

module attributes {stable_mosaic.version = 14 : i64} {
  func.func @_head_body(%arg0: i32, %arg1: memref<4x2000x32xf32, #tpu.memory_space<vmem>>, %arg2: memref<1x1x2000xi32, #tpu.memory_space<vmem>>, %arg3: memref<128x128xf32, #tpu.memory_space<vmem>>, %arg4: memref<1x128xf32, #tpu.memory_space<vmem>>, %arg5: memref<64x128xf32, #tpu.memory_space<vmem>>, %arg6: memref<64x128xf32, #tpu.memory_space<vmem>>, %arg7: memref<64x1xf32, #tpu.memory_space<vmem>>) attributes {dimension_semantics = [#tpu.dimension_semantics<arbitrary>], iteration_bounds = array<i64: 5>, scalar_prefetch = 0 : i64, scratch_operands = 2 : i64, tpu.core_type = #tpu.core_type<tc>, window_params = [{transform_indices = @transform_0, window_bounds = array<i64: 4, 2000, 32>}, {transform_indices = @transform_1, window_bounds = array<i64: 1, 1, 2000>}, {pipeline_mode = #tpu.pipeline_mode<synchronous>, transform_indices = @transform_2, window_bounds = array<i64: 128, 128>}, {pipeline_mode = #tpu.pipeline_mode<synchronous>, transform_indices = @transform_3, window_bounds = array<i64: 1, 128>}, {pipeline_mode = #tpu.pipeline_mode<synchronous>, transform_indices = @transform_4, window_bounds = array<i64: 64, 128>}]} {
    %eq3A = arith.constant 0 : i32
    %eq3A_0 = arith.cmpi eq, %arg0, %eq3A : i32
    %convert_element_type3A = arith.extui %eq3A_0 : i1 to i32
    %cond3A = arith.constant 0 : i32
    %cond3A_1 = arith.cmpi ne, %convert_element_type3A, %cond3A : i32
    scf.if %cond3A_1 {
      %broadcast_in_dim3A_55 = arith.constant 0.000000e+00 : f32
      %broadcast_in_dim3A_56 = vector.broadcast %broadcast_in_dim3A_55 : f32 to vector<64x128xf32>
      %swap3A_57 = arith.constant 0 : index
      %swap3A_58 = arith.constant 0 : index
      %swap3A_59 = vector.load %arg6[%swap3A_57, %swap3A_58] : memref<64x128xf32, #tpu.memory_space<vmem>>, vector<64x128xf32>
      tpu.vector_store %arg6[%swap3A_57, %swap3A_58], %broadcast_in_dim3A_56 {strides = array<i32>} : memref<64x128xf32, #tpu.memory_space<vmem>>, vector<64x128xf32>,
      %broadcast_in_dim3A_60 = arith.constant 0.000000e+00 : f32
      %broadcast_in_dim3A_61 = vector.broadcast %broadcast_in_dim3A_60 : f32 to vector<64x1xf32>
      %swap3A_62 = arith.constant 0 : index
      %swap3A_63 = arith.constant 0 : index
      %swap3A_64 = vector.load %arg7[%swap3A_62, %swap3A_63] : memref<64x1xf32, #tpu.memory_space<vmem>>, vector<64x1xf32>
      tpu.vector_store %arg7[%swap3A_62, %swap3A_63], %broadcast_in_dim3A_61 {strides = array<i32>} : memref<64x1xf32, #tpu.memory_space<vmem>>, vector<64x1xf32>,
    } else {
    }
    %get3A = arith.constant 0 : index
    %get3A_2 = arith.constant 0 : index
    %get3A_3 = arith.constant 0 : index
    %get3A_4 = vector.load %arg1[%get3A, %get3A_2, %get3A_3] : memref<4x2000x32xf32, #tpu.memory_space<vmem>>, vector<1x2000x32xf32>
    %get3A_5 = vector.shape_cast %get3A_4 : vector<1x2000x32xf32> to vector<2000x32xf32>
    %get3A_6 = arith.constant 1 : index
    %get3A_7 = arith.constant 0 : index
    %get3A_8 = arith.constant 0 : index
    %get3A_9 = vector.load %arg1[%get3A_6, %get3A_7, %get3A_8] : memref<4x2000x32xf32, #tpu.memory_space<vmem>>, vector<1x2000x32xf32>
    %get3A_10 = vector.shape_cast %get3A_9 : vector<1x2000x32xf32> to vector<2000x32xf32>
    %get3A_11 = arith.constant 2 : index
    %get3A_12 = arith.constant 0 : index
    %get3A_13 = arith.constant 0 : index
    %get3A_14 = vector.load %arg1[%get3A_11, %get3A_12, %get3A_13] : memref<4x2000x32xf32, #tpu.memory_space<vmem>>, vector<1x2000x32xf32>
    %get3A_15 = vector.shape_cast %get3A_14 : vector<1x2000x32xf32> to vector<2000x32xf32>
    %get3A_16 = arith.constant 3 : index
    %get3A_17 = arith.constant 0 : index
    %get3A_18 = arith.constant 0 : index
    %get3A_19 = vector.load %arg1[%get3A_16, %get3A_17, %get3A_18] : memref<4x2000x32xf32, #tpu.memory_space<vmem>>, vector<1x2000x32xf32>
    %get3A_20 = vector.shape_cast %get3A_19 : vector<1x2000x32xf32> to vector<2000x32xf32>
    %concatenate3A = tpu.concatenate %get3A_5, %get3A_10, %get3A_15, %get3A_20 in 1 : vector<2000x32xf32>, vector<2000x32xf32>, vector<2000x32xf32>, vector<2000x32xf32> -> vector<2000x128xf32>
    %slice3A = vector.extract_strided_slice %concatenate3A {offsets = [0, 0], sizes = [2000, 1], strides = [1, 1]} : vector<2000x128xf32> to vector<2000x1xf32>
    %jit3A = arith.constant 1.000000e+00 : f32
    %max3A = vector.broadcast %jit3A : f32 to vector<2000x1xf32>
    %max3A_21 = arith.maximumf %max3A, %slice3A : vector<2000x1xf32>
    %div3A = vector.broadcast %max3A_21 : vector<2000x1xf32> to vector<2000x128xf32>
    %div3A_22 = arith.divf %concatenate3A, %div3A : vector<2000x128xf32>
    %max3A_23 = arith.constant 0.000000e+00 : f32
    %max3A_24 = vector.broadcast %max3A_23 : f32 to vector<2000x128xf32>
    %max3A_25 = arith.maximumf %div3A_22, %max3A_24 : vector<2000x128xf32>
    %get3A_26 = arith.constant 0 : index
    %get3A_27 = arith.constant 0 : index
    %get3A_28 = arith.constant 0 : index
    %get3A_29 = vector.load %arg2[%get3A_26, %get3A_27, %get3A_28] : memref<1x1x2000xi32, #tpu.memory_space<vmem>>, vector<1x1x2000xi32>
    %get3A_30 = vector.shape_cast %get3A_29 : vector<1x1x2000xi32> to vector<2000xi32>
    %broadcast_in_dim3A = vector.shape_cast %get3A_30 : vector<2000xi32> to vector<2000x1xi32>
    %iota3A = tpu.iota {dimensions = array<i32: 1>} : vector<2000x64xi32>
    %eq3A_31 = vector.broadcast %broadcast_in_dim3A : vector<2000x1xi32> to vector<2000x64xi32>
    %eq3A_32 = arith.cmpi eq, %eq3A_31, %iota3A : vector<2000x64xi32>
    %convert_element_type3A_33 = arith.extui %eq3A_32 : vector<2000x64xi1> to vector<2000x64xi32>
    %convert_element_type3A_34 = arith.sitofp %convert_element_type3A_33 : vector<2000x64xi32> to vector<2000x64xf32>
    %get3A_35 = arith.constant 0 : index
    %get3A_36 = arith.constant 0 : index
    %get3A_37 = vector.load %arg6[%get3A_35, %get3A_36] : memref<64x128xf32, #tpu.memory_space<vmem>>, vector<64x128xf32>
    %dot_general3A = arith.constant dense<0.000000e+00> : vector<64x128xf32>
    %dot_general3A_38 = tpu.matmul %convert_element_type3A_34, %max3A_25, %dot_general3A {dimension_numbers = #tpu.dot_dimension_numbers<[0], [0], [1], [1], [0, 1, 1, 1], [], []>, transpose_lhs_hint = false} : vector<2000x64xf32>, vector<2000x128xf32>, vector<64x128xf32> -> vector<64x128xf32>
    %add3A = arith.addf %get3A_37, %dot_general3A_38 : vector<64x128xf32>
    %swap3A = arith.constant 0 : index
    %swap3A_39 = arith.constant 0 : index
    %swap3A_40 = vector.load %arg6[%swap3A, %swap3A_39] : memref<64x128xf32, #tpu.memory_space<vmem>>, vector<64x128xf32>
    tpu.vector_store %arg6[%swap3A, %swap3A_39], %add3A {strides = array<i32>} : memref<64x128xf32, #tpu.memory_space<vmem>>, vector<64x128xf32>,
    %get3A_41 = arith.constant 0 : index
    %get3A_42 = arith.constant 0 : index
    %get3A_43 = vector.load %arg7[%get3A_41, %get3A_42] : memref<64x1xf32, #tpu.memory_space<vmem>>, vector<64x1xf32>
    %reduce_sum3A = arith.constant dense<0.000000e+00> : vector<64xf32>
    %reduce_sum3A_44 = vector.multi_reduction <add>, %convert_element_type3A_34, %reduce_sum3A [0] : vector<2000x64xf32> to vector<64xf32>
    %broadcast_in_dim3A_45 = vector.shape_cast %reduce_sum3A_44 : vector<64xf32> to vector<64x1xf32>
    %add3A_46 = arith.addf %get3A_43, %broadcast_in_dim3A_45 : vector<64x1xf32>
    %swap3A_47 = arith.constant 0 : index
    %swap3A_48 = arith.constant 0 : index
    %swap3A_49 = vector.load %arg7[%swap3A_47, %swap3A_48] : memref<64x1xf32, #tpu.memory_space<vmem>>, vector<64x1xf32>
    tpu.vector_store %arg7[%swap3A_47, %swap3A_48], %add3A_46 {strides = array<i32>} : memref<64x1xf32, #tpu.memory_space<vmem>>, vector<64x1xf32>,
    %eq3A_50 = arith.constant 4 : i32
    %eq3A_51 = arith.cmpi eq, %arg0, %eq3A_50 : i32
    %convert_element_type3A_52 = arith.extui %eq3A_51 : i1 to i32
    %cond3A_53 = arith.constant 0 : i32
    %cond3A_54 = arith.cmpi ne, %convert_element_type3A_52, %cond3A_53 : i32
    scf.if %cond3A_54 {
      %get3A_55 = arith.constant 0 : index
      %get3A_56 = arith.constant 0 : index
      %get3A_57 = vector.load %arg6[%get3A_55, %get3A_56] : memref<64x128xf32, #tpu.memory_space<vmem>>, vector<64x128xf32>
      %get3A_58 = arith.constant 0 : index
      %get3A_59 = arith.constant 0 : index
      %get3A_60 = vector.load %arg7[%get3A_58, %get3A_59] : memref<64x1xf32, #tpu.memory_space<vmem>>, vector<64x1xf32>
      %jit3A_61 = arith.constant 1.000000e+00 : f32
      %max3A_62 = vector.broadcast %jit3A_61 : f32 to vector<64x1xf32>
      %max3A_63 = arith.maximumf %max3A_62, %get3A_60 : vector<64x1xf32>
      %div3A_64 = vector.broadcast %max3A_63 : vector<64x1xf32> to vector<64x128xf32>
      %div3A_65 = arith.divf %get3A_57, %div3A_64 : vector<64x128xf32>
      %get3A_66 = arith.constant 0 : index
      %get3A_67 = arith.constant 0 : index
      %get3A_68 = vector.load %arg3[%get3A_66, %get3A_67] : memref<128x128xf32, #tpu.memory_space<vmem>>, vector<128x128xf32>
      %dot_general3A_69 = arith.constant dense<0.000000e+00> : vector<64x128xf32>
      %dot_general3A_70 = tpu.matmul %div3A_65, %get3A_68, %dot_general3A_69 {dimension_numbers = #tpu.dot_dimension_numbers<[1], [0], [0], [1], [0, 0, 1, 1], [], []>, transpose_lhs_hint = false} : vector<64x128xf32>, vector<128x128xf32>, vector<64x128xf32> -> vector<64x128xf32>
      %get3A_71 = arith.constant 0 : index
      %get3A_72 = arith.constant 0 : index
      %get3A_73 = vector.load %arg4[%get3A_71, %get3A_72] : memref<1x128xf32, #tpu.memory_space<vmem>>, vector<1x128xf32>
      %add3A_74 = vector.broadcast %get3A_73 : vector<1x128xf32> to vector<64x128xf32>
      %add3A_75 = arith.addf %dot_general3A_70, %add3A_74 : vector<64x128xf32>
      %swap3A_76 = arith.constant 0 : index
      %swap3A_77 = arith.constant 0 : index
      %swap3A_78 = vector.load %arg5[%swap3A_76, %swap3A_77] : memref<64x128xf32, #tpu.memory_space<vmem>>, vector<64x128xf32>
      tpu.vector_store %arg5[%swap3A_76, %swap3A_77], %add3A_75 {strides = array<i32>} : memref<64x128xf32, #tpu.memory_space<vmem>>, vector<64x128xf32>,
    } else {
    }
    return
  }
  func.func @transform_0(%arg0: i32) -> (i32, i32, i32) {
    %c0_i32 = arith.constant 0 : i32
    %c0_i32_0 = arith.constant 0 : i32
    %c0_i32_1 = arith.constant 0 : i32
    return %c0_i32, %arg0, %c0_i32_0 : i32, i32, i32
  }
  func.func @transform_1(%arg0: i32) -> (i32, i32, i32) {
    %c0_i32 = arith.constant 0 : i32
    %c0_i32_0 = arith.constant 0 : i32
    %c0_i32_1 = arith.constant 0 : i32
    return %arg0, %c0_i32, %c0_i32_0 : i32, i32, i32
  }
  func.func @transform_2(%arg0: i32) -> (i32, i32) {
    %c0_i32 = arith.constant 0 : i32
    %c0_i32_0 = arith.constant 0 : i32
    %c0_i32_1 = arith.constant 0 : i32
    return %c0_i32, %c0_i32_0 : i32, i32
  }
  func.func @transform_3(%arg0: i32) -> (i32, i32) {
    %c0_i32 = arith.constant 0 : i32
    %c0_i32_0 = arith.constant 0 : i32
    %c0_i32_1 = arith.constant 0 : i32
    return %c0_i32, %c0_i32_0 : i32, i32
  }
  func.func @transform_4(%arg0: i32) -> (i32, i32) {
    %c0_i32 = arith.constant 0 : i32
    %c0_i32_0 = arith.constant 0 : i32
    %c0_i32_1 = arith.constant 0 : i32
    return %c0_i32, %c0_i32_0 : i32, i32
  }
}

</mosaic_0001>

<sc_bundles>
// kernel: kernel.10.cloned.1.call-start
scs
__scs_entry_jumppad:
0x0: {  	(pc) =	sbr.rel $0x88, $3  }
0x1: {  	(tag) =	ssettag $0x0;
	lr =	simm.s32 $0x1  }
0x2: {  	[smem:$0x3F9A] =	sst lr;
	_ =	strace $0xD0000000  }
0x3: {  	_ = 	snop  }
0x4: {  	_ = 	snop  }
0x5: {  	_ = 	snop  }
0x6: {  	_ = 	snop  }
0x7: {  	_ = 	snop  }
__scs_overlays_trampoline_lowered:
0x8: {  	[smem:$0x3FA9] =	sst s0  }
0x9: {  	[smem:$0x3FAA] =	sst s1  }
0xa: {  	[smem:$0x3FAB] =	sst s2  }
0xb: {  	[smem:$0x3FAC] =	sst s3  }
0xc: {  	[smem:$0x3FAD] =	sst s4  }
0xd: {  	[smem:$0x3FAE] =	sst s5  }
0xe: {  	[smem:$0x3FAF] =	sst s6  }
0xf: {  	[smem:$0x3FB0] =	sst s7  }
0x10: {  	[smem:$0x3FB1] =	sst s8  }
0x11: {  	[smem:$0x3FB2] =	sst s9;
	s0 =	simm.s32 @!p0 $0x0  }
0x12: {  	s1 =	sld [smem:$0x3F98];
	s0 =	simm.s32 @p0 $0x1  }
0x13: {  	[smem:$0x3FB3] =	sst s0;
	s0 =	simm.s32 @!p1 $0x0  }
0x14: {  	s2 =	sld [smem:$0x3F97];
	s0 =	simm.s32 @p1 $0x1  }
0x15: {  	[smem:$0x3FB4] =	sst s0;
	s0 =	simm.s32 @!p2 $0x0  }
0x16: {  	s3 =	sld [smem:$0x3FDB];
	s0 =	simm.s32 @p2 $0x1  }
0x17: {  	s4 =	simm.s32 $0x1BF5;
	[smem:$0x3FB6] =	sst s0  }
0x18: {  	s0 =	sld [smem:$0x3F99];
	_ =	swait.ge [sflag:s4], $0x0  }
0x19: {  	s7 =	sld [smem:$0x3F9A]  }
0x1a: {  	s8 =	sadd.s32 $0xFFFFE003, lr  }
0x1b: {  	s9 =	sadd.s32 $0xFFFFFEF7, lr;
	s5 =	simm.s32 $0xFFFFFFFF;
	p2 =	slt.u32 s8, $0xFFFFF086  }
0x1c: {  	p1 =	slt.u32 s9, $0xF7A;
	s5 =	simm.s32 @!p2 $0x0  }
0x1d: {  	s5 =	simm.s32 @p1 $0x1;
	p0 =	seq.s32 s7, s2  }
0x1e: {  	s7 =	smul.u32 @!p0 $0xF7A, s2;
	p2 =	seq.s32 @!p0 s5, $0x0  }
0x1f: {  	s9 =	smul.u32 $0xF7A, s1;
	s8 =	simm.s32 @!p0 $0x1BF5;
	p2 =	por !p2, p0  }
0x20: {  	[sflag:s8] =	ssyncset.s32 @!p0 $0xFFFFF086;
	s6 =	sadd.s32 @!p0 s3, s7;
	s7 =	simm.s32 @!p0 $0x108  }
0x21: {  	s3 =	sadd.s32 s3, s9;
	s6 =	sadd.s32 @!p0 $0x88, s6;
	s7 =	simm.s32 @p2 $0x1082  }
0x22: {  	[simem:s7], [sflag:s8] =	dma.local @!p0 [hbm:s6], $0xF7A  }
0x23: {  	s9 =	sor.u32 $0xD0000000, s2;
	s6 =	simm.s32 $0x108;
	_ =	swait.ge @!p0 [sflag:s8], $0x0  }
0x24: {  	s3 =	sadd.s32 $0x88, s3;
	s6 =	simm.s32 @!p1 $0x1082;
	[sflag:s4] =	ssyncset.s32 $0xFFFFF086  }
0x25: {  	[simem:s6], [sflag:s4] =	dma.local [hbm:s3], $0xF7A  }
0x26: {  	[smem:$0x3F9A] =	sst s1;
	(tag) =	ssettag s2;
	_ =	strace s9  }
0x27: {  	s1 =	sld [smem:$0x3FAA]  }
0x28: {  	s2 =	sld [smem:$0x3FAB]  }
0x29: {  	s4 =	sld [smem:$0x3FAD]  }
0x2a: {  	p0 =	seq.s32 s5, $0x0;
	s5 =	sld [smem:$0x3FAE]  }
0x2b: {  	s6 =	sld [smem:$0x3FAF]  }
0x2c: {  	s7 =	sld [smem:$0x3FB0]  }
0x2d: {  	s3 =	simm.s32 $0x108;
	s8 =	sld [smem:$0x3FB1]  }
0x2e: {  	s3 =	simm.s32 @!p0 $0x1082;
	s9 =	sld [smem:$0x3FB2]  }
0x2f: {  	lr =	sadd.s32 s0, s3;
	s0 =	sld [smem:$0x3FA9]  }
0x30: {  	s3 =	sld [smem:$0x3FAC]  }
0x31: {  	[smem:$0x3FB5] =	sst s10  }
0x32: {  	s10 =	sld [smem:$0x3FB3];
	_ =	sdelay $0x3  }
0x33: {  	p0 =	seq.s32 s10, $0x1;
	s10 =	sld [smem:$0x3FB5];
	_ =	sdelay $0x3  }
0x34: {  	[smem:$0x3FB5] =	sst s10  }
0x35: {  	s10 =	sld [smem:$0x3FB4];
	_ =	sdelay $0x3  }
0x36: {  	p1 =	seq.s32 s10, $0x1;
	s10 =	sld [smem:$0x3FB5];
	_ =	sdelay $0x3  }
0x37: {  	[smem:$0x3FB5] =	sst s10  }
0x38: {  	s10 =	sld [smem:$0x3FB6]  }
0x39: {  	_ = 	snop;
	(pc) =	sbr.ind lr, $3  }
0x3a: {  	_ = 	snop  }
0x3b: {  	_ = 	snop  }
0x3c: {  	p2 =	seq.s32 s10, $0x1;
	s10 =	sld [smem:$0x3FB5]  }
0x3d: {  	_ =	shalt  }
0x3e: {  	_ =	shalt  }
0x3f: {  	_ =	shalt  }
0x40: {  	_ =	shalt  }
0x41: {  	_ =	shalt  }
0x42: {  	_ =	shalt  }
0x43: {  	_ =	shalt  }
0x44: {  	_ =	shalt  }
0x45: {  	_ =	shalt  }
0x46: {  	_ =	shalt  }
0x47: {  	_ =	shalt  }
0x48: {  	_ =	shalt  }
0x49: {  	_ =	shalt  }
0x4a: {  	_ =	shalt  }
0x4b: {  	_ =	shalt  }
0x4c: {  	_ =	shalt  }
0x4d: {  	_ =	shalt  }
0x4e: {  	_ =	shalt  }
0x4f: {  	_ =	shalt  }
0x50: {  	_ =	shalt  }
0x51: {  	_ =	shalt  }
0x52: {  	_ =	shalt  }
0x53: {  	_ =	shalt  }
0x54: {  	_ =	shalt  }
0x55: {  	_ =	shalt  }
0x56: {  	_ =	shalt  }
0x57: {  	_ =	shalt  }
0x58: {  	_ =	shalt  }
0x59: {  	_ =	shalt  }
0x5a: {  	_ =	shalt  }
0x5b: {  	_ =	shalt  }
0x5c: {  	_ =	shalt  }
0x5d: {  	_ =	shalt  }
0x5e: {  	_ =	shalt  }
0x5f: {  	_ =	shalt  }
0x60: {  	_ =	shalt  }
0x61: {  	_ =	shalt  }
0x62: {  	_ =	shalt  }
0x63: {  	_ =	shalt  }
0x64: {  	_ =	shalt  }
0x65: {  	_ =	shalt  }
0x66: {  	_ =	shalt  }
0x67: {  	_ =	shalt  }
0x68: {  	_ =	shalt  }
0x69: {  	_ =	shalt  }
0x6a: {  	_ =	shalt  }
0x6b: {  	_ =	shalt  }
0x6c: {  	_ =	shalt  }
0x6d: {  	_ =	shalt  }
0x6e: {  	_ =	shalt  }
0x6f: {  	_ =	shalt  }
0x70: {  	_ =	shalt  }
0x71: {  	_ =	shalt  }
0x72: {  	_ =	shalt  }
0x73: {  	_ =	shalt  }
0x74: {  	_ =	shalt  }
0x75: {  	_ =	shalt  }
0x76: {  	_ =	shalt  }
0x77: {  	_ =	shalt  }
0x78: {  	_ =	shalt  }
0x79: {  	_ =	shalt  }
0x7a: {  	_ =	shalt  }
0x7b: {  	_ =	shalt  }
0x7c: {  	_ =	shalt  }
0x7d: {  	_ =	shalt  }
0x7e: {  	_ =	shalt  }
0x7f: {  	_ =	shalt  }
0x80: {  	_ =	shalt  }
0x81: {  	_ =	shalt  }
0x82: {  	_ =	shalt  }
0x83: {  	_ =	shalt  }
0x84: {  	_ =	shalt  }
0x85: {  	_ =	shalt  }
0x86: {  	_ =	shalt  }
0x87: {  	_ =	shalt  }
.Lfunc_end0:
.L_simem_size_0:
called_computation.1_lowered:
.L_overlay_start_0:
0x88: {  	s2 =	sld [smem:$0x3FD9]  }
0x89: {  	s3 =	sld [smem:$0x3FFE];
	_ =	sdelay $0x1  }
0x8a: {  	s1 =	srdreg.scid  }
0x8b: {  	s0 =	sand.u32 $0x1, s1  }
0x8c: {  	s16 =	sshll.u32 s0, $0xA;
	s2 =	sadd.s32 s3, s2  }
0x8d: {  	s2 =	sadd.s32 s2, s16  }
0x8e: {  	[smem:$0x3FC1] =	sst s2  }
0x8f: {  	_ = 	snop  }
0x90: {  	(tm) =	ssettm $0x1  }
0x91: {  	s17 =	sld [smem:$0x3FFB];
	_ =	sdelay $0x3  }
0x92: {  	_ =	strace s17  }
0x93: {  	s2 =	sld [smem:$0x3FFC];
	_ =	sdelay $0x3  }
0x94: {  	_ =	strace s2  }
0x95: {  	s2 =	sld [smem:$0x3FFD];
	_ =	sdelay $0x3  }
0x96: {  	_ =	strace s2  }
0x97: {  	_ =	strace $0x8FFFFFFF  }
0x98: {  	s18 =	sld [smem:$0x3FDB];
	_ =	sdelay $0x1  }
0x99: {  	s19 =	simm.s32 $_scs_section_size  }
0x9a: {  	s4 =	simm.s32 $_size__tile_overlayer_lowered;
	s5 =	simm.s32 $_tile_overlayer_lowered  }
0x9b: {  	s22 =	simm.s32 $0x1BFF;
	s21 =	sshll.u32 s5, $0x1;
	s2 =	sadd.s32 s19, s18  }
0x9c: {  	s6 =	simm.s32 $0x0;
	s20 =	sshll.u32 s4, $0x1;
	s4 =	sadd.s32 s21, s2  }
0x9d: {  	[timem:s6], [sflag:s22] =	dma.local [hbm:s4], s20  }
0x9e: {  	_ =	swait.ge [sflag:s22], s20  }
0x9f: {  	s3 =	ssub.s32 $0x0, s20;
	[sflag:s22] =	ssyncset.done $0x0  }
0xa0: {  	[sflag:s22] =	ssyncadd.s32 s3;
	_ =	sdelay $0x1  }
0xa1: {  	s23 =	simm.s32 $0x1B8B  }
0xa2: {  	_ =	swait.ge [sflag:s23], $0x1  }
0xa3: {  	[sflag:s23] =	ssyncset.done $0x0  }
0xa4: {  	s25 =	simm.s32 $0x1B8E;
	s24 =	sld [smem:$0x3FFE];
	[sflag:s23] =	ssyncadd.s32 $0xFFFFFFFF  }
0xa5: {  	s26 =	simm.s32 $execute0_lowered;
	[smem:$0x3FD2] =	sst s25  }
0xa6: {  	s4 =	sshll.u32 s26, $0x1;
	_ =	strace $0x80000049;
	[dreg:$0x1] =	wrdreg $0xFFFFFFFF  }
0xa7: {  	s28 =	simm.s32 $_size_execute0_lowered;
	s2 =	sadd.s32 s2, s4;
	[dreg:$0x0] =	wrdreg $0x0  }
0xa8: {  	s4 =	sshll.u32 s28, $0x1;
	[dreg:$0x2] =	wrdreg s2  }
0xa9: {  	[dreg:$0x3] =	wrdreg s4  }
0xaa: {  	[dreg:$0x4] =	wrdreg $0xC0  }
0xab: {  	_ =	task [dreg:s6], $0x5FFFF  }
0xac: {  	[dreg:$0x1] =	wrdreg $0xFFFFFFFF  }
0xad: {  	[dreg:$0x0] =	wrdreg $0x60  }
0xae: {  	[dreg:$0x2] =	wrdreg s24  }
0xaf: {  	[dreg:$0x3] =	wrdreg $0x120000  }
0xb0: {  	[dreg:$0x4] =	wrdreg $0x9  }
0xb1: {  	_ =	task.clear_ibuf [dreg:s6], $0x5FFFF;
	_ =	strace $0x90000049  }
0xb2: {  	s29 =	simm.s32 $0x9;
	_ =	strace $0x8000004B  }
0xb3: {  	_ =	swait.ge [sflag:s29], $0x1  }
0xb4: {  	[sflag:s29] =	ssyncadd.s32 $0xFFFFFFFF  }
0xb5: {  	_ =	strace $0x9000004B  }
0xb6: {  	_ =	sfence  }
0xb7: {  	s30 =	sld [smem:$0x0];
	_ =	sdelay $0x2  }
0xb8: {  	s31 =	sshll.u32 s1, $0xD;
	s1 =	sshrl.u32 s1, $0x2  }
0xb9: {  	s3 =	sand.u32 $0x4000, s31;
	s1 =	sadd.s32 s1, s30  }
0xba: {  	s0 =	sor.u32 s3, s0;
	s1 =	sshll.u32 s1, $0x11  }
0xbb: {  	s0 =	sor.u32 s1, s0  }
0xbc: {  	s0 =	sadd.s32 $0x8F2B, s0  }
0xbd: {  	[sflag:s0] =	ssyncadd.remote.s32 $0x1  }
0xbe: {  	_ =	sfence.sel $0xFFFF  }
0xbf: {  	[dreg:$0x0] =	wrdreg $0xFFFFFFFF;
	(pc) =	sbr.abs _section_cstart, $3  }
0xc0: {  	[dreg:$0x1] =	wrdreg $0xFFFFFFFF  }
0xc1: {  	_ =	task.clear_ibuf [dreg:s6], $0x2FFFF;
	_ =	strace $0x9FFFFFFF  }
0xc2: {  	(tm) =	ssettm $0x7FFFFFFF  }
0xc3: {  	_ =	shalt  }
tec
execute0_lowered:
.L_overlay_start_1:
0x0: {  	(tag) =	ssettag $0x1  }
0x1: {  	s0 =	rddreg [dreg:$0x0]  }
0x2: {  	s2 =	rddreg [dreg:$0x1];
	s3 =	simm.s32 $0x0;
	s13 =	stileid.u32  }
0x3: {  	s5 =	srdreg.scid;
	s18 =	simm.s32 $0x80;
	s19 =	simm.s32 $0xA000  }
0x4: {  	s20 =	simm.s32 $0xB000;
	s28 =	simm.s32 $0x10000;
	s29 =	simm.s32 $0x11000  }
0x5: {  	s30 =	simm.s32 $0x1;
	s31 =	simm.s32 $0x2;
	s1 =	smul.u32 $0x5000, s13  }
0x6: {  	[smem:$0x7FF] =	sst s3;
	s4 =	smul.u32 $0xA00, s13;
	s8 =	sadd.s32 $0x1E800, s0  }
0x7: {  	s5 =	sand.u32 $0x1, s5;
	s26 =	sshll.u32 s13, $0x6;
	s13 =	simm.s32 $0x5  }
0x8: {  	_ =	strace $0x8000004A;
	s7 =	ssub.s32 $0x2, s5;
	s11 =	smul.u32 $0x13880, s5  }
0x9: {  	s10 =	sshllo.u32 s5, $0x1;
	s23 =	smul.u32 $0xA0000, s5;
	s15 =	sor.u32 $0x1C05, s26  }
0xa: {  	s26 =	simm.s32 $0x180;
	s6 =	sshrl.u32 s1, $0x3;
	s4 =	sadd.s32 s4, s0  }
0xb: {  	s9 =	sshrl.u32 s7, $0x1;
	s21 =	smul.u32 $0x9C40, s10;
	s24 =	sadd.s32 s1, s2  }
0xc: {  	s10 =	smul.u32 $0x50000, s10;
	s6 =	sadd.s32 s6, s0;
	s0 =	sadd.s32 $0x45A00, s0  }
0xd: {  	s12 =	ssub.s32 s7, s9;
	s22 =	sadd.s32 $0x800, s4;
	s4 =	sadd.s32 $0xA800, s4  }
0xe: {  	s14 =	sadd.s32 $0x50000, s24;
	s7 =	sadd.s32 s8, s11;
	s9 =	sadd.s32 $0x50000, s2  }
0xf: {  	s16 =	sshrl.u32 s24, $0x3;
	s24 =	simm.s32 $0xE000;
	[dreg:$0x3] =	wrdreg s22  }
0x10: {  	[dreg:$0x4] =	wrdreg s4;
	s6 =	sadd.s32 $0x14800, s6;
	s4 =	sadd.s32 s1, s23  }
0x11: {  	s8 =	sadd.s32 s8, s21;
	s1 =	sadd.s32 s1, s10;
	s25 =	smax.u32 s12, $0x1  }
.Ltmp0:
0x12: {  	s17 =	sshrl.u32 s14, $0x3;
	s21 =	simm.s32 $0xC000;
	(pc) =	sbr.rel .LBB2_1-.Ltmp0, $4  }
0x13: {  	s22 =	simm.s32 $0xD000;
	s14 =	simm.s32 $0x0;
	s4 =	sshrl.u32 s4, $0x3  }
0x14: {  	s1 =	sshrl.u32 s1, $0x3;
	[dreg:$0x7] =	wrdreg s25;
	s4 =	sadd.s32 s0, s4  }
0x15: {  	s25 =	simm.s32 $0xF000;
	s0 =	sadd.s32 s0, s1;
	[dreg:$0x5] =	wrdreg s4  }
0x16: {  	s1 =	simm.s32 $0x4;
	[dreg:$0x6] =	wrdreg s0;
	s0 =	simm.s32 $0x3  }
.LBB2_4:
0x17: {  	[bflag:$0x0] =	sbarrier.arrive $0xFFFF  }
0x18: {  	s4 =	rddreg [dreg:$0x5]  }
0x19: {  	[hbm:s4], [sflag:s15] =	dma.local [spmem:s16], $0xA00  }
0x1a: {  	_ =	swait.ge [sflag:s13], $0xA00  }
0x1b: {  	[sflag:s13] =	ssyncset.done $0x0  }
0x1c: {  	s12 =	rddreg [dreg:$0x6];
	[sflag:s13] =	ssyncadd.s32 $0xFFFFF600  }
0x1d: {  	[hbm:s12], [sflag:s15] =	dma.local [spmem:s17], $0xA00  }
0x1e: {  	_ =	swait.ge [sflag:s13], $0xA00  }
0x1f: {  	s14 =	sadd.s32 $0x1, s14;
	s23 =	rddreg [dreg:$0x7]  }
0x20: {  	p0 =	sne.s32 s14, s23  }
.Ltmp1:
0x21: {  	_ = 	snop;
	(pc) =	sbr.rel @!p0 .LBB2_5-.Ltmp1, $3  }
0x22: {  	_ =	sdelay $0x1  }
0x23: {  	[sflag:s13] =	ssyncset.done $0x0  }
0x24: {  	[sflag:s13] =	ssyncadd.s32 $0xFFFFF600  }
.LBB2_1:
0x25: {  	s4 =	rddreg [dreg:$0x3]  }
0x26: {  	[tilespmem:s3], [sflag:$0x5] =	stream.linear.gather [hbm4b:s4+s3], $0x5000, $0x38;
	[tilespmem:$0x1C000] =	vst v63  }
0x27: {  	_ =	swait.ge [sflag:s13], $0x5000  }
0x28: {  	[sflag:s13] =	ssyncset.done $0x0  }
0x29: {  	s5 =	simm.s32 $0x5000;
	s12 =	rddreg [dreg:$0x4];
	[sflag:s13] =	ssyncadd.s32 $0xFFFFB000  }
0x2a: {  	[tilespmem:s5], [sflag:$0x5] =	stream.linear.gather [hbm4b:s12+s3], $0x5000, $0x38;
	[tilespmem:$0x1C000] =	vst v63  }
0x2b: {  	_ =	swait.ge [sflag:s13], $0x5000  }
0x2c: {  	[sflag:s13] =	ssyncset.done $0x0  }
0x2d: {  	[sflag:s13] =	ssyncadd.s32 $0xFFFFB000  }
0x2e: {  	[spmem:s16], [sflag:s15] =	dma.local [hbm:s6], $0xA00  }
0x2f: {  	_ =	swait.ge [sflag:s13], $0xA00  }
0x30: {  	[sflag:s13] =	ssyncset.done $0x0  }
0x31: {  	[sflag:s13] =	ssyncadd.s32 $0xFFFFF600  }
0x32: {  	[spmem:s17], [sflag:s15] =	dma.local [hbm:s6], $0xA00  }
0x33: {  	_ =	swait.ge [sflag:s13], $0xA00  }
0x34: {  	[sflag:s13] =	ssyncset.done $0x0  }
0x35: {  	[sflag:s13] =	ssyncadd.s32 $0xFFFFF600  }
0x36: {  	[bflag:$0x0] =	sbarrier.arrive $0xFFFF  }
0x37: {  	[tilespmem:s19], [sflag:$0x1] =	stream.indirect.gather [hbm4b:s7+s18], $0x20, s3, s18, $0xb8;
	[tilespmem:$0x1C000] =	vst v63  }
0x38: {  	_ = 	snop  }
0x39: {  	[tilespmem:s20], [sflag:$0x1] =	stream.indirect.gather [hbm4b:s8+s18], $0x20, s3, s18, $0xb8;
	[tilespmem:$0x1C000] =	vst v63  }
0x3a: {  	_ = 	snop  }
0x3b: {  	[tilespmem:s21], [sflag:$0x2] =	stream.indirect.gather [hbm4b:s7+s18], $0x20, s18, s18, $0xb8;
	[tilespmem:$0x1C000] =	vst v63  }
0x3c: {  	_ = 	snop  }
0x3d: {  	[tilespmem:s22], [sflag:$0x2] =	stream.indirect.gather [hbm4b:s8+s18], $0x20, s18, s18, $0xb8;
	[tilespmem:$0x1C000] =	vst v63  }
0x3e: {  	s23 =	simm.s32 $0x100  }
0x3f: {  	[tilespmem:s24], [sflag:$0x3] =	stream.indirect.gather [hbm4b:s7+s18], $0x20, s23, s18, $0xb8;
	[tilespmem:$0x1C000] =	vst v63  }
0x40: {  	_ = 	snop  }
0x41: {  	[tilespmem:s25], [sflag:$0x3] =	stream.indirect.gather [hbm4b:s8+s18], $0x20, s23, s18, $0xb8;
	[tilespmem:$0x1C000] =	vst v63  }
0x42: {  	_ = 	snop  }
0x43: {  	[tilespmem:s28], [sflag:$0x4] =	stream.indirect.gather [hbm4b:s7+s18], $0x20, s26, s18, $0xb8;
	[tilespmem:$0x1C000] =	vst v63  }
0x44: {  	s4 =	simm.s32 $0x0  }
0x45: {  	[tilespmem:s29], [sflag:$0x4] =	stream.indirect.gather [hbm4b:s8+s18], $0x20, s26, s18, $0xb8;
	[tilespmem:$0x1C000] =	vst v63  }
.LBB2_2:
0x46: {  	_ =	swait.ge [sflag:s30], $0x1000  }
0x47: {  	[sflag:s30] =	ssyncset.done $0x0  }
0x48: {  	[sflag:s30] =	ssyncadd.s32 $0xFFFFF000  }
0x49: {  	_ =	swait.ge [sflag:s30], $0x1000  }
0x4a: {  	s5 =	sshra.s32 s4, $0x2;
	[sflag:s30] =	ssyncset.done $0x0  }
0x4b: {  	s10 =	sadd.s32 $0x5000, s5;
	[sflag:s30] =	ssyncadd.s32 $0xFFFFF000  }
0x4c: {  	[spmem:s2] =	stream.indirect.scatter.add.f32 [tilespmem:s19], [sflag:$0x5], $0x20, s10, s18, $0xb8;
	[tilespmem:$0x1C000] =	vst v63  }
0x4d: {  	_ =	swait.ge [sflag:s13], $0x1000  }
0x4e: {  	[sflag:s13] =	ssyncset.done $0x0  }
0x4f: {  	[sflag:s13] =	ssyncadd.s32 $0xFFFFF000  }
0x50: {  	[spmem:s9] =	stream.indirect.scatter.add.f32 [tilespmem:s20], [sflag:$0x5], $0x20, s10, s18, $0xb8;
	[tilespmem:$0x1C000] =	vst v63  }
0x51: {  	p0 =	seq.s32 s4, $0x13800;
	_ =	swait.ge [sflag:s13], $0x1000  }
0x52: {  	s12 =	simm.s32 @!p0 $0x80;
	s10 =	sshra.s32 @!p0 s4, $0x2;
	[sflag:s13] =	ssyncset.done $0x0  }
0x53: {  	s23 =	simm.s32 @!p0 $0xA000;
	s11 =	sadd.s32 @!p0 $0x200, s10;
	[sflag:s13] =	ssyncadd.s32 $0xFFFFF000  }
0x54: {  	[tilespmem:s23], [sflag:$0x1] =	stream.indirect.gather @!p0 [hbm4b:s7+s12], $0x20, s11, s12, $0xb8;
	[tilespmem:$0x1C000] =	vst v63  }
0x55: {  	s23 =	simm.s32 @!p0 $0xB000  }
0x56: {  	[tilespmem:s23], [sflag:$0x1] =	stream.indirect.gather @!p0 [hbm4b:s8+s12], $0x20, s11, s12, $0xb8;
	[tilespmem:$0x1C000] =	vst v63  }
0x57: {  	_ =	swait.ge [sflag:s31], $0x1000  }
0x58: {  	[sflag:s31] =	ssyncset.done $0x0  }
0x59: {  	[sflag:s31] =	ssyncadd.s32 $0xFFFFF000  }
0x5a: {  	_ =	swait.ge [sflag:s31], $0x1000  }
0x5b: {  	[sflag:s31] =	ssyncset.done $0x0  }
0x5c: {  	s23 =	sadd.s32 $0x5080, s5;
	[sflag:s31] =	ssyncadd.s32 $0xFFFFF000  }
0x5d: {  	[spmem:s2] =	stream.indirect.scatter.add.f32 [tilespmem:s21], [sflag:$0x5], $0x20, s23, s18, $0xb8;
	[tilespmem:$0x1C000] =	vst v63  }
0x5e: {  	_ =	swait.ge [sflag:s13], $0x1000  }
0x5f: {  	[sflag:s13] =	ssyncset.done $0x0  }
0x60: {  	[sflag:s13] =	ssyncadd.s32 $0xFFFFF000  }
0x61: {  	[spmem:s9] =	stream.indirect.scatter.add.f32 [tilespmem:s22], [sflag:$0x5], $0x20, s23, s18, $0xb8;
	[tilespmem:$0x1C000] =	vst v63  }
0x62: {  	_ =	swait.ge [sflag:s13], $0x1000  }
0x63: {  	[sflag:s13] =	ssyncset.done $0x0  }
0x64: {  	s11 =	sadd.s32 @!p0 $0x280, s10;
	s23 =	simm.s32 @!p0 $0xC000;
	[sflag:s13] =	ssyncadd.s32 $0xFFFFF000  }
0x65: {  	[tilespmem:s23], [sflag:$0x2] =	stream.indirect.gather @!p0 [hbm4b:s7+s12], $0x20, s11, s12, $0xb8;
	[tilespmem:$0x1C000] =	vst v63  }
0x66: {  	s23 =	simm.s32 @!p0 $0xD000  }
0x67: {  	[tilespmem:s23], [sflag:$0x2] =	stream.indirect.gather @!p0 [hbm4b:s8+s12], $0x20, s11, s12, $0xb8;
	[tilespmem:$0x1C000] =	vst v63  }
0x68: {  	_ =	swait.ge [sflag:s0], $0x1000  }
0x69: {  	[sflag:s0] =	ssyncset.done $0x0  }
0x6a: {  	[sflag:s0] =	ssyncadd.s32 $0xFFFFF000  }
0x6b: {  	_ =	swait.ge [sflag:s0], $0x1000  }
0x6c: {  	[sflag:s0] =	ssyncset.done $0x0  }
0x6d: {  	s23 =	sadd.s32 $0x5100, s5;
	[sflag:s0] =	ssyncadd.s32 $0xFFFFF000  }
0x6e: {  	[spmem:s2] =	stream.indirect.scatter.add.f32 [tilespmem:s24], [sflag:$0x5], $0x20, s23, s18, $0xb8;
	[tilespmem:$0x1C000] =	vst v63  }
0x6f: {  	_ =	swait.ge [sflag:s13], $0x1000  }
0x70: {  	[sflag:s13] =	ssyncset.done $0x0  }
0x71: {  	[sflag:s13] =	ssyncadd.s32 $0xFFFFF000  }
0x72: {  	[spmem:s9] =	stream.indirect.scatter.add.f32 [tilespmem:s25], [sflag:$0x5], $0x20, s23, s18, $0xb8;
	[tilespmem:$0x1C000] =	vst v63  }
0x73: {  	_ =	swait.ge [sflag:s13], $0x1000  }
0x74: {  	[sflag:s13] =	ssyncset.done $0x0  }
0x75: {  	s10 =	sadd.s32 @!p0 $0x300, s10;
	s11 =	simm.s32 @!p0 $0xE000;
	[sflag:s13] =	ssyncadd.s32 $0xFFFFF000  }
0x76: {  	[tilespmem:s11], [sflag:$0x3] =	stream.indirect.gather @!p0 [hbm4b:s7+s12], $0x20, s10, s12, $0xb8;
	[tilespmem:$0x1C000] =	vst v63  }
0x77: {  	s11 =	simm.s32 @!p0 $0xF000  }
0x78: {  	[tilespmem:s11], [sflag:$0x3] =	stream.indirect.gather @!p0 [hbm4b:s8+s12], $0x20, s10, s12, $0xb8;
	[tilespmem:$0x1C000] =	vst v63  }
0x79: {  	_ =	swait.ge [sflag:s1], $0x1000  }
0x7a: {  	[sflag:s1] =	ssyncset.done $0x0  }
0x7b: {  	[sflag:s1] =	ssyncadd.s32 $0xFFFFF000  }
0x7c: {  	_ =	swait.ge [sflag:s1], $0x1000  }
0x7d: {  	[sflag:s1] =	ssyncset.done $0x0  }
0x7e: {  	s23 =	sadd.s32 $0x5180, s5;
	[sflag:s1] =	ssyncadd.s32 $0xFFFFF000  }
0x7f: {  	[spmem:s2] =	stream.indirect.scatter.add.f32 [tilespmem:s28], [sflag:$0x5], $0x20, s23, s18, $0xb8;
	[tilespmem:$0x1C000] =	vst v63  }
0x80: {  	_ =	swait.ge [sflag:s13], $0x1000  }
0x81: {  	[sflag:s13] =	ssyncset.done $0x0  }
.Ltmp2:
0x82: {  	[sflag:s13] =	ssyncadd.s32 $0xFFFFF000;
	(pc) =	sbr.rel @p0 .LBB2_4-.Ltmp2, $4  }
0x83: {  	[spmem:s9] =	stream.indirect.scatter.add.f32 [tilespmem:s29], [sflag:$0x5], $0x20, s23, s18, $0xb8;
	[tilespmem:$0x1C000] =	vst v63  }
0x84: {  	_ =	swait.ge [sflag:s13], $0x1000  }
0x85: {  	[sflag:s13] =	ssyncset.done $0x0  }
0x86: {  	[sflag:s13] =	ssyncadd.s32 $0xFFFFF000  }
.Ltmp3:
0x87: {  	(pc) =	sbr.rel .LBB2_2-.Ltmp3, $4  }
0x88: {  	s5 =	sadd.s32 $0x380, s5  }
0x89: {  	[tilespmem:s28], [sflag:$0x4] =	stream.indirect.gather [hbm4b:s7+s18], $0x20, s5, s18, $0xb8;
	[tilespmem:$0x1C000] =	vst v63  }
0x8a: {  	s4 =	sadd.s32 $0x800, s4  }
0x8b: {  	[tilespmem:s29], [sflag:$0x4] =	stream.indirect.gather [hbm4b:s8+s18], $0x20, s5, s18, $0xb8;
	[tilespmem:$0x1C000] =	vst v63  }
.LBB2_5:
0x8c: {  	_ =	sfence.sel $0x180000  }
0x8d: {  	[bflag:$0x0] =	sbarrier.arrive $0xFFFF  }
0x8e: {  	_ =	strace $0x9000004A  }
0x8f: {  	s0 =	stileid.u32;
	[bflag:$0x2] =	sbarrier.arrive $0xFFFF  }
0x90: {  	p0 =	sne.s32 s0, $0x0;
	s0 =	rddreg [dreg:$0x2]  }
0x91: {  	s0 =	sadd.s32 @!p0 $0x100000, s0  }
0x92: {  	[sflag:s0] =	ssyncadd.tile.s32 @!p0 $0x1;
	_ =	shalt  }
.Lfunc_end2:
_tile_overlayer_lowered:
.L_overlay_start_2:
0x93: {  	(tag) =	ssettag $0x2  }
0x94: {  	s0 =	rddreg [dreg:$0x0];
	s2 =	stileid.u32  }
0x95: {  	s1 =	rddreg [dreg:$0x1];
	p0 =	sne.s32 s2, $0x0  }
0x96: {  	s3 =	rddreg [dreg:$0x2];
	[bflag:$0x3] =	sbarrier.arrive $0xFFFF;
	s2 =	simm.s32 @!p0 $0x1C05  }
0x97: {  	[timem:s3], [sflag:s2] =	dma.local @!p0 [hbm:s0], s1  }
0x98: {  	s0 =	simm.s32 @!p0 $0x5  }
0x99: {  	_ =	swait.ge @!p0 [sflag:s0], s1  }
0x9a: {  	s1 =	ssub.s32 @!p0 $0x0, s1;
	[sflag:s0] =	ssyncset.done @!p0 $0x0  }
0x9b: {  	[sflag:s0] =	ssyncadd.s32 @!p0 s1  }
0x9c: {  	[bflag:$0x3] =	sbarrier.arrive $0xFFFF  }
0x9d: {  	_ =	shalt  }

// kernel: kernel.7.cloned.1.call-start
scs
__scs_entry_jumppad:
0x0: {  	(pc) =	sbr.rel $0x88, $3  }
0x1: {  	(tag) =	ssettag $0x0;
	lr =	simm.s32 $0x1  }
0x2: {  	[smem:$0x3F9A] =	sst lr;
	_ =	strace $0xD0000000  }
0x3: {  	_ = 	snop  }
0x4: {  	_ = 	snop  }
0x5: {  	_ = 	snop  }
0x6: {  	_ = 	snop  }
0x7: {  	_ = 	snop  }
__scs_overlays_trampoline_lowered:
0x8: {  	[smem:$0x3FA9] =	sst s0  }
0x9: {  	[smem:$0x3FAA] =	sst s1  }
0xa: {  	[smem:$0x3FAB] =	sst s2  }
0xb: {  	[smem:$0x3FAC] =	sst s3  }
0xc: {  	[smem:$0x3FAD] =	sst s4  }
0xd: {  	[smem:$0x3FAE] =	sst s5  }
0xe: {  	[smem:$0x3FAF] =	sst s6  }
0xf: {  	[smem:$0x3FB0] =	sst s7  }
0x10: {  	[smem:$0x3FB1] =	sst s8  }
0x11: {  	[smem:$0x3FB2] =	sst s9;
	s0 =	simm.s32 @!p0 $0x0  }
0x12: {  	s1 =	sld [smem:$0x3F98];
	s0 =	simm.s32 @p0 $0x1  }
0x13: {  	[smem:$0x3FB3] =	sst s0;
	s0 =	simm.s32 @!p1 $0x0  }
0x14: {  	s2 =	sld [smem:$0x3F97];
	s0 =	simm.s32 @p1 $0x1  }
0x15: {  	[smem:$0x3FB4] =	sst s0;
	s0 =	simm.s32 @!p2 $0x0  }
0x16: {  	s3 =	sld [smem:$0x3FDB];
	s0 =	simm.s32 @p2 $0x1  }
0x17: {  	s4 =	simm.s32 $0x1BF5;
	[smem:$0x3FB6] =	sst s0  }
0x18: {  	s0 =	sld [smem:$0x3F99];
	_ =	swait.ge [sflag:s4], $0x0  }
0x19: {  	s7 =	sld [smem:$0x3F9A]  }
0x1a: {  	s8 =	sadd.s32 $0xFFFFE003, lr  }
0x1b: {  	s9 =	sadd.s32 $0xFFFFFEF7, lr;
	s5 =	simm.s32 $0xFFFFFFFF;
	p2 =	slt.u32 s8, $0xFFFFF086  }
0x1c: {  	p1 =	slt.u32 s9, $0xF7A;
	s5 =	simm.s32 @!p2 $0x0  }
0x1d: {  	s5 =	simm.s32 @p1 $0x1;
	p0 =	seq.s32 s7, s2  }
0x1e: {  	s7 =	smul.u32 @!p0 $0xF7A, s2;
	p2 =	seq.s32 @!p0 s5, $0x0  }
0x1f: {  	s9 =	smul.u32 $0xF7A, s1;
	s8 =	simm.s32 @!p0 $0x1BF5;
	p2 =	por !p2, p0  }
0x20: {  	[sflag:s8] =	ssyncset.s32 @!p0 $0xFFFFF086;
	s6 =	sadd.s32 @!p0 s3, s7;
	s7 =	simm.s32 @!p0 $0x108  }
0x21: {  	s3 =	sadd.s32 s3, s9;
	s6 =	sadd.s32 @!p0 $0x88, s6;
	s7 =	simm.s32 @p2 $0x1082  }
0x22: {  	[simem:s7], [sflag:s8] =	dma.local @!p0 [hbm:s6], $0xF7A  }
0x23: {  	s9 =	sor.u32 $0xD0000000, s2;
	s6 =	simm.s32 $0x108;
	_ =	swait.ge @!p0 [sflag:s8], $0x0  }
0x24: {  	s3 =	sadd.s32 $0x88, s3;
	s6 =	simm.s32 @!p1 $0x1082;
	[sflag:s4] =	ssyncset.s32 $0xFFFFF086  }
0x25: {  	[simem:s6], [sflag:s4] =	dma.local [hbm:s3], $0xF7A  }
0x26: {  	[smem:$0x3F9A] =	sst s1;
	(tag) =	ssettag s2;
	_ =	strace s9  }
0x27: {  	s1 =	sld [smem:$0x3FAA]  }
0x28: {  	s2 =	sld [smem:$0x3FAB]  }
0x29: {  	s4 =	sld [smem:$0x3FAD]  }
0x2a: {  	p0 =	seq.s32 s5, $0x0;
	s5 =	sld [smem:$0x3FAE]  }
0x2b: {  	s6 =	sld [smem:$0x3FAF]  }
0x2c: {  	s7 =	sld [smem:$0x3FB0]  }
0x2d: {  	s3 =	simm.s32 $0x108;
	s8 =	sld [smem:$0x3FB1]  }
0x2e: {  	s3 =	simm.s32 @!p0 $0x1082;
	s9 =	sld [smem:$0x3FB2]  }
0x2f: {  	lr =	sadd.s32 s0, s3;
	s0 =	sld [smem:$0x3FA9]  }
0x30: {  	s3 =	sld [smem:$0x3FAC]  }
0x31: {  	[smem:$0x3FB5] =	sst s10  }
0x32: {  	s10 =	sld [smem:$0x3FB3];
	_ =	sdelay $0x3  }
0x33: {  	p0 =	seq.s32 s10, $0x1;
	s10 =	sld [smem:$0x3FB5];
	_ =	sdelay $0x3  }
0x34: {  	[smem:$0x3FB5] =	sst s10  }
0x35: {  	s10 =	sld [smem:$0x3FB4];
	_ =	sdelay $0x3  }
0x36: {  	p1 =	seq.s32 s10, $0x1;
	s10 =	sld [smem:$0x3FB5];
	_ =	sdelay $0x3  }
0x37: {  	[smem:$0x3FB5] =	sst s10  }
0x38: {  	s10 =	sld [smem:$0x3FB6]  }
0x39: {  	_ = 	snop;
	(pc) =	sbr.ind lr, $3  }
0x3a: {  	_ = 	snop  }
0x3b: {  	_ = 	snop  }
0x3c: {  	p2 =	seq.s32 s10, $0x1;
	s10 =	sld [smem:$0x3FB5]  }
0x3d: {  	_ =	shalt  }
0x3e: {  	_ =	shalt  }
0x3f: {  	_ =	shalt  }
0x40: {  	_ =	shalt  }
0x41: {  	_ =	shalt  }
0x42: {  	_ =	shalt  }
0x43: {  	_ =	shalt  }
0x44: {  	_ =	shalt  }
0x45: {  	_ =	shalt  }
0x46: {  	_ =	shalt  }
0x47: {  	_ =	shalt  }
0x48: {  	_ =	shalt  }
0x49: {  	_ =	shalt  }
0x4a: {  	_ =	shalt  }
0x4b: {  	_ =	shalt  }
0x4c: {  	_ =	shalt  }
0x4d: {  	_ =	shalt  }
0x4e: {  	_ =	shalt  }
0x4f: {  	_ =	shalt  }
0x50: {  	_ =	shalt  }
0x51: {  	_ =	shalt  }
0x52: {  	_ =	shalt  }
0x53: {  	_ =	shalt  }
0x54: {  	_ =	shalt  }
0x55: {  	_ =	shalt  }
0x56: {  	_ =	shalt  }
0x57: {  	_ =	shalt  }
0x58: {  	_ =	shalt  }
0x59: {  	_ =	shalt  }
0x5a: {  	_ =	shalt  }
0x5b: {  	_ =	shalt  }
0x5c: {  	_ =	shalt  }
0x5d: {  	_ =	shalt  }
0x5e: {  	_ =	shalt  }
0x5f: {  	_ =	shalt  }
0x60: {  	_ =	shalt  }
0x61: {  	_ =	shalt  }
0x62: {  	_ =	shalt  }
0x63: {  	_ =	shalt  }
0x64: {  	_ =	shalt  }
0x65: {  	_ =	shalt  }
0x66: {  	_ =	shalt  }
0x67: {  	_ =	shalt  }
0x68: {  	_ =	shalt  }
0x69: {  	_ =	shalt  }
0x6a: {  	_ =	shalt  }
0x6b: {  	_ =	shalt  }
0x6c: {  	_ =	shalt  }
0x6d: {  	_ =	shalt  }
0x6e: {  	_ =	shalt  }
0x6f: {  	_ =	shalt  }
0x70: {  	_ =	shalt  }
0x71: {  	_ =	shalt  }
0x72: {  	_ =	shalt  }
0x73: {  	_ =	shalt  }
0x74: {  	_ =	shalt  }
0x75: {  	_ =	shalt  }
0x76: {  	_ =	shalt  }
0x77: {  	_ =	shalt  }
0x78: {  	_ =	shalt  }
0x79: {  	_ =	shalt  }
0x7a: {  	_ =	shalt  }
0x7b: {  	_ =	shalt  }
0x7c: {  	_ =	shalt  }
0x7d: {  	_ =	shalt  }
0x7e: {  	_ =	shalt  }
0x7f: {  	_ =	shalt  }
0x80: {  	_ =	shalt  }
0x81: {  	_ =	shalt  }
0x82: {  	_ =	shalt  }
0x83: {  	_ =	shalt  }
0x84: {  	_ =	shalt  }
0x85: {  	_ =	shalt  }
0x86: {  	_ =	shalt  }
0x87: {  	_ =	shalt  }
.Lfunc_end0:
.L_simem_size_0:
called_computation_lowered:
.L_overlay_start_0:
0x88: {  	s2 =	sld [smem:$0x3FD9]  }
0x89: {  	s3 =	sld [smem:$0x3FFE];
	_ =	sdelay $0x1  }
0x8a: {  	s1 =	srdreg.scid  }
0x8b: {  	s0 =	sand.u32 $0x1, s1  }
0x8c: {  	s16 =	sshll.u32 s0, $0xA;
	s2 =	sadd.s32 s3, s2  }
0x8d: {  	s2 =	sadd.s32 s2, s16  }
0x8e: {  	[smem:$0x3FC1] =	sst s2  }
0x8f: {  	_ = 	snop  }
0x90: {  	(tm) =	ssettm $0x1  }
0x91: {  	s17 =	sld [smem:$0x3FFB];
	_ =	sdelay $0x3  }
0x92: {  	_ =	strace s17  }
0x93: {  	s2 =	sld [smem:$0x3FFC];
	_ =	sdelay $0x3  }
0x94: {  	_ =	strace s2  }
0x95: {  	s2 =	sld [smem:$0x3FFD];
	_ =	sdelay $0x3  }
0x96: {  	_ =	strace s2  }
0x97: {  	_ =	strace $0x8FFFFFFF  }
0x98: {  	s18 =	sld [smem:$0x3FDB];
	_ =	sdelay $0x1  }
0x99: {  	s19 =	simm.s32 $_scs_section_size  }
0x9a: {  	s4 =	simm.s32 $_size__tile_overlayer_lowered;
	s5 =	simm.s32 $_tile_overlayer_lowered  }
0x9b: {  	s22 =	simm.s32 $0x1BFF;
	s21 =	sshll.u32 s5, $0x1;
	s2 =	sadd.s32 s19, s18  }
0x9c: {  	s6 =	simm.s32 $0x0;
	s20 =	sshll.u32 s4, $0x1;
	s4 =	sadd.s32 s21, s2  }
0x9d: {  	[timem:s6], [sflag:s22] =	dma.local [hbm:s4], s20  }
0x9e: {  	_ =	swait.ge [sflag:s22], s20  }
0x9f: {  	s3 =	ssub.s32 $0x0, s20;
	[sflag:s22] =	ssyncset.done $0x0  }
0xa0: {  	[sflag:s22] =	ssyncadd.s32 s3;
	_ =	sdelay $0x1  }
0xa1: {  	s23 =	simm.s32 $0x1B8B  }
0xa2: {  	_ =	swait.ge [sflag:s23], $0x1  }
0xa3: {  	[sflag:s23] =	ssyncset.done $0x0  }
0xa4: {  	s25 =	simm.s32 $0x1B8E;
	s24 =	sld [smem:$0x3FFE];
	[sflag:s23] =	ssyncadd.s32 $0xFFFFFFFF  }
0xa5: {  	s26 =	simm.s32 $execute0_lowered;
	[smem:$0x3FD2] =	sst s25  }
0xa6: {  	s4 =	sshll.u32 s26, $0x1;
	_ =	strace $0x80000046;
	[dreg:$0x1] =	wrdreg $0xFFFFFFFF  }
0xa7: {  	s28 =	simm.s32 $_size_execute0_lowered;
	s2 =	sadd.s32 s2, s4;
	[dreg:$0x0] =	wrdreg $0x0  }
0xa8: {  	s4 =	sshll.u32 s28, $0x1;
	[dreg:$0x2] =	wrdreg s2  }
0xa9: {  	[dreg:$0x3] =	wrdreg s4  }
0xaa: {  	[dreg:$0x4] =	wrdreg $0xC0  }
0xab: {  	_ =	task [dreg:s6], $0x5FFFF  }
0xac: {  	[dreg:$0x1] =	wrdreg $0xFFFFFFFF  }
0xad: {  	[dreg:$0x0] =	wrdreg $0x60  }
0xae: {  	[dreg:$0x2] =	wrdreg s24  }
0xaf: {  	[dreg:$0x3] =	wrdreg $0x120000  }
0xb0: {  	[dreg:$0x4] =	wrdreg $0x9  }
0xb1: {  	_ =	task.clear_ibuf [dreg:s6], $0x5FFFF;
	_ =	strace $0x90000046  }
0xb2: {  	s29 =	simm.s32 $0x9;
	_ =	strace $0x80000048  }
0xb3: {  	_ =	swait.ge [sflag:s29], $0x1  }
0xb4: {  	[sflag:s29] =	ssyncadd.s32 $0xFFFFFFFF  }
0xb5: {  	_ =	strace $0x90000048  }
0xb6: {  	_ =	sfence  }
0xb7: {  	s30 =	sld [smem:$0x0];
	_ =	sdelay $0x2  }
0xb8: {  	s31 =	sshll.u32 s1, $0xD;
	s1 =	sshrl.u32 s1, $0x2  }
0xb9: {  	s3 =	sand.u32 $0x4000, s31;
	s1 =	sadd.s32 s1, s30  }
0xba: {  	s0 =	sor.u32 s3, s0;
	s1 =	sshll.u32 s1, $0x11  }
0xbb: {  	s0 =	sor.u32 s1, s0  }
0xbc: {  	s0 =	sadd.s32 $0x8F2B, s0  }
0xbd: {  	[sflag:s0] =	ssyncadd.remote.s32 $0x1  }
0xbe: {  	_ =	sfence.sel $0xFFFF  }
0xbf: {  	[dreg:$0x0] =	wrdreg $0xFFFFFFFF;
	(pc) =	sbr.abs _section_cstart, $3  }
0xc0: {  	[dreg:$0x1] =	wrdreg $0xFFFFFFFF  }
0xc1: {  	_ =	task.clear_ibuf [dreg:s6], $0x2FFFF;
	_ =	strace $0x9FFFFFFF  }
0xc2: {  	(tm) =	ssettm $0x7FFFFFFF  }
0xc3: {  	_ =	shalt  }
tec
execute0_lowered:
.L_overlay_start_1:
0x0: {  	(tag) =	ssettag $0x1  }
0x1: {  	s0 =	rddreg [dreg:$0x0]  }
0x2: {  	s2 =	rddreg [dreg:$0x1];
	s3 =	simm.s32 $0x0;
	s13 =	stileid.u32  }
0x3: {  	s5 =	srdreg.scid;
	s18 =	simm.s32 $0x80;
	s19 =	simm.s32 $0xA000  }
0x4: {  	s20 =	simm.s32 $0xB000;
	s28 =	simm.s32 $0x10000;
	s29 =	simm.s32 $0x11000  }
0x5: {  	s30 =	simm.s32 $0x1;
	s31 =	simm.s32 $0x2;
	s1 =	smul.u32 $0x5000, s13  }
0x6: {  	[smem:$0x7FF] =	sst s3;
	s4 =	smul.u32 $0xA00, s13;
	s8 =	sadd.s32 $0x9CC00, s0  }
0x7: {  	s5 =	sand.u32 $0x1, s5;
	s26 =	sshll.u32 s13, $0x6;
	s13 =	simm.s32 $0x5  }
0x8: {  	_ =	strace $0x80000047;
	s7 =	ssub.s32 $0x2, s5;
	s11 =	smul.u32 $0x13880, s5  }
0x9: {  	s10 =	sshllo.u32 s5, $0x1;
	s23 =	smul.u32 $0xA0000, s5;
	s15 =	sor.u32 $0x1C05, s26  }
0xa: {  	s26 =	simm.s32 $0x180;
	s6 =	sshrl.u32 s1, $0x3;
	s4 =	sadd.s32 s4, s0  }
0xb: {  	s9 =	sshrl.u32 s7, $0x1;
	s21 =	smul.u32 $0x9C40, s10;
	s24 =	sadd.s32 s1, s2  }
0xc: {  	s10 =	smul.u32 $0x50000, s10;
	s6 =	sadd.s32 s6, s0;
	s0 =	sadd.s32 $0x1E800, s0  }
0xd: {  	s12 =	ssub.s32 s7, s9;
	s22 =	sadd.s32 $0x800, s4;
	s4 =	sadd.s32 $0xA800, s4  }
0xe: {  	s14 =	sadd.s32 $0x50000, s24;
	s7 =	sadd.s32 s8, s11;
	s9 =	sadd.s32 $0x50000, s2  }
0xf: {  	s16 =	sshrl.u32 s24, $0x3;
	s24 =	simm.s32 $0xE000;
	[dreg:$0x3] =	wrdreg s22  }
0x10: {  	[dreg:$0x4] =	wrdreg s4;
	s6 =	sadd.s32 $0x14800, s6;
	s4 =	sadd.s32 s1, s23  }
0x11: {  	s8 =	sadd.s32 s8, s21;
	s1 =	sadd.s32 s1, s10;
	s25 =	smax.u32 s12, $0x1  }
.Ltmp0:
0x12: {  	s17 =	sshrl.u32 s14, $0x3;
	s21 =	simm.s32 $0xC000;
	(pc) =	sbr.rel .LBB2_1-.Ltmp0, $4  }
0x13: {  	s22 =	simm.s32 $0xD000;
	s14 =	simm.s32 $0x0;
	s4 =	sshrl.u32 s4, $0x3  }
0x14: {  	s1 =	sshrl.u32 s1, $0x3;
	[dreg:$0x7] =	wrdreg s25;
	s4 =	sadd.s32 s0, s4  }
0x15: {  	s25 =	simm.s32 $0xF000;
	s0 =	sadd.s32 s0, s1;
	[dreg:$0x5] =	wrdreg s4  }
0x16: {  	s1 =	simm.s32 $0x4;
	[dreg:$0x6] =	wrdreg s0;
	s0 =	simm.s32 $0x3  }
.LBB2_4:
0x17: {  	[bflag:$0x0] =	sbarrier.arrive $0xFFFF  }
0x18: {  	s4 =	rddreg [dreg:$0x5]  }
0x19: {  	[hbm:s4], [sflag:s15] =	dma.local [spmem:s16], $0xA00  }
0x1a: {  	_ =	swait.ge [sflag:s13], $0xA00  }
0x1b: {  	[sflag:s13] =	ssyncset.done $0x0  }
0x1c: {  	s12 =	rddreg [dreg:$0x6];
	[sflag:s13] =	ssyncadd.s32 $0xFFFFF600  }
0x1d: {  	[hbm:s12], [sflag:s15] =	dma.local [spmem:s17], $0xA00  }
0x1e: {  	_ =	swait.ge [sflag:s13], $0xA00  }
0x1f: {  	s14 =	sadd.s32 $0x1, s14;
	s23 =	rddreg [dreg:$0x7]  }
0x20: {  	p0 =	sne.s32 s14, s23  }
.Ltmp1:
0x21: {  	_ = 	snop;
	(pc) =	sbr.rel @!p0 .LBB2_5-.Ltmp1, $3  }
0x22: {  	_ =	sdelay $0x1  }
0x23: {  	[sflag:s13] =	ssyncset.done $0x0  }
0x24: {  	[sflag:s13] =	ssyncadd.s32 $0xFFFFF600  }
.LBB2_1:
0x25: {  	s4 =	rddreg [dreg:$0x3]  }
0x26: {  	[tilespmem:s3], [sflag:$0x5] =	stream.linear.gather [hbm4b:s4+s3], $0x5000, $0x38;
	[tilespmem:$0x1C000] =	vst v63  }
0x27: {  	_ =	swait.ge [sflag:s13], $0x5000  }
0x28: {  	[sflag:s13] =	ssyncset.done $0x0  }
0x29: {  	s5 =	simm.s32 $0x5000;
	s12 =	rddreg [dreg:$0x4];
	[sflag:s13] =	ssyncadd.s32 $0xFFFFB000  }
0x2a: {  	[tilespmem:s5], [sflag:$0x5] =	stream.linear.gather [hbm4b:s12+s3], $0x5000, $0x38;
	[tilespmem:$0x1C000] =	vst v63  }
0x2b: {  	_ =	swait.ge [sflag:s13], $0x5000  }
0x2c: {  	[sflag:s13] =	ssyncset.done $0x0  }
0x2d: {  	[sflag:s13] =	ssyncadd.s32 $0xFFFFB000  }
0x2e: {  	[spmem:s16], [sflag:s15] =	dma.local [hbm:s6], $0xA00  }
0x2f: {  	_ =	swait.ge [sflag:s13], $0xA00  }
0x30: {  	[sflag:s13] =	ssyncset.done $0x0  }
0x31: {  	[sflag:s13] =	ssyncadd.s32 $0xFFFFF600  }
0x32: {  	[spmem:s17], [sflag:s15] =	dma.local [hbm:s6], $0xA00  }
0x33: {  	_ =	swait.ge [sflag:s13], $0xA00  }
0x34: {  	[sflag:s13] =	ssyncset.done $0x0  }
0x35: {  	[sflag:s13] =	ssyncadd.s32 $0xFFFFF600  }
0x36: {  	[bflag:$0x0] =	sbarrier.arrive $0xFFFF  }
0x37: {  	[tilespmem:s19], [sflag:$0x1] =	stream.indirect.gather [hbm4b:s7+s18], $0x20, s3, s18, $0xb8;
	[tilespmem:$0x1C000] =	vst v63  }
0x38: {  	_ = 	snop  }
0x39: {  	[tilespmem:s20], [sflag:$0x1] =	stream.indirect.gather [hbm4b:s8+s18], $0x20, s3, s18, $0xb8;
	[tilespmem:$0x1C000] =	vst v63  }
0x3a: {  	_ = 	snop  }
0x3b: {  	[tilespmem:s21], [sflag:$0x2] =	stream.indirect.gather [hbm4b:s7+s18], $0x20, s18, s18, $0xb8;
	[tilespmem:$0x1C000] =	vst v63  }
0x3c: {  	_ = 	snop  }
0x3d: {  	[tilespmem:s22], [sflag:$0x2] =	stream.indirect.gather [hbm4b:s8+s18], $0x20, s18, s18, $0xb8;
	[tilespmem:$0x1C000] =	vst v63  }
0x3e: {  	s23 =	simm.s32 $0x100  }
0x3f: {  	[tilespmem:s24], [sflag:$0x3] =	stream.indirect.gather [hbm4b:s7+s18], $0x20, s23, s18, $0xb8;
	[tilespmem:$0x1C000] =	vst v63  }
0x40: {  	_ = 	snop  }
0x41: {  	[tilespmem:s25], [sflag:$0x3] =	stream.indirect.gather [hbm4b:s8+s18], $0x20, s23, s18, $0xb8;
	[tilespmem:$0x1C000] =	vst v63  }
0x42: {  	_ = 	snop  }
0x43: {  	[tilespmem:s28], [sflag:$0x4] =	stream.indirect.gather [hbm4b:s7+s18], $0x20, s26, s18, $0xb8;
	[tilespmem:$0x1C000] =	vst v63  }
0x44: {  	s4 =	simm.s32 $0x0  }
0x45: {  	[tilespmem:s29], [sflag:$0x4] =	stream.indirect.gather [hbm4b:s8+s18], $0x20, s26, s18, $0xb8;
	[tilespmem:$0x1C000] =	vst v63  }
.LBB2_2:
0x46: {  	_ =	swait.ge [sflag:s30], $0x1000  }
0x47: {  	[sflag:s30] =	ssyncset.done $0x0  }
0x48: {  	[sflag:s30] =	ssyncadd.s32 $0xFFFFF000  }
0x49: {  	_ =	swait.ge [sflag:s30], $0x1000  }
0x4a: {  	s5 =	sshra.s32 s4, $0x2;
	[sflag:s30] =	ssyncset.done $0x0  }
0x4b: {  	s10 =	sadd.s32 $0x5000, s5;
	[sflag:s30] =	ssyncadd.s32 $0xFFFFF000  }
0x4c: {  	[spmem:s2] =	stream.indirect.scatter.add.f32 [tilespmem:s19], [sflag:$0x5], $0x20, s10, s18, $0xb8;
	[tilespmem:$0x1C000] =	vst v63  }
0x4d: {  	_ =	swait.ge [sflag:s13], $0x1000  }
0x4e: {  	[sflag:s13] =	ssyncset.done $0x0  }
0x4f: {  	[sflag:s13] =	ssyncadd.s32 $0xFFFFF000  }
0x50: {  	[spmem:s9] =	stream.indirect.scatter.add.f32 [tilespmem:s20], [sflag:$0x5], $0x20, s10, s18, $0xb8;
	[tilespmem:$0x1C000] =	vst v63  }
0x51: {  	p0 =	seq.s32 s4, $0x13800;
	_ =	swait.ge [sflag:s13], $0x1000  }
0x52: {  	s12 =	simm.s32 @!p0 $0x80;
	s10 =	sshra.s32 @!p0 s4, $0x2;
	[sflag:s13] =	ssyncset.done $0x0  }
0x53: {  	s23 =	simm.s32 @!p0 $0xA000;
	s11 =	sadd.s32 @!p0 $0x200, s10;
	[sflag:s13] =	ssyncadd.s32 $0xFFFFF000  }
0x54: {  	[tilespmem:s23], [sflag:$0x1] =	stream.indirect.gather @!p0 [hbm4b:s7+s12], $0x20, s11, s12, $0xb8;
	[tilespmem:$0x1C000] =	vst v63  }
0x55: {  	s23 =	simm.s32 @!p0 $0xB000  }
0x56: {  	[tilespmem:s23], [sflag:$0x1] =	stream.indirect.gather @!p0 [hbm4b:s8+s12], $0x20, s11, s12, $0xb8;
	[tilespmem:$0x1C000] =	vst v63  }
0x57: {  	_ =	swait.ge [sflag:s31], $0x1000  }
0x58: {  	[sflag:s31] =	ssyncset.done $0x0  }
0x59: {  	[sflag:s31] =	ssyncadd.s32 $0xFFFFF000  }
0x5a: {  	_ =	swait.ge [sflag:s31], $0x1000  }
0x5b: {  	[sflag:s31] =	ssyncset.done $0x0  }
0x5c: {  	s23 =	sadd.s32 $0x5080, s5;
	[sflag:s31] =	ssyncadd.s32 $0xFFFFF000  }
0x5d: {  	[spmem:s2] =	stream.indirect.scatter.add.f32 [tilespmem:s21], [sflag:$0x5], $0x20, s23, s18, $0xb8;
	[tilespmem:$0x1C000] =	vst v63  }
0x5e: {  	_ =	swait.ge [sflag:s13], $0x1000  }
0x5f: {  	[sflag:s13] =	ssyncset.done $0x0  }
0x60: {  	[sflag:s13] =	ssyncadd.s32 $0xFFFFF000  }
0x61: {  	[spmem:s9] =	stream.indirect.scatter.add.f32 [tilespmem:s22], [sflag:$0x5], $0x20, s23, s18, $0xb8;
	[tilespmem:$0x1C000] =	vst v63  }
0x62: {  	_ =	swait.ge [sflag:s13], $0x1000  }
0x63: {  	[sflag:s13] =	ssyncset.done $0x0  }
0x64: {  	s11 =	sadd.s32 @!p0 $0x280, s10;
	s23 =	simm.s32 @!p0 $0xC000;
	[sflag:s13] =	ssyncadd.s32 $0xFFFFF000  }
0x65: {  	[tilespmem:s23], [sflag:$0x2] =	stream.indirect.gather @!p0 [hbm4b:s7+s12], $0x20, s11, s12, $0xb8;
	[tilespmem:$0x1C000] =	vst v63  }
0x66: {  	s23 =	simm.s32 @!p0 $0xD000  }
0x67: {  	[tilespmem:s23], [sflag:$0x2] =	stream.indirect.gather @!p0 [hbm4b:s8+s12], $0x20, s11, s12, $0xb8;
	[tilespmem:$0x1C000] =	vst v63  }
0x68: {  	_ =	swait.ge [sflag:s0], $0x1000  }
0x69: {  	[sflag:s0] =	ssyncset.done $0x0  }
0x6a: {  	[sflag:s0] =	ssyncadd.s32 $0xFFFFF000  }
0x6b: {  	_ =	swait.ge [sflag:s0], $0x1000  }
0x6c: {  	[sflag:s0] =	ssyncset.done $0x0  }
0x6d: {  	s23 =	sadd.s32 $0x5100, s5;
	[sflag:s0] =	ssyncadd.s32 $0xFFFFF000  }
0x6e: {  	[spmem:s2] =	stream.indirect.scatter.add.f32 [tilespmem:s24], [sflag:$0x5], $0x20, s23, s18, $0xb8;
	[tilespmem:$0x1C000] =	vst v63  }
0x6f: {  	_ =	swait.ge [sflag:s13], $0x1000  }
0x70: {  	[sflag:s13] =	ssyncset.done $0x0  }
0x71: {  	[sflag:s13] =	ssyncadd.s32 $0xFFFFF000  }
0x72: {  	[spmem:s9] =	stream.indirect.scatter.add.f32 [tilespmem:s25], [sflag:$0x5], $0x20, s23, s18, $0xb8;
	[tilespmem:$0x1C000] =	vst v63  }
0x73: {  	_ =	swait.ge [sflag:s13], $0x1000  }
0x74: {  	[sflag:s13] =	ssyncset.done $0x0  }
0x75: {  	s10 =	sadd.s32 @!p0 $0x300, s10;
	s11 =	simm.s32 @!p0 $0xE000;
	[sflag:s13] =	ssyncadd.s32 $0xFFFFF000  }
0x76: {  	[tilespmem:s11], [sflag:$0x3] =	stream.indirect.gather @!p0 [hbm4b:s7+s12], $0x20, s10, s12, $0xb8;
	[tilespmem:$0x1C000] =	vst v63  }
0x77: {  	s11 =	simm.s32 @!p0 $0xF000  }
0x78: {  	[tilespmem:s11], [sflag:$0x3] =	stream.indirect.gather @!p0 [hbm4b:s8+s12], $0x20, s10, s12, $0xb8;
	[tilespmem:$0x1C000] =	vst v63  }
0x79: {  	_ =	swait.ge [sflag:s1], $0x1000  }
0x7a: {  	[sflag:s1] =	ssyncset.done $0x0  }
0x7b: {  	[sflag:s1] =	ssyncadd.s32 $0xFFFFF000  }
0x7c: {  	_ =	swait.ge [sflag:s1], $0x1000  }
0x7d: {  	[sflag:s1] =	ssyncset.done $0x0  }
0x7e: {  	s23 =	sadd.s32 $0x5180, s5;
	[sflag:s1] =	ssyncadd.s32 $0xFFFFF000  }
0x7f: {  	[spmem:s2] =	stream.indirect.scatter.add.f32 [tilespmem:s28], [sflag:$0x5], $0x20, s23, s18, $0xb8;
	[tilespmem:$0x1C000] =	vst v63  }
0x80: {  	_ =	swait.ge [sflag:s13], $0x1000  }
0x81: {  	[sflag:s13] =	ssyncset.done $0x0  }
.Ltmp2:
0x82: {  	[sflag:s13] =	ssyncadd.s32 $0xFFFFF000;
	(pc) =	sbr.rel @p0 .LBB2_4-.Ltmp2, $4  }
0x83: {  	[spmem:s9] =	stream.indirect.scatter.add.f32 [tilespmem:s29], [sflag:$0x5], $0x20, s23, s18, $0xb8;
	[tilespmem:$0x1C000] =	vst v63  }
0x84: {  	_ =	swait.ge [sflag:s13], $0x1000  }
0x85: {  	[sflag:s13] =	ssyncset.done $0x0  }
0x86: {  	[sflag:s13] =	ssyncadd.s32 $0xFFFFF000  }
.Ltmp3:
0x87: {  	(pc) =	sbr.rel .LBB2_2-.Ltmp3, $4  }
0x88: {  	s5 =	sadd.s32 $0x380, s5  }
0x89: {  	[tilespmem:s28], [sflag:$0x4] =	stream.indirect.gather [hbm4b:s7+s18], $0x20, s5, s18, $0xb8;
	[tilespmem:$0x1C000] =	vst v63  }
0x8a: {  	s4 =	sadd.s32 $0x800, s4  }
0x8b: {  	[tilespmem:s29], [sflag:$0x4] =	stream.indirect.gather [hbm4b:s8+s18], $0x20, s5, s18, $0xb8;
	[tilespmem:$0x1C000] =	vst v63  }
.LBB2_5:
0x8c: {  	_ =	sfence.sel $0x180000  }
0x8d: {  	[bflag:$0x0] =	sbarrier.arrive $0xFFFF  }
0x8e: {  	_ =	strace $0x90000047  }
0x8f: {  	s0 =	stileid.u32;
	[bflag:$0x2] =	sbarrier.arrive $0xFFFF  }
0x90: {  	p0 =	sne.s32 s0, $0x0;
	s0 =	rddreg [dreg:$0x2]  }
0x91: {  	s0 =	sadd.s32 @!p0 $0x100000, s0  }
0x92: {  	[sflag:s0] =	ssyncadd.tile.s32 @!p0 $0x1;
	_ =	shalt  }
.Lfunc_end2:
_tile_overlayer_lowered:
.L_overlay_start_2:
0x93: {  	(tag) =	ssettag $0x2  }
0x94: {  	s0 =	rddreg [dreg:$0x0];
	s2 =	stileid.u32  }
0x95: {  	s1 =	rddreg [dreg:$0x1];
	p0 =	sne.s32 s2, $0x0  }
0x96: {  	s3 =	rddreg [dreg:$0x2];
	[bflag:$0x3] =	sbarrier.arrive $0xFFFF;
	s2 =	simm.s32 @!p0 $0x1C05  }
0x97: {  	[timem:s3], [sflag:s2] =	dma.local @!p0 [hbm:s0], s1  }
0x98: {  	s0 =	simm.s32 @!p0 $0x5  }
0x99: {  	_ =	swait.ge @!p0 [sflag:s0], s1  }
0x9a: {  	s1 =	ssub.s32 @!p0 $0x0, s1;
	[sflag:s0] =	ssyncset.done @!p0 $0x0  }
0x9b: {  	[sflag:s0] =	ssyncadd.s32 @!p0 s1  }
0x9c: {  	[bflag:$0x3] =	sbarrier.arrive $0xFFFF  }
0x9d: {  	_ =	shalt  }

</sc_bundles>
